<compile_context>
chip_gen: v7x
topology: tpu7x:2x2x1
jax: 0.10.2.dev20260603
libtpu: 0.0.44.dev20260713+nightly
codegen_flags: <defaults>
</compile_context>

<pallas_src>
import functools

import jax
import jax.numpy as jnp
from jax import lax
from jax.experimental import pallas as pl
from jax.experimental.pallas import tpu as pltpu
from jax.experimental.pallas import tpu_sc as plsc

N = 10000
D = 128
E = 320000
EPS = 1e-5
BLK = 1000

NC = 2
NS = 16
NW = NC * NS
EPW = E // NW
C = 128
NCH = 80
EPWP = NCH * C
NP = 10240
RPS = NP // NS

_SC_MESH = plsc.VectorSubcoreMesh(core_axis_name="c", subcore_axis_name="s")


def _fill(ref, nrows, value):
    def row(i, _):
        for k in range(8):
            ref[i, pl.ds(k * 16, 16)] = jnp.full((16,), value, jnp.float32)
        return 0

    lax.fori_loop(0, nrows, row, 0)


def _make_agg_body(with_deg):
    def body(*args):
        if with_deg:
            (x_hbm, src_hbm, dst_hbm, agg_hbm, deg_hbm,
             isrc0, isrc1, idst0, idst1, rows0, rows1, ones1, zbuf1,
             agg_sh, deg_sh, ss0, ss1, sd0, sd1, sr0, sr1) = args
        else:
            (x_hbm, src_hbm, dst_hbm, agg_hbm,
             isrc0, isrc1, idst0, idst1, rows0, rows1, agg_sh,
             ss0, ss1, sd0, sd1, sr0, sr1) = args
        core = lax.axis_index("c")
        sub = lax.axis_index("s")
        w = core * NS + sub

        isrc = (isrc0, isrc1)
        idst = (idst0, idst1)
        rows = (rows0, rows1)
        ssem = (ss0, ss1)
        dsem = (sd0, sd1)
        rsem = (sr0, sr1)

        _fill(rows0, C, 0.0)
        if with_deg:
            def fl(i, _):
                ones1[pl.ds(i * 16, 16)] = jnp.ones((16,), jnp.float32)
                zs = jnp.zeros((16,), jnp.float32)
                for k in range(RPS // C):
                    zbuf1[pl.ds((k * 8 + i) * 16, 16)] = zs
                return 0

            lax.fori_loop(0, 8, fl, 0)
            pltpu.sync_copy(zbuf1, deg_sh.at[pl.ds(sub * RPS, RPS)])
        for j in range(RPS // C):
            pltpu.sync_copy(rows0, agg_sh.at[pl.ds(sub * RPS + j * C, C)])
        plsc.subcore_barrier()

        for b in range(2):
            pltpu.make_async_copy(dst_hbm.at[w, b], idst[b], dsem[b]).start()
            cp = pltpu.make_async_copy(src_hbm.at[w, b], isrc[b], ssem[b])
            cp.start()
            cp.wait()
            pltpu.make_async_copy(x_hbm.at[isrc[b]], rows[b], rsem[b]).start()

        def step(g, _):
            for b in range(2):
                j = 2 * g + b
                pltpu.make_async_copy(dst_hbm.at[w, j], idst[b], dsem[b]).wait()
                nxt = j + 2
                if with_deg:
                    pltpu.sync_copy(ones1, deg_sh.at[idst[b]], add=True)
                pltpu.make_async_copy(
                    x_hbm.at[isrc[b]], rows[b], rsem[b]).wait()

                @pl.when(nxt < NCH)
                def _():
                    pltpu.make_async_copy(
                        src_hbm.at[w, nxt], isrc[b], ssem[b]).start()

                pltpu.sync_copy(rows[b], agg_sh.at[idst[b]], add=True)

                @pl.when(nxt < NCH)
                def _():
                    pltpu.make_async_copy(
                        src_hbm.at[w, nxt], isrc[b], ssem[b]).wait()
                    pltpu.make_async_copy(
                        x_hbm.at[isrc[b]], rows[b], rsem[b]).start()
                    pltpu.make_async_copy(
                        dst_hbm.at[w, nxt], idst[b], dsem[b]).start()
            return 0

        lax.fori_loop(0, NCH // 2, step, 0)
        plsc.subcore_barrier()

        if with_deg:
            pltpu.sync_copy(deg_sh.at[pl.ds(sub * RPS, RPS)], zbuf1)
            pltpu.sync_copy(zbuf1, deg_hbm.at[core, pl.ds(sub * RPS, RPS)])
        for j in range(RPS // C):
            buf = rows[j % 2]
            pltpu.sync_copy(agg_sh.at[pl.ds(sub * RPS + j * C, C)], buf)
            pltpu.sync_copy(buf, agg_hbm.at[core, pl.ds(sub * RPS + j * C, C)])

    return body


_IDX_ROWS_SCRATCH = [
    pltpu.VMEM((C,), jnp.int32),
    pltpu.VMEM((C,), jnp.int32),
    pltpu.VMEM((C,), jnp.int32),
    pltpu.VMEM((C,), jnp.int32),
    pltpu.VMEM((C, D), jnp.float32),
    pltpu.VMEM((C, D), jnp.float32),
]
_SEM_SCRATCH = [pltpu.SemaphoreType.DMA] * 6

_SC_COST = pl.CostEstimate(flops=0, transcendentals=0,
                           bytes_accessed=2 * EPWP * NW * D * 4)


def _sc_aggregate(x, src3d, dst3d):
    return pl.kernel(
        _make_agg_body(False),
        out_type=jax.ShapeDtypeStruct((NC, NP, D), jnp.float32),
        mesh=_SC_MESH,
        scratch_types=(_IDX_ROWS_SCRATCH
                       + [pltpu.VMEM_SHARED((NP, D), jnp.float32)]
                       + _SEM_SCRATCH),
        cost_estimate=_SC_COST,
    )(x, src3d, dst3d)


def _sc_aggregate_deg(x, src3d, dst3d):
    return pl.kernel(
        _make_agg_body(True),
        out_type=[jax.ShapeDtypeStruct((NC, NP, D), jnp.float32),
                  jax.ShapeDtypeStruct((NC, NP), jnp.float32)],
        mesh=_SC_MESH,
        scratch_types=(_IDX_ROWS_SCRATCH
                       + [pltpu.VMEM((C,), jnp.float32),
                          pltpu.VMEM((RPS,), jnp.float32),
                          pltpu.VMEM_SHARED((NP, D), jnp.float32),
                          pltpu.VMEM_SHARED((NP,), jnp.float32)]
                       + _SEM_SCRATCH),
        cost_estimate=_SC_COST,
    )(x, src3d, dst3d)


def _xr_body(x_ref, wr_ref, b_ref, o_ref):
    o_ref[...] = jnp.dot(x_ref[...], wr_ref[...],
                         preferred_element_type=jnp.float32) + b_ref[...]


def _xr_stage(x, wr_t, b):
    grid = N // BLK
    return pl.pallas_call(
        _xr_body,
        grid=(grid,),
        in_specs=[
            pl.BlockSpec((BLK, D), lambda i: (i, 0)),
            pl.BlockSpec((D, D), lambda i: (0, 0)),
            pl.BlockSpec((1, D), lambda i: (0, 0)),
        ],
        out_specs=pl.BlockSpec((BLK, D), lambda i: (i, 0)),
        out_shape=jax.ShapeDtypeStruct((N, D), jnp.float32),
    )(x, wr_t, b)


def _dense_body(agg_ref, deg_ref, xr_ref, wl_ref,
                h_ref, stats_ref, *, with_stats):
    aggsum = agg_ref[0] + agg_ref[1]
    inv = 1.0 / jnp.maximum(deg_ref[:, 0:1], 1.0)
    h = (jnp.dot(aggsum * inv, wl_ref[...], preferred_element_type=jnp.float32)
         + xr_ref[...])
    h_ref[...] = h
    if with_stats:
        s = jnp.sum(h, axis=0, keepdims=True)
        s2 = jnp.sum(h * h, axis=0, keepdims=True)
        st = jnp.concatenate([s, s2], axis=0)

        @pl.when(pl.program_id(0) == 0)
        def _():
            stats_ref[...] = jnp.zeros_like(stats_ref)

        stats_ref[...] += st


def _dense_stage(agg2, deg2, xr, wl_t, with_stats):
    grid = N // BLK
    out_shapes = [jax.ShapeDtypeStruct((N, D), jnp.float32)]
    out_specs = [pl.BlockSpec((BLK, D), lambda i: (i, 0))]
    if with_stats:
        out_shapes.append(jax.ShapeDtypeStruct((2, D), jnp.float32))
        out_specs.append(pl.BlockSpec((2, D), lambda i: (0, 0)))
    else:
        out_shapes.append(jax.ShapeDtypeStruct((1, 1), jnp.float32))
        out_specs.append(pl.BlockSpec((1, 1), lambda i: (0, 0)))
    body = functools.partial(_dense_body, with_stats=with_stats)
    res = pl.pallas_call(
        body,
        grid=(grid,),
        in_specs=[
            pl.BlockSpec((2, BLK, D), lambda i: (0, i, 0)),
            pl.BlockSpec((BLK, 16), lambda i: (i, 0)),
            pl.BlockSpec((BLK, D), lambda i: (i, 0)),
            pl.BlockSpec((D, D), lambda i: (0, 0)),
        ],
        out_specs=out_specs,
        out_shape=out_shapes,
    )(agg2, deg2, xr, wl_t)
    return res


def _bn_relu_body(h_ref, scale_ref, shift_ref, o_ref):
    o_ref[...] = jnp.maximum(h_ref[...] * scale_ref[...] + shift_ref[...], 0.0)


def _bn_relu(h, scale, shift):
    grid = N // BLK
    return pl.pallas_call(
        _bn_relu_body,
        grid=(grid,),
        in_specs=[
            pl.BlockSpec((BLK, D), lambda i: (i, 0)),
            pl.BlockSpec((1, D), lambda i: (0, 0)),
            pl.BlockSpec((1, D), lambda i: (0, 0)),
        ],
        out_specs=pl.BlockSpec((BLK, D), lambda i: (i, 0)),
        out_shape=jax.ShapeDtypeStruct((N, D), jnp.float32),
    )(h, scale, shift)


def kernel(x, edge_index, W_l0, b_l0, W_r0, g0, be0,
           W_l1, b_l1, W_r1, g1, be1, W_l2, b_l2, W_r2):
    npad = EPWP - EPW
    src_w = edge_index[0].reshape(NW, EPW)
    dst_w = edge_index[1].reshape(NW, EPW)
    pad_src = jnp.broadcast_to(jnp.arange(npad, dtype=jnp.int32) % N,
                               (NW, npad))
    pad_dst = jnp.broadcast_to(N + (jnp.arange(npad, dtype=jnp.int32)
                                    % (NP - N)), (NW, npad))
    src3d = jnp.concatenate([src_w, pad_src], 1).reshape(NW, NCH, C)
    dst3d = jnp.concatenate([dst_w, pad_dst], 1).reshape(NW, NCH, C)

    h = x
    deg16 = None
    params = [(W_l0, b_l0, W_r0, g0, be0), (W_l1, b_l1, W_r1, g1, be1),
              (W_l2, b_l2, W_r2, None, None)]
    for li, (W_l, b_l, W_r, g, be) in enumerate(params):
        xr = _xr_stage(h, W_r.T, b_l.reshape(1, D))
        if li == 0:
            agg2, deg2 = _sc_aggregate_deg(h, src3d, dst3d)
            deg16 = jnp.broadcast_to((deg2[0] + deg2[1])[:, None], (NP, 16))
        else:
            agg2 = _sc_aggregate(h, src3d, dst3d)
        with_stats = li < 2
        h, stats = _dense_stage(agg2, deg16, xr, W_l.T, with_stats)
        if with_stats:
            mean = stats[0] / N
            var = stats[1] / N - mean * mean
            scale = g * jax.lax.rsqrt(var + EPS)
            shift = be - mean * scale
            h = _bn_relu(h, scale.reshape(1, D), shift.reshape(1, D))
    return h

# --- scband reference (transcript-rebuilt; emitter-appended) ---
"""Pipeline reference for scband-radapt-graph-sage-11965778887223 (READ-ONLY COPY).

The authoritative reference and input builder live on the scoring server;
editing this copy changes nothing except your own understanding.
"""

import jax, jax.numpy as jnp
import numpy as np

N = 10000
E = 320000
D_IN = 128
D_HID = 128
D_OUT = 128
EPS = 1e-5


def setup_inputs(seed: int = 0) -> dict:
    key = jax.random.key(seed)
    ks = jax.random.split(key, 20)
    s_in = 1.0 / np.sqrt(D_IN)
    s_hid = 1.0 / np.sqrt(D_HID)
    inp = {}
    inp["x"] = jax.random.normal(ks[0], (N, D_IN), dtype=jnp.float32)
    inp["edge_index"] = jax.random.randint(ks[1], (2, E), 0, N, dtype=jnp.int32)
    # layer 0: SAGEConv(D_IN -> D_HID)
    inp["W_l0"] = jax.random.normal(ks[2], (D_HID, D_IN), dtype=jnp.float32) * s_in
    inp["b_l0"] = jnp.zeros((D_HID,), dtype=jnp.float32)
    inp["W_r0"] = jax.random.normal(ks[3], (D_HID, D_IN), dtype=jnp.float32) * s_in
    inp["g0"] = jnp.ones((D_HID,), dtype=jnp.float32)
    inp["be0"] = jnp.zeros((D_HID,), dtype=jnp.float32)
    # layer 1: SAGEConv(D_HID -> D_HID)
    inp["W_l1"] = jax.random.normal(ks[4], (D_HID, D_HID), dtype=jnp.float32) * s_hid
    inp["b_l1"] = jnp.zeros((D_HID,), dtype=jnp.float32)
    inp["W_r1"] = jax.random.normal(ks[5], (D_HID, D_HID), dtype=jnp.float32) * s_hid
    inp["g1"] = jnp.ones((D_HID,), dtype=jnp.float32)
    inp["be1"] = jnp.zeros((D_HID,), dtype=jnp.float32)
    # layer 2: SAGEConv(D_HID -> D_OUT)
    inp["W_l2"] = jax.random.normal(ks[6], (D_OUT, D_HID), dtype=jnp.float32) * s_hid
    inp["b_l2"] = jnp.zeros((D_OUT,), dtype=jnp.float32)
    inp["W_r2"] = jax.random.normal(ks[7], (D_OUT, D_HID), dtype=jnp.float32) * s_hid
    return inp


def _sage_conv(x, edge_index, W_l, b_l, W_r):
    # PyG SAGEConv (aggr='mean'): out = lin_l(mean_j x_j) + lin_r(x_root)
    src = edge_index[0]
    dst = edge_index[1]
    msg = jnp.take(x, src, axis=0)                                   # gather (SparseCore)
    agg = jax.ops.segment_sum(msg, dst, num_segments=N)               # scatter-add
    deg = jax.ops.segment_sum(jnp.ones((edge_index.shape[1],), x.dtype), dst, num_segments=N)
    agg = agg / jnp.clip(deg, 1.0)[:, None]                           # mean aggregation
    return agg @ W_l.T + b_l + x @ W_r.T


def _batch_norm(x, gamma, beta):
    mean = jnp.mean(x, axis=0)
    var = jnp.var(x, axis=0)
    xn = (x - mean) / jnp.sqrt(var + EPS)
    return xn * gamma + beta


def reference(x, edge_index, W_l0, b_l0, W_r0, g0, be0, W_l1, b_l1, W_r1, g1, be1, W_l2, b_l2, W_r2):
    # layer 0
    h = _sage_conv(x, edge_index, W_l0, b_l0, W_r0)
    h = _batch_norm(h, g0, be0)
    h = jax.nn.relu(h)
    # dropout omitted (deterministic reference / eval behavior)
    # layer 1
    h = _sage_conv(h, edge_index, W_l1, b_l1, W_r1)
    h = _batch_norm(h, g1, be1)
    h = jax.nn.relu(h)
    # layer 2 (no bn/relu)
    h = _sage_conv(h, edge_index, W_l2, b_l2, W_r2)
    return h


if False:  # reference __main__ guard neutralized (emitter)
    out = reference(**setup_inputs())
    print(out.shape, out.dtype)

if __name__ == "__main__":
    import jax
    _d = setup_inputs()
    print(jax.jit(kernel)(*tuple(_d.values())))

</pallas_src>

<mosaic_0001>
#map = affine_map<(d0, d1) -> (0, 0)>
#map1 = affine_map<(d0, d1) -> (0, 0, 0)>
module attributes {stable_mosaic.version = 14 : i64} {
  func.func @body(%arg0: i32, %arg1: i32, %arg2: memref<10000x128xf32, #tpu.memory_space<hbm>>, %arg3: memref<32x80x128xi32, #tpu.memory_space<hbm>>, %arg4: memref<32x80x128xi32, #tpu.memory_space<hbm>>, %arg5: memref<2x10240x128xf32, #tpu.memory_space<hbm>>, %arg6: memref<128xi32, #tpu.memory_space<vmem>>, %arg7: memref<128xi32, #tpu.memory_space<vmem>>, %arg8: memref<128xi32, #tpu.memory_space<vmem>>, %arg9: memref<128xi32, #tpu.memory_space<vmem>>, %arg10: memref<128x128xf32, #tpu.memory_space<vmem>>, %arg11: memref<128x128xf32, #tpu.memory_space<vmem>>, %arg12: memref<10240x128xf32, #tpu.memory_space<vmem_shared>>, %arg13: memref<!tpu.dma_semaphore, #tpu.memory_space<semaphore_mem>>, %arg14: memref<!tpu.dma_semaphore, #tpu.memory_space<semaphore_mem>>, %arg15: memref<!tpu.dma_semaphore, #tpu.memory_space<semaphore_mem>>, %arg16: memref<!tpu.dma_semaphore, #tpu.memory_space<semaphore_mem>>, %arg17: memref<!tpu.dma_semaphore, #tpu.memory_space<semaphore_mem>>, %arg18: memref<!tpu.dma_semaphore, #tpu.memory_space<semaphore_mem>>) attributes {dimension_semantics = [#tpu.dimension_semantics<core_parallel>, #tpu.dimension_semantics<subcore_parallel>], iteration_bounds = array<i64: 2, 16>, scalar_prefetch = 0 : i64, scratch_operands = 13 : i64, tpu.core_type = #tpu.core_type<sc_vector_subcore>, window_params = [{transform_indices = #map}, {transform_indices = #map1}, {transform_indices = #map1}, {transform_indices = #map1}]} {
    %mul3A = arith.constant 16 : i32
    %mul3A_0 = arith.muli %arg0, %mul3A : i32
    %add3A = arith.addi %mul3A_0, %arg1 : i32
    %scan3A = arith.constant 0 : i32
    %scan3A_1 = arith.constant 0 : i32
    %scan3A_2 = arith.constant 128 : i32
    %scan3A_3 = arith.addi %scan3A_1, %scan3A_2 : i32
    %scan3A_4 = arith.constant 1 : i32
    %scan3A_5 = scf.for %scan3A_121 = %scan3A_1 to %scan3A_3 step %scan3A_4 iter_args(%scan3A_122 = %scan3A) -> (i32)  : i32 {
      %broadcast_in_dim3A = arith.constant 0.000000e+00 : f32
      %broadcast_in_dim3A_123 = vector.broadcast %broadcast_in_dim3A : f32 to vector<16xf32>
      %swap3A = arith.index_cast %scan3A_121 : i32 to index
      %swap3A_124 = arith.constant 0 : index
      %swap3A_125 = tpu.vector_load %arg10[%swap3A, %swap3A_124] {strides = array<i32>} : memref<128x128xf32, #tpu.memory_space<vmem>>, vector<1x16xf32>,
      %swap3A_126 = vector.shape_cast %swap3A_125 : vector<1x16xf32> to vector<16xf32>
      %swap3A_127 = vector.shape_cast %broadcast_in_dim3A_123 : vector<16xf32> to vector<1x16xf32>
      tpu.vector_store %arg10[%swap3A, %swap3A_124], %swap3A_127 {strides = array<i32>} : memref<128x128xf32, #tpu.memory_space<vmem>>, vector<1x16xf32>,
      %broadcast_in_dim3A_128 = arith.constant 0.000000e+00 : f32
      %broadcast_in_dim3A_129 = vector.broadcast %broadcast_in_dim3A_128 : f32 to vector<16xf32>
      %swap3A_130 = arith.index_cast %scan3A_121 : i32 to index
      %swap3A_131 = arith.constant 16 : index
      %swap3A_132 = tpu.vector_load %arg10[%swap3A_130, %swap3A_131] {strides = array<i32>} : memref<128x128xf32, #tpu.memory_space<vmem>>, vector<1x16xf32>,
      %swap3A_133 = vector.shape_cast %swap3A_132 : vector<1x16xf32> to vector<16xf32>
      %swap3A_134 = vector.shape_cast %broadcast_in_dim3A_129 : vector<16xf32> to vector<1x16xf32>
      tpu.vector_store %arg10[%swap3A_130, %swap3A_131], %swap3A_134 {strides = array<i32>} : memref<128x128xf32, #tpu.memory_space<vmem>>, vector<1x16xf32>,
      %broadcast_in_dim3A_135 = arith.constant 0.000000e+00 : f32
      %broadcast_in_dim3A_136 = vector.broadcast %broadcast_in_dim3A_135 : f32 to vector<16xf32>
      %swap3A_137 = arith.index_cast %scan3A_121 : i32 to index
      %swap3A_138 = arith.constant 32 : index
      %swap3A_139 = tpu.vector_load %arg10[%swap3A_137, %swap3A_138] {strides = array<i32>} : memref<128x128xf32, #tpu.memory_space<vmem>>, vector<1x16xf32>,
      %swap3A_140 = vector.shape_cast %swap3A_139 : vector<1x16xf32> to vector<16xf32>
      %swap3A_141 = vector.shape_cast %broadcast_in_dim3A_136 : vector<16xf32> to vector<1x16xf32>
      tpu.vector_store %arg10[%swap3A_137, %swap3A_138], %swap3A_141 {strides = array<i32>} : memref<128x128xf32, #tpu.memory_space<vmem>>, vector<1x16xf32>,
      %broadcast_in_dim3A_142 = arith.constant 0.000000e+00 : f32
      %broadcast_in_dim3A_143 = vector.broadcast %broadcast_in_dim3A_142 : f32 to vector<16xf32>
      %swap3A_144 = arith.index_cast %scan3A_121 : i32 to index
      %swap3A_145 = arith.constant 48 : index
      %swap3A_146 = tpu.vector_load %arg10[%swap3A_144, %swap3A_145] {strides = array<i32>} : memref<128x128xf32, #tpu.memory_space<vmem>>, vector<1x16xf32>,
      %swap3A_147 = vector.shape_cast %swap3A_146 : vector<1x16xf32> to vector<16xf32>
      %swap3A_148 = vector.shape_cast %broadcast_in_dim3A_143 : vector<16xf32> to vector<1x16xf32>
      tpu.vector_store %arg10[%swap3A_144, %swap3A_145], %swap3A_148 {strides = array<i32>} : memref<128x128xf32, #tpu.memory_space<vmem>>, vector<1x16xf32>,
      %broadcast_in_dim3A_149 = arith.constant 0.000000e+00 : f32
      %broadcast_in_dim3A_150 = vector.broadcast %broadcast_in_dim3A_149 : f32 to vector<16xf32>
      %swap3A_151 = arith.index_cast %scan3A_121 : i32 to index
      %swap3A_152 = arith.constant 64 : index
      %swap3A_153 = tpu.vector_load %arg10[%swap3A_151, %swap3A_152] {strides = array<i32>} : memref<128x128xf32, #tpu.memory_space<vmem>>, vector<1x16xf32>,
      %swap3A_154 = vector.shape_cast %swap3A_153 : vector<1x16xf32> to vector<16xf32>
      %swap3A_155 = vector.shape_cast %broadcast_in_dim3A_150 : vector<16xf32> to vector<1x16xf32>
      tpu.vector_store %arg10[%swap3A_151, %swap3A_152], %swap3A_155 {strides = array<i32>} : memref<128x128xf32, #tpu.memory_space<vmem>>, vector<1x16xf32>,
      %broadcast_in_dim3A_156 = arith.constant 0.000000e+00 : f32
      %broadcast_in_dim3A_157 = vector.broadcast %broadcast_in_dim3A_156 : f32 to vector<16xf32>
      %swap3A_158 = arith.index_cast %scan3A_121 : i32 to index
      %swap3A_159 = arith.constant 80 : index
      %swap3A_160 = tpu.vector_load %arg10[%swap3A_158, %swap3A_159] {strides = array<i32>} : memref<128x128xf32, #tpu.memory_space<vmem>>, vector<1x16xf32>,
      %swap3A_161 = vector.shape_cast %swap3A_160 : vector<1x16xf32> to vector<16xf32>
      %swap3A_162 = vector.shape_cast %broadcast_in_dim3A_157 : vector<16xf32> to vector<1x16xf32>
      tpu.vector_store %arg10[%swap3A_158, %swap3A_159], %swap3A_162 {strides = array<i32>} : memref<128x128xf32, #tpu.memory_space<vmem>>, vector<1x16xf32>,
      %broadcast_in_dim3A_163 = arith.constant 0.000000e+00 : f32
      %broadcast_in_dim3A_164 = vector.broadcast %broadcast_in_dim3A_163 : f32 to vector<16xf32>
      %swap3A_165 = arith.index_cast %scan3A_121 : i32 to index
      %swap3A_166 = arith.constant 96 : index
      %swap3A_167 = tpu.vector_load %arg10[%swap3A_165, %swap3A_166] {strides = array<i32>} : memref<128x128xf32, #tpu.memory_space<vmem>>, vector<1x16xf32>,
      %swap3A_168 = vector.shape_cast %swap3A_167 : vector<1x16xf32> to vector<16xf32>
      %swap3A_169 = vector.shape_cast %broadcast_in_dim3A_164 : vector<16xf32> to vector<1x16xf32>
      tpu.vector_store %arg10[%swap3A_165, %swap3A_166], %swap3A_169 {strides = array<i32>} : memref<128x128xf32, #tpu.memory_space<vmem>>, vector<1x16xf32>,
      %broadcast_in_dim3A_170 = arith.constant 0.000000e+00 : f32
      %broadcast_in_dim3A_171 = vector.broadcast %broadcast_in_dim3A_170 : f32 to vector<16xf32>
      %swap3A_172 = arith.index_cast %scan3A_121 : i32 to index
      %swap3A_173 = arith.constant 112 : index
      %swap3A_174 = tpu.vector_load %arg10[%swap3A_172, %swap3A_173] {strides = array<i32>} : memref<128x128xf32, #tpu.memory_space<vmem>>, vector<1x16xf32>,
      %swap3A_175 = vector.shape_cast %swap3A_174 : vector<1x16xf32> to vector<16xf32>
      %swap3A_176 = vector.shape_cast %broadcast_in_dim3A_171 : vector<16xf32> to vector<1x16xf32>
      tpu.vector_store %arg10[%swap3A_172, %swap3A_173], %swap3A_176 {strides = array<i32>} : memref<128x128xf32, #tpu.memory_space<vmem>>, vector<1x16xf32>,
      %scan3A_177 = arith.constant 0 : i32
      scf.yield %scan3A_177 : i32
    }
    %scan3A_6 = arith.constant 128 : i32
    %mul3A_7 = arith.constant 640 : i32
    %mul3A_8 = arith.muli %arg1, %mul3A_7 : i32
    %add3A_9 = arith.constant 0 : i32
    %add3A_10 = arith.addi %mul3A_8, %add3A_9 : i32
    "tpu.region"() ({
      %run_scoped3A = tpu.sem_alloc : memref<!tpu.dma_semaphore, #tpu.memory_space<semaphore_mem>>
      %dma_start3A_121 = arith.constant 0 : i32
      %dma_start3A_122 = tpu.memref_slice %arg12[%add3A_10, %dma_start3A_121] : memref<10240x128xf32, #tpu.memory_space<vmem_shared>> -> memref<128x128xf32, #tpu.memory_space<vmem_shared>>
      %dma_start3A_123 = arith.constant 0 : i32
      %dma_start3A_124 = tpu.memref_slice %arg12[%add3A_10, %dma_start3A_123] : memref<10240x128xf32, #tpu.memory_space<vmem_shared>> -> memref<128x128xf32, #tpu.memory_space<vmem_shared>>
      tpu.enqueue_dma source(%arg10 : memref<128x128xf32, #tpu.memory_space<vmem>>) target(%dma_start3A_124 : memref<128x128xf32, #tpu.memory_space<vmem_shared>>) target_semaphore(%run_scoped3A : memref<!tpu.dma_semaphore, #tpu.memory_space<semaphore_mem>>)
      %dma_wait3A_125 = arith.constant 0 : i32
      %dma_wait3A_126 = tpu.memref_slice %arg12[%add3A_10, %dma_wait3A_125] : memref<10240x128xf32, #tpu.memory_space<vmem_shared>> -> memref<128x128xf32, #tpu.memory_space<vmem_shared>>
      %dma_wait3A_127 = arith.constant 0 : i32
      %dma_wait3A_128 = tpu.memref_slice %arg12[%add3A_10, %dma_wait3A_127] : memref<10240x128xf32, #tpu.memory_space<vmem_shared>> -> memref<128x128xf32, #tpu.memory_space<vmem_shared>>
      tpu.wait_dma2 semaphore(%run_scoped3A : memref<!tpu.dma_semaphore, #tpu.memory_space<semaphore_mem>>) src(%arg10 : memref<128x128xf32, #tpu.memory_space<vmem>>) dst(%dma_wait3A_128 : memref<128x128xf32, #tpu.memory_space<vmem_shared>>)
      tpu.yield
    }) : () -> ()
    %mul3A_11 = arith.constant 640 : i32
    %mul3A_12 = arith.muli %arg1, %mul3A_11 : i32
    %add3A_13 = arith.constant 128 : i32
    %add3A_14 = arith.addi %mul3A_12, %add3A_13 : i32
    "tpu.region"() ({
      %run_scoped3A = tpu.sem_alloc : memref<!tpu.dma_semaphore, #tpu.memory_space<semaphore_mem>>
      %dma_start3A_121 = arith.constant 0 : i32
      %dma_start3A_122 = tpu.memref_slice %arg12[%add3A_14, %dma_start3A_121] : memref<10240x128xf32, #tpu.memory_space<vmem_shared>> -> memref<128x128xf32, #tpu.memory_space<vmem_shared>>
      %dma_start3A_123 = arith.constant 0 : i32
      %dma_start3A_124 = tpu.memref_slice %arg12[%add3A_14, %dma_start3A_123] : memref<10240x128xf32, #tpu.memory_space<vmem_shared>> -> memref<128x128xf32, #tpu.memory_space<vmem_shared>>
      tpu.enqueue_dma source(%arg10 : memref<128x128xf32, #tpu.memory_space<vmem>>) target(%dma_start3A_124 : memref<128x128xf32, #tpu.memory_space<vmem_shared>>) target_semaphore(%run_scoped3A : memref<!tpu.dma_semaphore, #tpu.memory_space<semaphore_mem>>)
      %dma_wait3A_125 = arith.constant 0 : i32
      %dma_wait3A_126 = tpu.memref_slice %arg12[%add3A_14, %dma_wait3A_125] : memref<10240x128xf32, #tpu.memory_space<vmem_shared>> -> memref<128x128xf32, #tpu.memory_space<vmem_shared>>
      %dma_wait3A_127 = arith.constant 0 : i32
      %dma_wait3A_128 = tpu.memref_slice %arg12[%add3A_14, %dma_wait3A_127] : memref<10240x128xf32, #tpu.memory_space<vmem_shared>> -> memref<128x128xf32, #tpu.memory_space<vmem_shared>>
      tpu.wait_dma2 semaphore(%run_scoped3A : memref<!tpu.dma_semaphore, #tpu.memory_space<semaphore_mem>>) src(%arg10 : memref<128x128xf32, #tpu.memory_space<vmem>>) dst(%dma_wait3A_128 : memref<128x128xf32, #tpu.memory_space<vmem_shared>>)
      tpu.yield
    }) : () -> ()
    %mul3A_15 = arith.constant 640 : i32
    %mul3A_16 = arith.muli %arg1, %mul3A_15 : i32
    %add3A_17 = arith.constant 256 : i32
    %add3A_18 = arith.addi %mul3A_16, %add3A_17 : i32
    "tpu.region"() ({
      %run_scoped3A = tpu.sem_alloc : memref<!tpu.dma_semaphore, #tpu.memory_space<semaphore_mem>>
      %dma_start3A_121 = arith.constant 0 : i32
      %dma_start3A_122 = tpu.memref_slice %arg12[%add3A_18, %dma_start3A_121] : memref<10240x128xf32, #tpu.memory_space<vmem_shared>> -> memref<128x128xf32, #tpu.memory_space<vmem_shared>>
      %dma_start3A_123 = arith.constant 0 : i32
      %dma_start3A_124 = tpu.memref_slice %arg12[%add3A_18, %dma_start3A_123] : memref<10240x128xf32, #tpu.memory_space<vmem_shared>> -> memref<128x128xf32, #tpu.memory_space<vmem_shared>>
      tpu.enqueue_dma source(%arg10 : memref<128x128xf32, #tpu.memory_space<vmem>>) target(%dma_start3A_124 : memref<128x128xf32, #tpu.memory_space<vmem_shared>>) target_semaphore(%run_scoped3A : memref<!tpu.dma_semaphore, #tpu.memory_space<semaphore_mem>>)
      %dma_wait3A_125 = arith.constant 0 : i32
      %dma_wait3A_126 = tpu.memref_slice %arg12[%add3A_18, %dma_wait3A_125] : memref<10240x128xf32, #tpu.memory_space<vmem_shared>> -> memref<128x128xf32, #tpu.memory_space<vmem_shared>>
      %dma_wait3A_127 = arith.constant 0 : i32
      %dma_wait3A_128 = tpu.memref_slice %arg12[%add3A_18, %dma_wait3A_127] : memref<10240x128xf32, #tpu.memory_space<vmem_shared>> -> memref<128x128xf32, #tpu.memory_space<vmem_shared>>
      tpu.wait_dma2 semaphore(%run_scoped3A : memref<!tpu.dma_semaphore, #tpu.memory_space<semaphore_mem>>) src(%arg10 : memref<128x128xf32, #tpu.memory_space<vmem>>) dst(%dma_wait3A_128 : memref<128x128xf32, #tpu.memory_space<vmem_shared>>)
      tpu.yield
    }) : () -> ()
    %mul3A_19 = arith.constant 640 : i32
    %mul3A_20 = arith.muli %arg1, %mul3A_19 : i32
    %add3A_21 = arith.constant 384 : i32
    %add3A_22 = arith.addi %mul3A_20, %add3A_21 : i32
    "tpu.region"() ({
      %run_scoped3A = tpu.sem_alloc : memref<!tpu.dma_semaphore, #tpu.memory_space<semaphore_mem>>
      %dma_start3A_121 = arith.constant 0 : i32
      %dma_start3A_122 = tpu.memref_slice %arg12[%add3A_22, %dma_start3A_121] : memref<10240x128xf32, #tpu.memory_space<vmem_shared>> -> memref<128x128xf32, #tpu.memory_space<vmem_shared>>
      %dma_start3A_123 = arith.constant 0 : i32
      %dma_start3A_124 = tpu.memref_slice %arg12[%add3A_22, %dma_start3A_123] : memref<10240x128xf32, #tpu.memory_space<vmem_shared>> -> memref<128x128xf32, #tpu.memory_space<vmem_shared>>
      tpu.enqueue_dma source(%arg10 : memref<128x128xf32, #tpu.memory_space<vmem>>) target(%dma_start3A_124 : memref<128x128xf32, #tpu.memory_space<vmem_shared>>) target_semaphore(%run_scoped3A : memref<!tpu.dma_semaphore, #tpu.memory_space<semaphore_mem>>)
      %dma_wait3A_125 = arith.constant 0 : i32
      %dma_wait3A_126 = tpu.memref_slice %arg12[%add3A_22, %dma_wait3A_125] : memref<10240x128xf32, #tpu.memory_space<vmem_shared>> -> memref<128x128xf32, #tpu.memory_space<vmem_shared>>
      %dma_wait3A_127 = arith.constant 0 : i32
      %dma_wait3A_128 = tpu.memref_slice %arg12[%add3A_22, %dma_wait3A_127] : memref<10240x128xf32, #tpu.memory_space<vmem_shared>> -> memref<128x128xf32, #tpu.memory_space<vmem_shared>>
      tpu.wait_dma2 semaphore(%run_scoped3A : memref<!tpu.dma_semaphore, #tpu.memory_space<semaphore_mem>>) src(%arg10 : memref<128x128xf32, #tpu.memory_space<vmem>>) dst(%dma_wait3A_128 : memref<128x128xf32, #tpu.memory_space<vmem_shared>>)
      tpu.yield
    }) : () -> ()
    %mul3A_23 = arith.constant 640 : i32
    %mul3A_24 = arith.muli %arg1, %mul3A_23 : i32
    %add3A_25 = arith.constant 512 : i32
    %add3A_26 = arith.addi %mul3A_24, %add3A_25 : i32
    "tpu.region"() ({
      %run_scoped3A = tpu.sem_alloc : memref<!tpu.dma_semaphore, #tpu.memory_space<semaphore_mem>>
      %dma_start3A_121 = arith.constant 0 : i32
      %dma_start3A_122 = tpu.memref_slice %arg12[%add3A_26, %dma_start3A_121] : memref<10240x128xf32, #tpu.memory_space<vmem_shared>> -> memref<128x128xf32, #tpu.memory_space<vmem_shared>>
      %dma_start3A_123 = arith.constant 0 : i32
      %dma_start3A_124 = tpu.memref_slice %arg12[%add3A_26, %dma_start3A_123] : memref<10240x128xf32, #tpu.memory_space<vmem_shared>> -> memref<128x128xf32, #tpu.memory_space<vmem_shared>>
      tpu.enqueue_dma source(%arg10 : memref<128x128xf32, #tpu.memory_space<vmem>>) target(%dma_start3A_124 : memref<128x128xf32, #tpu.memory_space<vmem_shared>>) target_semaphore(%run_scoped3A : memref<!tpu.dma_semaphore, #tpu.memory_space<semaphore_mem>>)
      %dma_wait3A_125 = arith.constant 0 : i32
      %dma_wait3A_126 = tpu.memref_slice %arg12[%add3A_26, %dma_wait3A_125] : memref<10240x128xf32, #tpu.memory_space<vmem_shared>> -> memref<128x128xf32, #tpu.memory_space<vmem_shared>>
      %dma_wait3A_127 = arith.constant 0 : i32
      %dma_wait3A_128 = tpu.memref_slice %arg12[%add3A_26, %dma_wait3A_127] : memref<10240x128xf32, #tpu.memory_space<vmem_shared>> -> memref<128x128xf32, #tpu.memory_space<vmem_shared>>
      tpu.wait_dma2 semaphore(%run_scoped3A : memref<!tpu.dma_semaphore, #tpu.memory_space<semaphore_mem>>) src(%arg10 : memref<128x128xf32, #tpu.memory_space<vmem>>) dst(%dma_wait3A_128 : memref<128x128xf32, #tpu.memory_space<vmem_shared>>)
      tpu.yield
    }) : () -> ()
    %barrier3A = arith.constant 0 : index
    tpu.barrier barrier_id(%barrier3A)
    %dma_start3A = arith.constant 0 : i32
    %dma_start3A_27 = arith.constant 0 : i32
    %dma_start3A_28 = tpu.memref_slice %arg4[%add3A, %dma_start3A, %dma_start3A_27] : memref<32x80x128xi32, #tpu.memory_space<hbm>> -> memref<1x1x128xi32, #tpu.memory_space<hbm>>
    %dma_start3A_29 = tpu.memref_squeeze %dma_start3A_28 : memref<1x1x128xi32, #tpu.memory_space<hbm>> -> memref<128xi32, #tpu.memory_space<hbm>>
    %dma_start3A_30 = arith.constant 0 : i32
    %dma_start3A_31 = tpu.memref_slice %arg4[%add3A, %dma_start3A, %dma_start3A_30] : memref<32x80x128xi32, #tpu.memory_space<hbm>> -> memref<1x1x128xi32, #tpu.memory_space<hbm>>
    %dma_start3A_32 = tpu.memref_squeeze %dma_start3A_31 : memref<1x1x128xi32, #tpu.memory_space<hbm>> -> memref<128xi32, #tpu.memory_space<hbm>>
    tpu.enqueue_dma source(%dma_start3A_32 : memref<128xi32, #tpu.memory_space<hbm>>) target(%arg8 : memref<128xi32, #tpu.memory_space<vmem>>) target_semaphore(%arg15 : memref<!tpu.dma_semaphore, #tpu.memory_space<semaphore_mem>>)
    %dma_start3A_33 = arith.constant 0 : i32
    %dma_start3A_34 = arith.constant 0 : i32
    %dma_start3A_35 = tpu.memref_slice %arg3[%add3A, %dma_start3A_33, %dma_start3A_34] : memref<32x80x128xi32, #tpu.memory_space<hbm>> -> memref<1x1x128xi32, #tpu.memory_space<hbm>>
    %dma_start3A_36 = tpu.memref_squeeze %dma_start3A_35 : memref<1x1x128xi32, #tpu.memory_space<hbm>> -> memref<128xi32, #tpu.memory_space<hbm>>
    %dma_start3A_37 = arith.constant 0 : i32
    %dma_start3A_38 = tpu.memref_slice %arg3[%add3A, %dma_start3A_33, %dma_start3A_37] : memref<32x80x128xi32, #tpu.memory_space<hbm>> -> memref<1x1x128xi32, #tpu.memory_space<hbm>>
    %dma_start3A_39 = tpu.memref_squeeze %dma_start3A_38 : memref<1x1x128xi32, #tpu.memory_space<hbm>> -> memref<128xi32, #tpu.memory_space<hbm>>
    tpu.enqueue_dma source(%dma_start3A_39 : memref<128xi32, #tpu.memory_space<hbm>>) target(%arg6 : memref<128xi32, #tpu.memory_space<vmem>>) target_semaphore(%arg13 : memref<!tpu.dma_semaphore, #tpu.memory_space<semaphore_mem>>)
    %dma_wait3A = arith.constant 0 : i32
    %dma_wait3A_40 = arith.constant 0 : i32
    %dma_wait3A_41 = tpu.memref_slice %arg3[%add3A, %dma_wait3A, %dma_wait3A_40] : memref<32x80x128xi32, #tpu.memory_space<hbm>> -> memref<1x1x128xi32, #tpu.memory_space<hbm>>
    %dma_wait3A_42 = tpu.memref_squeeze %dma_wait3A_41 : memref<1x1x128xi32, #tpu.memory_space<hbm>> -> memref<128xi32, #tpu.memory_space<hbm>>
    %dma_wait3A_43 = arith.constant 0 : i32
    %dma_wait3A_44 = tpu.memref_slice %arg3[%add3A, %dma_wait3A, %dma_wait3A_43] : memref<32x80x128xi32, #tpu.memory_space<hbm>> -> memref<1x1x128xi32, #tpu.memory_space<hbm>>
    %dma_wait3A_45 = tpu.memref_squeeze %dma_wait3A_44 : memref<1x1x128xi32, #tpu.memory_space<hbm>> -> memref<128xi32, #tpu.memory_space<hbm>>
    tpu.wait_dma2 semaphore(%arg13 : memref<!tpu.dma_semaphore, #tpu.memory_space<semaphore_mem>>) src(%dma_wait3A_45 : memref<128xi32, #tpu.memory_space<hbm>>) dst(%arg6 : memref<128xi32, #tpu.memory_space<vmem>>)
    %dma_start3A_46 = arith.constant 0 : i32
    %dma_start3A_47 = arith.constant 0 : i32
    %dma_start3A_48 = tpu.memref_slice %arg2[%dma_start3A_46, %dma_start3A_47] : memref<10000x128xf32, #tpu.memory_space<hbm>> -> memref<10000x128xf32, #tpu.memory_space<hbm>>
    tpu.enqueue_indirect_dma source(%dma_start3A_48 : memref<10000x128xf32, #tpu.memory_space<hbm>>) target(%arg10 : memref<128x128xf32, #tpu.memory_space<vmem>>) offsets(%arg6 : memref<128xi32, #tpu.memory_space<vmem>>) semaphore(%arg17 : memref<!tpu.dma_semaphore, #tpu.memory_space<semaphore_mem>>)
    %dma_start3A_49 = arith.constant 1 : i32
    %dma_start3A_50 = arith.constant 0 : i32
    %dma_start3A_51 = tpu.memref_slice %arg4[%add3A, %dma_start3A_49, %dma_start3A_50] : memref<32x80x128xi32, #tpu.memory_space<hbm>> -> memref<1x1x128xi32, #tpu.memory_space<hbm>>
    %dma_start3A_52 = tpu.memref_squeeze %dma_start3A_51 : memref<1x1x128xi32, #tpu.memory_space<hbm>> -> memref<128xi32, #tpu.memory_space<hbm>>
    %dma_start3A_53 = arith.constant 0 : i32
    %dma_start3A_54 = tpu.memref_slice %arg4[%add3A, %dma_start3A_49, %dma_start3A_53] : memref<32x80x128xi32, #tpu.memory_space<hbm>> -> memref<1x1x128xi32, #tpu.memory_space<hbm>>
    %dma_start3A_55 = tpu.memref_squeeze %dma_start3A_54 : memref<1x1x128xi32, #tpu.memory_space<hbm>> -> memref<128xi32, #tpu.memory_space<hbm>>
    tpu.enqueue_dma source(%dma_start3A_55 : memref<128xi32, #tpu.memory_space<hbm>>) target(%arg9 : memref<128xi32, #tpu.memory_space<vmem>>) target_semaphore(%arg16 : memref<!tpu.dma_semaphore, #tpu.memory_space<semaphore_mem>>)
    %dma_start3A_56 = arith.constant 1 : i32
    %dma_start3A_57 = arith.constant 0 : i32
    %dma_start3A_58 = tpu.memref_slice %arg3[%add3A, %dma_start3A_56, %dma_start3A_57] : memref<32x80x128xi32, #tpu.memory_space<hbm>> -> memref<1x1x128xi32, #tpu.memory_space<hbm>>
    %dma_start3A_59 = tpu.memref_squeeze %dma_start3A_58 : memref<1x1x128xi32, #tpu.memory_space<hbm>> -> memref<128xi32, #tpu.memory_space<hbm>>
    %dma_start3A_60 = arith.constant 0 : i32
    %dma_start3A_61 = tpu.memref_slice %arg3[%add3A, %dma_start3A_56, %dma_start3A_60] : memref<32x80x128xi32, #tpu.memory_space<hbm>> -> memref<1x1x128xi32, #tpu.memory_space<hbm>>
    %dma_start3A_62 = tpu.memref_squeeze %dma_start3A_61 : memref<1x1x128xi32, #tpu.memory_space<hbm>> -> memref<128xi32, #tpu.memory_space<hbm>>
    tpu.enqueue_dma source(%dma_start3A_62 : memref<128xi32, #tpu.memory_space<hbm>>) target(%arg7 : memref<128xi32, #tpu.memory_space<vmem>>) target_semaphore(%arg14 : memref<!tpu.dma_semaphore, #tpu.memory_space<semaphore_mem>>)
    %dma_wait3A_63 = arith.constant 1 : i32
    %dma_wait3A_64 = arith.constant 0 : i32
    %dma_wait3A_65 = tpu.memref_slice %arg3[%add3A, %dma_wait3A_63, %dma_wait3A_64] : memref<32x80x128xi32, #tpu.memory_space<hbm>> -> memref<1x1x128xi32, #tpu.memory_space<hbm>>
    %dma_wait3A_66 = tpu.memref_squeeze %dma_wait3A_65 : memref<1x1x128xi32, #tpu.memory_space<hbm>> -> memref<128xi32, #tpu.memory_space<hbm>>
    %dma_wait3A_67 = arith.constant 0 : i32
    %dma_wait3A_68 = tpu.memref_slice %arg3[%add3A, %dma_wait3A_63, %dma_wait3A_67] : memref<32x80x128xi32, #tpu.memory_space<hbm>> -> memref<1x1x128xi32, #tpu.memory_space<hbm>>
    %dma_wait3A_69 = tpu.memref_squeeze %dma_wait3A_68 : memref<1x1x128xi32, #tpu.memory_space<hbm>> -> memref<128xi32, #tpu.memory_space<hbm>>
    tpu.wait_dma2 semaphore(%arg14 : memref<!tpu.dma_semaphore, #tpu.memory_space<semaphore_mem>>) src(%dma_wait3A_69 : memref<128xi32, #tpu.memory_space<hbm>>) dst(%arg7 : memref<128xi32, #tpu.memory_space<vmem>>)
    %dma_start3A_70 = arith.constant 0 : i32
    %dma_start3A_71 = arith.constant 0 : i32
    %dma_start3A_72 = tpu.memref_slice %arg2[%dma_start3A_70, %dma_start3A_71] : memref<10000x128xf32, #tpu.memory_space<hbm>> -> memref<10000x128xf32, #tpu.memory_space<hbm>>
    tpu.enqueue_indirect_dma source(%dma_start3A_72 : memref<10000x128xf32, #tpu.memory_space<hbm>>) target(%arg11 : memref<128x128xf32, #tpu.memory_space<vmem>>) offsets(%arg7 : memref<128xi32, #tpu.memory_space<vmem>>) semaphore(%arg18 : memref<!tpu.dma_semaphore, #tpu.memory_space<semaphore_mem>>)
    %scan3A_73 = arith.constant 0 : i32
    %scan3A_74 = arith.constant 0 : i32
    %scan3A_75 = arith.constant 40 : i32
    %scan3A_76 = arith.addi %scan3A_74, %scan3A_75 : i32
    %scan3A_77 = arith.constant 1 : i32
    %scan3A_78 = scf.for %scan3A_121 = %scan3A_74 to %scan3A_76 step %scan3A_77 iter_args(%scan3A_122 = %scan3A_73) -> (i32)  : i32 {
      %mul3A_123 = arith.constant 2 : i32
      %mul3A_124 = arith.muli %mul3A_123, %scan3A_121 : i32
      %add3A_125 = arith.constant 0 : i32
      %add3A_126 = arith.addi %mul3A_124, %add3A_125 : i32
      %dma_wait3A_127 = arith.constant 0 : i32
      %dma_wait3A_128 = tpu.memref_slice %arg4[%add3A, %add3A_126, %dma_wait3A_127] : memref<32x80x128xi32, #tpu.memory_space<hbm>> -> memref<1x1x128xi32, #tpu.memory_space<hbm>>
      %dma_wait3A_129 = tpu.memref_squeeze %dma_wait3A_128 : memref<1x1x128xi32, #tpu.memory_space<hbm>> -> memref<128xi32, #tpu.memory_space<hbm>>
      %dma_wait3A_130 = arith.constant 0 : i32
      %dma_wait3A_131 = tpu.memref_slice %arg4[%add3A, %add3A_126, %dma_wait3A_130] : memref<32x80x128xi32, #tpu.memory_space<hbm>> -> memref<1x1x128xi32, #tpu.memory_space<hbm>>
      %dma_wait3A_132 = tpu.memref_squeeze %dma_wait3A_131 : memref<1x1x128xi32, #tpu.memory_space<hbm>> -> memref<128xi32, #tpu.memory_space<hbm>>
      tpu.wait_dma2 semaphore(%arg15 : memref<!tpu.dma_semaphore, #tpu.memory_space<semaphore_mem>>) src(%dma_wait3A_132 : memref<128xi32, #tpu.memory_space<hbm>>) dst(%arg8 : memref<128xi32, #tpu.memory_space<vmem>>)
      %add3A_133 = arith.constant 2 : i32
      %add3A_134 = arith.addi %add3A_126, %add3A_133 : i32
      %dma_wait3A_135 = arith.constant 0 : i32
      %dma_wait3A_136 = arith.constant 0 : i32
      %dma_wait3A_137 = tpu.memref_slice %arg2[%dma_wait3A_135, %dma_wait3A_136] : memref<10000x128xf32, #tpu.memory_space<hbm>> -> memref<10000x128xf32, #tpu.memory_space<hbm>>
      tpu.wait_indirect_dma semaphore(%arg17 : memref<!tpu.dma_semaphore, #tpu.memory_space<semaphore_mem>>) src(%dma_wait3A_137 : memref<10000x128xf32, #tpu.memory_space<hbm>>) dst(%arg10 : memref<128x128xf32, #tpu.memory_space<vmem>>)
      %lt3A = arith.constant 80 : i32
      %lt3A_138 = arith.cmpi slt, %add3A_134, %lt3A : i32
      %convert_element_type3A = arith.extui %lt3A_138 : i1 to i32
      %cond3A = arith.constant 0 : i32
      %cond3A_139 = arith.cmpi ne, %convert_element_type3A, %cond3A : i32
      scf.if %cond3A_139 {
        %dma_start3A_171 = arith.constant 0 : i32
        %dma_start3A_172 = tpu.memref_slice %arg3[%add3A, %add3A_134, %dma_start3A_171] : memref<32x80x128xi32, #tpu.memory_space<hbm>> -> memref<1x1x128xi32, #tpu.memory_space<hbm>>
        %dma_start3A_173 = tpu.memref_squeeze %dma_start3A_172 : memref<1x1x128xi32, #tpu.memory_space<hbm>> -> memref<128xi32, #tpu.memory_space<hbm>>
        %dma_start3A_174 = arith.constant 0 : i32
        %dma_start3A_175 = tpu.memref_slice %arg3[%add3A, %add3A_134, %dma_start3A_174] : memref<32x80x128xi32, #tpu.memory_space<hbm>> -> memref<1x1x128xi32, #tpu.memory_space<hbm>>
        %dma_start3A_176 = tpu.memref_squeeze %dma_start3A_175 : memref<1x1x128xi32, #tpu.memory_space<hbm>> -> memref<128xi32, #tpu.memory_space<hbm>>
        tpu.enqueue_dma source(%dma_start3A_176 : memref<128xi32, #tpu.memory_space<hbm>>) target(%arg6 : memref<128xi32, #tpu.memory_space<vmem>>) target_semaphore(%arg13 : memref<!tpu.dma_semaphore, #tpu.memory_space<semaphore_mem>>)
      } else {
      }
      "tpu.region"() ({
        %run_scoped3A = tpu.sem_alloc : memref<!tpu.dma_semaphore, #tpu.memory_space<semaphore_mem>>
        %dma_start3A_171 = arith.constant 0 : i32
        %dma_start3A_172 = arith.constant 0 : i32
        %dma_start3A_173 = tpu.memref_slice %arg12[%dma_start3A_171, %dma_start3A_172] : memref<10240x128xf32, #tpu.memory_space<vmem_shared>> -> memref<10240x128xf32, #tpu.memory_space<vmem_shared>>
        tpu.enqueue_indirect_dma source(%arg10 : memref<128x128xf32, #tpu.memory_space<vmem>>) target(%dma_start3A_173 : memref<10240x128xf32, #tpu.memory_space<vmem_shared>>) offsets(%arg8 : memref<128xi32, #tpu.memory_space<vmem>>) semaphore(%run_scoped3A : memref<!tpu.dma_semaphore, #tpu.memory_space<semaphore_mem>>) {add = true}
        %dma_wait3A_174 = arith.constant 0 : i32
        %dma_wait3A_175 = arith.constant 0 : i32
        %dma_wait3A_176 = tpu.memref_slice %arg12[%dma_wait3A_174, %dma_wait3A_175] : memref<10240x128xf32, #tpu.memory_space<vmem_shared>> -> memref<10240x128xf32, #tpu.memory_space<vmem_shared>>
        tpu.wait_indirect_dma semaphore(%run_scoped3A : memref<!tpu.dma_semaphore, #tpu.memory_space<semaphore_mem>>) src(%arg10 : memref<128x128xf32, #tpu.memory_space<vmem>>) dst(%dma_wait3A_176 : memref<10240x128xf32, #tpu.memory_space<vmem_shared>>)
        tpu.yield
      }) : () -> ()
      %lt3A_140 = arith.constant 80 : i32
      %lt3A_141 = arith.cmpi slt, %add3A_134, %lt3A_140 : i32
      %convert_element_type3A_142 = arith.extui %lt3A_141 : i1 to i32
      %cond3A_143 = arith.constant 0 : i32
      %cond3A_144 = arith.cmpi ne, %convert_element_type3A_142, %cond3A_143 : i32
      scf.if %cond3A_144 {
        %dma_wait3A_171 = arith.constant 0 : i32
        %dma_wait3A_172 = tpu.memref_slice %arg3[%add3A, %add3A_134, %dma_wait3A_171] : memref<32x80x128xi32, #tpu.memory_space<hbm>> -> memref<1x1x128xi32, #tpu.memory_space<hbm>>
        %dma_wait3A_173 = tpu.memref_squeeze %dma_wait3A_172 : memref<1x1x128xi32, #tpu.memory_space<hbm>> -> memref<128xi32, #tpu.memory_space<hbm>>
        %dma_wait3A_174 = arith.constant 0 : i32
        %dma_wait3A_175 = tpu.memref_slice %arg3[%add3A, %add3A_134, %dma_wait3A_174] : memref<32x80x128xi32, #tpu.memory_space<hbm>> -> memref<1x1x128xi32, #tpu.memory_space<hbm>>
        %dma_wait3A_176 = tpu.memref_squeeze %dma_wait3A_175 : memref<1x1x128xi32, #tpu.memory_space<hbm>> -> memref<128xi32, #tpu.memory_space<hbm>>
        tpu.wait_dma2 semaphore(%arg13 : memref<!tpu.dma_semaphore, #tpu.memory_space<semaphore_mem>>) src(%dma_wait3A_176 : memref<128xi32, #tpu.memory_space<hbm>>) dst(%arg6 : memref<128xi32, #tpu.memory_space<vmem>>)
        %dma_start3A_177 = arith.constant 0 : i32
        %dma_start3A_178 = arith.constant 0 : i32
        %dma_start3A_179 = tpu.memref_slice %arg2[%dma_start3A_177, %dma_start3A_178] : memref<10000x128xf32, #tpu.memory_space<hbm>> -> memref<10000x128xf32, #tpu.memory_space<hbm>>
        tpu.enqueue_indirect_dma source(%dma_start3A_179 : memref<10000x128xf32, #tpu.memory_space<hbm>>) target(%arg10 : memref<128x128xf32, #tpu.memory_space<vmem>>) offsets(%arg6 : memref<128xi32, #tpu.memory_space<vmem>>) semaphore(%arg17 : memref<!tpu.dma_semaphore, #tpu.memory_space<semaphore_mem>>)
        %dma_start3A_180 = arith.constant 0 : i32
        %dma_start3A_181 = tpu.memref_slice %arg4[%add3A, %add3A_134, %dma_start3A_180] : memref<32x80x128xi32, #tpu.memory_space<hbm>> -> memref<1x1x128xi32, #tpu.memory_space<hbm>>
        %dma_start3A_182 = tpu.memref_squeeze %dma_start3A_181 : memref<1x1x128xi32, #tpu.memory_space<hbm>> -> memref<128xi32, #tpu.memory_space<hbm>>
        %dma_start3A_183 = arith.constant 0 : i32
        %dma_start3A_184 = tpu.memref_slice %arg4[%add3A, %add3A_134, %dma_start3A_183] : memref<32x80x128xi32, #tpu.memory_space<hbm>> -> memref<1x1x128xi32, #tpu.memory_space<hbm>>
        %dma_start3A_185 = tpu.memref_squeeze %dma_start3A_184 : memref<1x1x128xi32, #tpu.memory_space<hbm>> -> memref<128xi32, #tpu.memory_space<hbm>>
        tpu.enqueue_dma source(%dma_start3A_185 : memref<128xi32, #tpu.memory_space<hbm>>) target(%arg8 : memref<128xi32, #tpu.memory_space<vmem>>) target_semaphore(%arg15 : memref<!tpu.dma_semaphore, #tpu.memory_space<semaphore_mem>>)
      } else {
      }
      %mul3A_145 = arith.constant 2 : i32
      %mul3A_146 = arith.muli %mul3A_145, %scan3A_121 : i32
      %add3A_147 = arith.constant 1 : i32
      %add3A_148 = arith.addi %mul3A_146, %add3A_147 : i32
      %dma_wait3A_149 = arith.constant 0 : i32
      %dma_wait3A_150 = tpu.memref_slice %arg4[%add3A, %add3A_148, %dma_wait3A_149] : memref<32x80x128xi32, #tpu.memory_space<hbm>> -> memref<1x1x128xi32, #tpu.memory_space<hbm>>
      %dma_wait3A_151 = tpu.memref_squeeze %dma_wait3A_150 : memref<1x1x128xi32, #tpu.memory_space<hbm>> -> memref<128xi32, #tpu.memory_space<hbm>>
      %dma_wait3A_152 = arith.constant 0 : i32
      %dma_wait3A_153 = tpu.memref_slice %arg4[%add3A, %add3A_148, %dma_wait3A_152] : memref<32x80x128xi32, #tpu.memory_space<hbm>> -> memref<1x1x128xi32, #tpu.memory_space<hbm>>
      %dma_wait3A_154 = tpu.memref_squeeze %dma_wait3A_153 : memref<1x1x128xi32, #tpu.memory_space<hbm>> -> memref<128xi32, #tpu.memory_space<hbm>>
      tpu.wait_dma2 semaphore(%arg16 : memref<!tpu.dma_semaphore, #tpu.memory_space<semaphore_mem>>) src(%dma_wait3A_154 : memref<128xi32, #tpu.memory_space<hbm>>) dst(%arg9 : memref<128xi32, #tpu.memory_space<vmem>>)
      %add3A_155 = arith.constant 2 : i32
      %add3A_156 = arith.addi %add3A_148, %add3A_155 : i32
      %dma_wait3A_157 = arith.constant 0 : i32
      %dma_wait3A_158 = arith.constant 0 : i32
      %dma_wait3A_159 = tpu.memref_slice %arg2[%dma_wait3A_157, %dma_wait3A_158] : memref<10000x128xf32, #tpu.memory_space<hbm>> -> memref<10000x128xf32, #tpu.memory_space<hbm>>
      tpu.wait_indirect_dma semaphore(%arg18 : memref<!tpu.dma_semaphore, #tpu.memory_space<semaphore_mem>>) src(%dma_wait3A_159 : memref<10000x128xf32, #tpu.memory_space<hbm>>) dst(%arg11 : memref<128x128xf32, #tpu.memory_space<vmem>>)
      %lt3A_160 = arith.constant 80 : i32
      %lt3A_161 = arith.cmpi slt, %add3A_156, %lt3A_160 : i32
      %convert_element_type3A_162 = arith.extui %lt3A_161 : i1 to i32
      %cond3A_163 = arith.constant 0 : i32
      %cond3A_164 = arith.cmpi ne, %convert_element_type3A_162, %cond3A_163 : i32
      scf.if %cond3A_164 {
        %dma_start3A_171 = arith.constant 0 : i32
        %dma_start3A_172 = tpu.memref_slice %arg3[%add3A, %add3A_156, %dma_start3A_171] : memref<32x80x128xi32, #tpu.memory_space<hbm>> -> memref<1x1x128xi32, #tpu.memory_space<hbm>>
        %dma_start3A_173 = tpu.memref_squeeze %dma_start3A_172 : memref<1x1x128xi32, #tpu.memory_space<hbm>> -> memref<128xi32, #tpu.memory_space<hbm>>
        %dma_start3A_174 = arith.constant 0 : i32
        %dma_start3A_175 = tpu.memref_slice %arg3[%add3A, %add3A_156, %dma_start3A_174] : memref<32x80x128xi32, #tpu.memory_space<hbm>> -> memref<1x1x128xi32, #tpu.memory_space<hbm>>
        %dma_start3A_176 = tpu.memref_squeeze %dma_start3A_175 : memref<1x1x128xi32, #tpu.memory_space<hbm>> -> memref<128xi32, #tpu.memory_space<hbm>>
        tpu.enqueue_dma source(%dma_start3A_176 : memref<128xi32, #tpu.memory_space<hbm>>) target(%arg7 : memref<128xi32, #tpu.memory_space<vmem>>) target_semaphore(%arg14 : memref<!tpu.dma_semaphore, #tpu.memory_space<semaphore_mem>>)
      } else {
      }
      "tpu.region"() ({
        %run_scoped3A = tpu.sem_alloc : memref<!tpu.dma_semaphore, #tpu.memory_space<semaphore_mem>>
        %dma_start3A_171 = arith.constant 0 : i32
        %dma_start3A_172 = arith.constant 0 : i32
        %dma_start3A_173 = tpu.memref_slice %arg12[%dma_start3A_171, %dma_start3A_172] : memref<10240x128xf32, #tpu.memory_space<vmem_shared>> -> memref<10240x128xf32, #tpu.memory_space<vmem_shared>>
        tpu.enqueue_indirect_dma source(%arg11 : memref<128x128xf32, #tpu.memory_space<vmem>>) target(%dma_start3A_173 : memref<10240x128xf32, #tpu.memory_space<vmem_shared>>) offsets(%arg9 : memref<128xi32, #tpu.memory_space<vmem>>) semaphore(%run_scoped3A : memref<!tpu.dma_semaphore, #tpu.memory_space<semaphore_mem>>) {add = true}
        %dma_wait3A_174 = arith.constant 0 : i32
        %dma_wait3A_175 = arith.constant 0 : i32
        %dma_wait3A_176 = tpu.memref_slice %arg12[%dma_wait3A_174, %dma_wait3A_175] : memref<10240x128xf32, #tpu.memory_space<vmem_shared>> -> memref<10240x128xf32, #tpu.memory_space<vmem_shared>>
        tpu.wait_indirect_dma semaphore(%run_scoped3A : memref<!tpu.dma_semaphore, #tpu.memory_space<semaphore_mem>>) src(%arg11 : memref<128x128xf32, #tpu.memory_space<vmem>>) dst(%dma_wait3A_176 : memref<10240x128xf32, #tpu.memory_space<vmem_shared>>)
        tpu.yield
      }) : () -> ()
      %lt3A_165 = arith.constant 80 : i32
      %lt3A_166 = arith.cmpi slt, %add3A_156, %lt3A_165 : i32
      %convert_element_type3A_167 = arith.extui %lt3A_166 : i1 to i32
      %cond3A_168 = arith.constant 0 : i32
      %cond3A_169 = arith.cmpi ne, %convert_element_type3A_167, %cond3A_168 : i32
      scf.if %cond3A_169 {
        %dma_wait3A_171 = arith.constant 0 : i32
        %dma_wait3A_172 = tpu.memref_slice %arg3[%add3A, %add3A_156, %dma_wait3A_171] : memref<32x80x128xi32, #tpu.memory_space<hbm>> -> memref<1x1x128xi32, #tpu.memory_space<hbm>>
        %dma_wait3A_173 = tpu.memref_squeeze %dma_wait3A_172 : memref<1x1x128xi32, #tpu.memory_space<hbm>> -> memref<128xi32, #tpu.memory_space<hbm>>
        %dma_wait3A_174 = arith.constant 0 : i32
        %dma_wait3A_175 = tpu.memref_slice %arg3[%add3A, %add3A_156, %dma_wait3A_174] : memref<32x80x128xi32, #tpu.memory_space<hbm>> -> memref<1x1x128xi32, #tpu.memory_space<hbm>>
        %dma_wait3A_176 = tpu.memref_squeeze %dma_wait3A_175 : memref<1x1x128xi32, #tpu.memory_space<hbm>> -> memref<128xi32, #tpu.memory_space<hbm>>
        tpu.wait_dma2 semaphore(%arg14 : memref<!tpu.dma_semaphore, #tpu.memory_space<semaphore_mem>>) src(%dma_wait3A_176 : memref<128xi32, #tpu.memory_space<hbm>>) dst(%arg7 : memref<128xi32, #tpu.memory_space<vmem>>)
        %dma_start3A_177 = arith.constant 0 : i32
        %dma_start3A_178 = arith.constant 0 : i32
        %dma_start3A_179 = tpu.memref_slice %arg2[%dma_start3A_177, %dma_start3A_178] : memref<10000x128xf32, #tpu.memory_space<hbm>> -> memref<10000x128xf32, #tpu.memory_space<hbm>>
        tpu.enqueue_indirect_dma source(%dma_start3A_179 : memref<10000x128xf32, #tpu.memory_space<hbm>>) target(%arg11 : memref<128x128xf32, #tpu.memory_space<vmem>>) offsets(%arg7 : memref<128xi32, #tpu.memory_space<vmem>>) semaphore(%arg18 : memref<!tpu.dma_semaphore, #tpu.memory_space<semaphore_mem>>)
        %dma_start3A_180 = arith.constant 0 : i32
        %dma_start3A_181 = tpu.memref_slice %arg4[%add3A, %add3A_156, %dma_start3A_180] : memref<32x80x128xi32, #tpu.memory_space<hbm>> -> memref<1x1x128xi32, #tpu.memory_space<hbm>>
        %dma_start3A_182 = tpu.memref_squeeze %dma_start3A_181 : memref<1x1x128xi32, #tpu.memory_space<hbm>> -> memref<128xi32, #tpu.memory_space<hbm>>
        %dma_start3A_183 = arith.constant 0 : i32
        %dma_start3A_184 = tpu.memref_slice %arg4[%add3A, %add3A_156, %dma_start3A_183] : memref<32x80x128xi32, #tpu.memory_space<hbm>> -> memref<1x1x128xi32, #tpu.memory_space<hbm>>
        %dma_start3A_185 = tpu.memref_squeeze %dma_start3A_184 : memref<1x1x128xi32, #tpu.memory_space<hbm>> -> memref<128xi32, #tpu.memory_space<hbm>>
        tpu.enqueue_dma source(%dma_start3A_185 : memref<128xi32, #tpu.memory_space<hbm>>) target(%arg9 : memref<128xi32, #tpu.memory_space<vmem>>) target_semaphore(%arg16 : memref<!tpu.dma_semaphore, #tpu.memory_space<semaphore_mem>>)
      } else {
      }
      %scan3A_170 = arith.constant 0 : i32
      scf.yield %scan3A_170 : i32
    }
    %scan3A_79 = arith.constant 40 : i32
    %barrier3A_80 = arith.constant 0 : index
    tpu.barrier barrier_id(%barrier3A_80)
    %mul3A_81 = arith.constant 640 : i32
    %mul3A_82 = arith.muli %arg1, %mul3A_81 : i32
    %add3A_83 = arith.constant 0 : i32
    %add3A_84 = arith.addi %mul3A_82, %add3A_83 : i32
    "tpu.region"() ({
      %run_scoped3A = tpu.sem_alloc : memref<!tpu.dma_semaphore, #tpu.memory_space<semaphore_mem>>
      %dma_start3A_121 = arith.constant 0 : i32
      %dma_start3A_122 = tpu.memref_slice %arg12[%add3A_84, %dma_start3A_121] : memref<10240x128xf32, #tpu.memory_space<vmem_shared>> -> memref<128x128xf32, #tpu.memory_space<vmem_shared>>
      %dma_start3A_123 = arith.constant 0 : i32
      %dma_start3A_124 = tpu.memref_slice %arg12[%add3A_84, %dma_start3A_123] : memref<10240x128xf32, #tpu.memory_space<vmem_shared>> -> memref<128x128xf32, #tpu.memory_space<vmem_shared>>
      tpu.enqueue_dma source(%dma_start3A_124 : memref<128x128xf32, #tpu.memory_space<vmem_shared>>) target(%arg10 : memref<128x128xf32, #tpu.memory_space<vmem>>) target_semaphore(%run_scoped3A : memref<!tpu.dma_semaphore, #tpu.memory_space<semaphore_mem>>)
      %dma_wait3A_125 = arith.constant 0 : i32
      %dma_wait3A_126 = tpu.memref_slice %arg12[%add3A_84, %dma_wait3A_125] : memref<10240x128xf32, #tpu.memory_space<vmem_shared>> -> memref<128x128xf32, #tpu.memory_space<vmem_shared>>
      %dma_wait3A_127 = arith.constant 0 : i32
      %dma_wait3A_128 = tpu.memref_slice %arg12[%add3A_84, %dma_wait3A_127] : memref<10240x128xf32, #tpu.memory_space<vmem_shared>> -> memref<128x128xf32, #tpu.memory_space<vmem_shared>>
      tpu.wait_dma2 semaphore(%run_scoped3A : memref<!tpu.dma_semaphore, #tpu.memory_space<semaphore_mem>>) src(%dma_wait3A_128 : memref<128x128xf32, #tpu.memory_space<vmem_shared>>) dst(%arg10 : memref<128x128xf32, #tpu.memory_space<vmem>>)
      tpu.yield
    }) : () -> ()
    %mul3A_85 = arith.constant 640 : i32
    %mul3A_86 = arith.muli %arg1, %mul3A_85 : i32
    %add3A_87 = arith.constant 0 : i32
    %add3A_88 = arith.addi %mul3A_86, %add3A_87 : i32
    "tpu.region"() ({
      %run_scoped3A = tpu.sem_alloc : memref<!tpu.dma_semaphore, #tpu.memory_space<semaphore_mem>>
      %dma_start3A_121 = arith.constant 0 : i32
      %dma_start3A_122 = tpu.memref_slice %arg5[%arg0, %add3A_88, %dma_start3A_121] : memref<2x10240x128xf32, #tpu.memory_space<hbm>> -> memref<1x128x128xf32, #tpu.memory_space<hbm>>
      %dma_start3A_123 = tpu.memref_squeeze %dma_start3A_122 : memref<1x128x128xf32, #tpu.memory_space<hbm>> -> memref<128x128xf32, #tpu.memory_space<hbm>>
      %dma_start3A_124 = arith.constant 0 : i32
      %dma_start3A_125 = tpu.memref_slice %arg5[%arg0, %add3A_88, %dma_start3A_124] : memref<2x10240x128xf32, #tpu.memory_space<hbm>> -> memref<1x128x128xf32, #tpu.memory_space<hbm>>
      %dma_start3A_126 = tpu.memref_squeeze %dma_start3A_125 : memref<1x128x128xf32, #tpu.memory_space<hbm>> -> memref<128x128xf32, #tpu.memory_space<hbm>>
      tpu.enqueue_dma source(%arg10 : memref<128x128xf32, #tpu.memory_space<vmem>>) target(%dma_start3A_126 : memref<128x128xf32, #tpu.memory_space<hbm>>) target_semaphore(%run_scoped3A : memref<!tpu.dma_semaphore, #tpu.memory_space<semaphore_mem>>)
      %dma_wait3A_127 = arith.constant 0 : i32
      %dma_wait3A_128 = tpu.memref_slice %arg5[%arg0, %add3A_88, %dma_wait3A_127] : memref<2x10240x128xf32, #tpu.memory_space<hbm>> -> memref<1x128x128xf32, #tpu.memory_space<hbm>>
      %dma_wait3A_129 = tpu.memref_squeeze %dma_wait3A_128 : memref<1x128x128xf32, #tpu.memory_space<hbm>> -> memref<128x128xf32, #tpu.memory_space<hbm>>
      %dma_wait3A_130 = arith.constant 0 : i32
      %dma_wait3A_131 = tpu.memref_slice %arg5[%arg0, %add3A_88, %dma_wait3A_130] : memref<2x10240x128xf32, #tpu.memory_space<hbm>> -> memref<1x128x128xf32, #tpu.memory_space<hbm>>
      %dma_wait3A_132 = tpu.memref_squeeze %dma_wait3A_131 : memref<1x128x128xf32, #tpu.memory_space<hbm>> -> memref<128x128xf32, #tpu.memory_space<hbm>>
      tpu.wait_dma2 semaphore(%run_scoped3A : memref<!tpu.dma_semaphore, #tpu.memory_space<semaphore_mem>>) src(%arg10 : memref<128x128xf32, #tpu.memory_space<vmem>>) dst(%dma_wait3A_132 : memref<128x128xf32, #tpu.memory_space<hbm>>)
      tpu.yield
    }) : () -> ()
    %mul3A_89 = arith.constant 640 : i32
    %mul3A_90 = arith.muli %arg1, %mul3A_89 : i32
    %add3A_91 = arith.constant 128 : i32
    %add3A_92 = arith.addi %mul3A_90, %add3A_91 : i32
    "tpu.region"() ({
      %run_scoped3A = tpu.sem_alloc : memref<!tpu.dma_semaphore, #tpu.memory_space<semaphore_mem>>
      %dma_start3A_121 = arith.constant 0 : i32
      %dma_start3A_122 = tpu.memref_slice %arg12[%add3A_92, %dma_start3A_121] : memref<10240x128xf32, #tpu.memory_space<vmem_shared>> -> memref<128x128xf32, #tpu.memory_space<vmem_shared>>
      %dma_start3A_123 = arith.constant 0 : i32
      %dma_start3A_124 = tpu.memref_slice %arg12[%add3A_92, %dma_start3A_123] : memref<10240x128xf32, #tpu.memory_space<vmem_shared>> -> memref<128x128xf32, #tpu.memory_space<vmem_shared>>
      tpu.enqueue_dma source(%dma_start3A_124 : memref<128x128xf32, #tpu.memory_space<vmem_shared>>) target(%arg11 : memref<128x128xf32, #tpu.memory_space<vmem>>) target_semaphore(%run_scoped3A : memref<!tpu.dma_semaphore, #tpu.memory_space<semaphore_mem>>)
      %dma_wait3A_125 = arith.constant 0 : i32
      %dma_wait3A_126 = tpu.memref_slice %arg12[%add3A_92, %dma_wait3A_125] : memref<10240x128xf32, #tpu.memory_space<vmem_shared>> -> memref<128x128xf32, #tpu.memory_space<vmem_shared>>
      %dma_wait3A_127 = arith.constant 0 : i32
      %dma_wait3A_128 = tpu.memref_slice %arg12[%add3A_92, %dma_wait3A_127] : memref<10240x128xf32, #tpu.memory_space<vmem_shared>> -> memref<128x128xf32, #tpu.memory_space<vmem_shared>>
      tpu.wait_dma2 semaphore(%run_scoped3A : memref<!tpu.dma_semaphore, #tpu.memory_space<semaphore_mem>>) src(%dma_wait3A_128 : memref<128x128xf32, #tpu.memory_space<vmem_shared>>) dst(%arg11 : memref<128x128xf32, #tpu.memory_space<vmem>>)
      tpu.yield
    }) : () -> ()
    %mul3A_93 = arith.constant 640 : i32
    %mul3A_94 = arith.muli %arg1, %mul3A_93 : i32
    %add3A_95 = arith.constant 128 : i32
    %add3A_96 = arith.addi %mul3A_94, %add3A_95 : i32
    "tpu.region"() ({
      %run_scoped3A = tpu.sem_alloc : memref<!tpu.dma_semaphore, #tpu.memory_space<semaphore_mem>>
      %dma_start3A_121 = arith.constant 0 : i32
      %dma_start3A_122 = tpu.memref_slice %arg5[%arg0, %add3A_96, %dma_start3A_121] : memref<2x10240x128xf32, #tpu.memory_space<hbm>> -> memref<1x128x128xf32, #tpu.memory_space<hbm>>
      %dma_start3A_123 = tpu.memref_squeeze %dma_start3A_122 : memref<1x128x128xf32, #tpu.memory_space<hbm>> -> memref<128x128xf32, #tpu.memory_space<hbm>>
      %dma_start3A_124 = arith.constant 0 : i32
      %dma_start3A_125 = tpu.memref_slice %arg5[%arg0, %add3A_96, %dma_start3A_124] : memref<2x10240x128xf32, #tpu.memory_space<hbm>> -> memref<1x128x128xf32, #tpu.memory_space<hbm>>
      %dma_start3A_126 = tpu.memref_squeeze %dma_start3A_125 : memref<1x128x128xf32, #tpu.memory_space<hbm>> -> memref<128x128xf32, #tpu.memory_space<hbm>>
      tpu.enqueue_dma source(%arg11 : memref<128x128xf32, #tpu.memory_space<vmem>>) target(%dma_start3A_126 : memref<128x128xf32, #tpu.memory_space<hbm>>) target_semaphore(%run_scoped3A : memref<!tpu.dma_semaphore, #tpu.memory_space<semaphore_mem>>)
      %dma_wait3A_127 = arith.constant 0 : i32
      %dma_wait3A_128 = tpu.memref_slice %arg5[%arg0, %add3A_96, %dma_wait3A_127] : memref<2x10240x128xf32, #tpu.memory_space<hbm>> -> memref<1x128x128xf32, #tpu.memory_space<hbm>>
      %dma_wait3A_129 = tpu.memref_squeeze %dma_wait3A_128 : memref<1x128x128xf32, #tpu.memory_space<hbm>> -> memref<128x128xf32, #tpu.memory_space<hbm>>
      %dma_wait3A_130 = arith.constant 0 : i32
      %dma_wait3A_131 = tpu.memref_slice %arg5[%arg0, %add3A_96, %dma_wait3A_130] : memref<2x10240x128xf32, #tpu.memory_space<hbm>> -> memref<1x128x128xf32, #tpu.memory_space<hbm>>
      %dma_wait3A_132 = tpu.memref_squeeze %dma_wait3A_131 : memref<1x128x128xf32, #tpu.memory_space<hbm>> -> memref<128x128xf32, #tpu.memory_space<hbm>>
      tpu.wait_dma2 semaphore(%run_scoped3A : memref<!tpu.dma_semaphore, #tpu.memory_space<semaphore_mem>>) src(%arg11 : memref<128x128xf32, #tpu.memory_space<vmem>>) dst(%dma_wait3A_132 : memref<128x128xf32, #tpu.memory_space<hbm>>)
      tpu.yield
    }) : () -> ()
    %mul3A_97 = arith.constant 640 : i32
    %mul3A_98 = arith.muli %arg1, %mul3A_97 : i32
    %add3A_99 = arith.constant 256 : i32
    %add3A_100 = arith.addi %mul3A_98, %add3A_99 : i32
    "tpu.region"() ({
      %run_scoped3A = tpu.sem_alloc : memref<!tpu.dma_semaphore, #tpu.memory_space<semaphore_mem>>
      %dma_start3A_121 = arith.constant 0 : i32
      %dma_start3A_122 = tpu.memref_slice %arg12[%add3A_100, %dma_start3A_121] : memref<10240x128xf32, #tpu.memory_space<vmem_shared>> -> memref<128x128xf32, #tpu.memory_space<vmem_shared>>
      %dma_start3A_123 = arith.constant 0 : i32
      %dma_start3A_124 = tpu.memref_slice %arg12[%add3A_100, %dma_start3A_123] : memref<10240x128xf32, #tpu.memory_space<vmem_shared>> -> memref<128x128xf32, #tpu.memory_space<vmem_shared>>
      tpu.enqueue_dma source(%dma_start3A_124 : memref<128x128xf32, #tpu.memory_space<vmem_shared>>) target(%arg10 : memref<128x128xf32, #tpu.memory_space<vmem>>) target_semaphore(%run_scoped3A : memref<!tpu.dma_semaphore, #tpu.memory_space<semaphore_mem>>)
      %dma_wait3A_125 = arith.constant 0 : i32
      %dma_wait3A_126 = tpu.memref_slice %arg12[%add3A_100, %dma_wait3A_125] : memref<10240x128xf32, #tpu.memory_space<vmem_shared>> -> memref<128x128xf32, #tpu.memory_space<vmem_shared>>
      %dma_wait3A_127 = arith.constant 0 : i32
      %dma_wait3A_128 = tpu.memref_slice %arg12[%add3A_100, %dma_wait3A_127] : memref<10240x128xf32, #tpu.memory_space<vmem_shared>> -> memref<128x128xf32, #tpu.memory_space<vmem_shared>>
      tpu.wait_dma2 semaphore(%run_scoped3A : memref<!tpu.dma_semaphore, #tpu.memory_space<semaphore_mem>>) src(%dma_wait3A_128 : memref<128x128xf32, #tpu.memory_space<vmem_shared>>) dst(%arg10 : memref<128x128xf32, #tpu.memory_space<vmem>>)
      tpu.yield
    }) : () -> ()
    %mul3A_101 = arith.constant 640 : i32
    %mul3A_102 = arith.muli %arg1, %mul3A_101 : i32
    %add3A_103 = arith.constant 256 : i32
    %add3A_104 = arith.addi %mul3A_102, %add3A_103 : i32
    "tpu.region"() ({
      %run_scoped3A = tpu.sem_alloc : memref<!tpu.dma_semaphore, #tpu.memory_space<semaphore_mem>>
      %dma_start3A_121 = arith.constant 0 : i32
      %dma_start3A_122 = tpu.memref_slice %arg5[%arg0, %add3A_104, %dma_start3A_121] : memref<2x10240x128xf32, #tpu.memory_space<hbm>> -> memref<1x128x128xf32, #tpu.memory_space<hbm>>
      %dma_start3A_123 = tpu.memref_squeeze %dma_start3A_122 : memref<1x128x128xf32, #tpu.memory_space<hbm>> -> memref<128x128xf32, #tpu.memory_space<hbm>>
      %dma_start3A_124 = arith.constant 0 : i32
      %dma_start3A_125 = tpu.memref_slice %arg5[%arg0, %add3A_104, %dma_start3A_124] : memref<2x10240x128xf32, #tpu.memory_space<hbm>> -> memref<1x128x128xf32, #tpu.memory_space<hbm>>
      %dma_start3A_126 = tpu.memref_squeeze %dma_start3A_125 : memref<1x128x128xf32, #tpu.memory_space<hbm>> -> memref<128x128xf32, #tpu.memory_space<hbm>>
      tpu.enqueue_dma source(%arg10 : memref<128x128xf32, #tpu.memory_space<vmem>>) target(%dma_start3A_126 : memref<128x128xf32, #tpu.memory_space<hbm>>) target_semaphore(%run_scoped3A : memref<!tpu.dma_semaphore, #tpu.memory_space<semaphore_mem>>)
      %dma_wait3A_127 = arith.constant 0 : i32
      %dma_wait3A_128 = tpu.memref_slice %arg5[%arg0, %add3A_104, %dma_wait3A_127] : memref<2x10240x128xf32, #tpu.memory_space<hbm>> -> memref<1x128x128xf32, #tpu.memory_space<hbm>>
      %dma_wait3A_129 = tpu.memref_squeeze %dma_wait3A_128 : memref<1x128x128xf32, #tpu.memory_space<hbm>> -> memref<128x128xf32, #tpu.memory_space<hbm>>
      %dma_wait3A_130 = arith.constant 0 : i32
      %dma_wait3A_131 = tpu.memref_slice %arg5[%arg0, %add3A_104, %dma_wait3A_130] : memref<2x10240x128xf32, #tpu.memory_space<hbm>> -> memref<1x128x128xf32, #tpu.memory_space<hbm>>
      %dma_wait3A_132 = tpu.memref_squeeze %dma_wait3A_131 : memref<1x128x128xf32, #tpu.memory_space<hbm>> -> memref<128x128xf32, #tpu.memory_space<hbm>>
      tpu.wait_dma2 semaphore(%run_scoped3A : memref<!tpu.dma_semaphore, #tpu.memory_space<semaphore_mem>>) src(%arg10 : memref<128x128xf32, #tpu.memory_space<vmem>>) dst(%dma_wait3A_132 : memref<128x128xf32, #tpu.memory_space<hbm>>)
      tpu.yield
    }) : () -> ()
    %mul3A_105 = arith.constant 640 : i32
    %mul3A_106 = arith.muli %arg1, %mul3A_105 : i32
    %add3A_107 = arith.constant 384 : i32
    %add3A_108 = arith.addi %mul3A_106, %add3A_107 : i32
    "tpu.region"() ({
      %run_scoped3A = tpu.sem_alloc : memref<!tpu.dma_semaphore, #tpu.memory_space<semaphore_mem>>
      %dma_start3A_121 = arith.constant 0 : i32
      %dma_start3A_122 = tpu.memref_slice %arg12[%add3A_108, %dma_start3A_121] : memref<10240x128xf32, #tpu.memory_space<vmem_shared>> -> memref<128x128xf32, #tpu.memory_space<vmem_shared>>
      %dma_start3A_123 = arith.constant 0 : i32
      %dma_start3A_124 = tpu.memref_slice %arg12[%add3A_108, %dma_start3A_123] : memref<10240x128xf32, #tpu.memory_space<vmem_shared>> -> memref<128x128xf32, #tpu.memory_space<vmem_shared>>
      tpu.enqueue_dma source(%dma_start3A_124 : memref<128x128xf32, #tpu.memory_space<vmem_shared>>) target(%arg11 : memref<128x128xf32, #tpu.memory_space<vmem>>) target_semaphore(%run_scoped3A : memref<!tpu.dma_semaphore, #tpu.memory_space<semaphore_mem>>)
      %dma_wait3A_125 = arith.constant 0 : i32
      %dma_wait3A_126 = tpu.memref_slice %arg12[%add3A_108, %dma_wait3A_125] : memref<10240x128xf32, #tpu.memory_space<vmem_shared>> -> memref<128x128xf32, #tpu.memory_space<vmem_shared>>
      %dma_wait3A_127 = arith.constant 0 : i32
      %dma_wait3A_128 = tpu.memref_slice %arg12[%add3A_108, %dma_wait3A_127] : memref<10240x128xf32, #tpu.memory_space<vmem_shared>> -> memref<128x128xf32, #tpu.memory_space<vmem_shared>>
      tpu.wait_dma2 semaphore(%run_scoped3A : memref<!tpu.dma_semaphore, #tpu.memory_space<semaphore_mem>>) src(%dma_wait3A_128 : memref<128x128xf32, #tpu.memory_space<vmem_shared>>) dst(%arg11 : memref<128x128xf32, #tpu.memory_space<vmem>>)
      tpu.yield
    }) : () -> ()
    %mul3A_109 = arith.constant 640 : i32
    %mul3A_110 = arith.muli %arg1, %mul3A_109 : i32
    %add3A_111 = arith.constant 384 : i32
    %add3A_112 = arith.addi %mul3A_110, %add3A_111 : i32
    "tpu.region"() ({
      %run_scoped3A = tpu.sem_alloc : memref<!tpu.dma_semaphore, #tpu.memory_space<semaphore_mem>>
      %dma_start3A_121 = arith.constant 0 : i32
      %dma_start3A_122 = tpu.memref_slice %arg5[%arg0, %add3A_112, %dma_start3A_121] : memref<2x10240x128xf32, #tpu.memory_space<hbm>> -> memref<1x128x128xf32, #tpu.memory_space<hbm>>
      %dma_start3A_123 = tpu.memref_squeeze %dma_start3A_122 : memref<1x128x128xf32, #tpu.memory_space<hbm>> -> memref<128x128xf32, #tpu.memory_space<hbm>>
      %dma_start3A_124 = arith.constant 0 : i32
      %dma_start3A_125 = tpu.memref_slice %arg5[%arg0, %add3A_112, %dma_start3A_124] : memref<2x10240x128xf32, #tpu.memory_space<hbm>> -> memref<1x128x128xf32, #tpu.memory_space<hbm>>
      %dma_start3A_126 = tpu.memref_squeeze %dma_start3A_125 : memref<1x128x128xf32, #tpu.memory_space<hbm>> -> memref<128x128xf32, #tpu.memory_space<hbm>>
      tpu.enqueue_dma source(%arg11 : memref<128x128xf32, #tpu.memory_space<vmem>>) target(%dma_start3A_126 : memref<128x128xf32, #tpu.memory_space<hbm>>) target_semaphore(%run_scoped3A : memref<!tpu.dma_semaphore, #tpu.memory_space<semaphore_mem>>)
      %dma_wait3A_127 = arith.constant 0 : i32
      %dma_wait3A_128 = tpu.memref_slice %arg5[%arg0, %add3A_112, %dma_wait3A_127] : memref<2x10240x128xf32, #tpu.memory_space<hbm>> -> memref<1x128x128xf32, #tpu.memory_space<hbm>>
      %dma_wait3A_129 = tpu.memref_squeeze %dma_wait3A_128 : memref<1x128x128xf32, #tpu.memory_space<hbm>> -> memref<128x128xf32, #tpu.memory_space<hbm>>
      %dma_wait3A_130 = arith.constant 0 : i32
      %dma_wait3A_131 = tpu.memref_slice %arg5[%arg0, %add3A_112, %dma_wait3A_130] : memref<2x10240x128xf32, #tpu.memory_space<hbm>> -> memref<1x128x128xf32, #tpu.memory_space<hbm>>
      %dma_wait3A_132 = tpu.memref_squeeze %dma_wait3A_131 : memref<1x128x128xf32, #tpu.memory_space<hbm>> -> memref<128x128xf32, #tpu.memory_space<hbm>>
      tpu.wait_dma2 semaphore(%run_scoped3A : memref<!tpu.dma_semaphore, #tpu.memory_space<semaphore_mem>>) src(%arg11 : memref<128x128xf32, #tpu.memory_space<vmem>>) dst(%dma_wait3A_132 : memref<128x128xf32, #tpu.memory_space<hbm>>)
      tpu.yield
    }) : () -> ()
    %mul3A_113 = arith.constant 640 : i32
    %mul3A_114 = arith.muli %arg1, %mul3A_113 : i32
    %add3A_115 = arith.constant 512 : i32
    %add3A_116 = arith.addi %mul3A_114, %add3A_115 : i32
    "tpu.region"() ({
      %run_scoped3A = tpu.sem_alloc : memref<!tpu.dma_semaphore, #tpu.memory_space<semaphore_mem>>
      %dma_start3A_121 = arith.constant 0 : i32
      %dma_start3A_122 = tpu.memref_slice %arg12[%add3A_116, %dma_start3A_121] : memref<10240x128xf32, #tpu.memory_space<vmem_shared>> -> memref<128x128xf32, #tpu.memory_space<vmem_shared>>
      %dma_start3A_123 = arith.constant 0 : i32
      %dma_start3A_124 = tpu.memref_slice %arg12[%add3A_116, %dma_start3A_123] : memref<10240x128xf32, #tpu.memory_space<vmem_shared>> -> memref<128x128xf32, #tpu.memory_space<vmem_shared>>
      tpu.enqueue_dma source(%dma_start3A_124 : memref<128x128xf32, #tpu.memory_space<vmem_shared>>) target(%arg10 : memref<128x128xf32, #tpu.memory_space<vmem>>) target_semaphore(%run_scoped3A : memref<!tpu.dma_semaphore, #tpu.memory_space<semaphore_mem>>)
      %dma_wait3A_125 = arith.constant 0 : i32
      %dma_wait3A_126 = tpu.memref_slice %arg12[%add3A_116, %dma_wait3A_125] : memref<10240x128xf32, #tpu.memory_space<vmem_shared>> -> memref<128x128xf32, #tpu.memory_space<vmem_shared>>
      %dma_wait3A_127 = arith.constant 0 : i32
      %dma_wait3A_128 = tpu.memref_slice %arg12[%add3A_116, %dma_wait3A_127] : memref<10240x128xf32, #tpu.memory_space<vmem_shared>> -> memref<128x128xf32, #tpu.memory_space<vmem_shared>>
      tpu.wait_dma2 semaphore(%run_scoped3A : memref<!tpu.dma_semaphore, #tpu.memory_space<semaphore_mem>>) src(%dma_wait3A_128 : memref<128x128xf32, #tpu.memory_space<vmem_shared>>) dst(%arg10 : memref<128x128xf32, #tpu.memory_space<vmem>>)
      tpu.yield
    }) : () -> ()
    %mul3A_117 = arith.constant 640 : i32
    %mul3A_118 = arith.muli %arg1, %mul3A_117 : i32
    %add3A_119 = arith.constant 512 : i32
    %add3A_120 = arith.addi %mul3A_118, %add3A_119 : i32
    "tpu.region"() ({
      %run_scoped3A = tpu.sem_alloc : memref<!tpu.dma_semaphore, #tpu.memory_space<semaphore_mem>>
      %dma_start3A_121 = arith.constant 0 : i32
      %dma_start3A_122 = tpu.memref_slice %arg5[%arg0, %add3A_120, %dma_start3A_121] : memref<2x10240x128xf32, #tpu.memory_space<hbm>> -> memref<1x128x128xf32, #tpu.memory_space<hbm>>
      %dma_start3A_123 = tpu.memref_squeeze %dma_start3A_122 : memref<1x128x128xf32, #tpu.memory_space<hbm>> -> memref<128x128xf32, #tpu.memory_space<hbm>>
      %dma_start3A_124 = arith.constant 0 : i32
      %dma_start3A_125 = tpu.memref_slice %arg5[%arg0, %add3A_120, %dma_start3A_124] : memref<2x10240x128xf32, #tpu.memory_space<hbm>> -> memref<1x128x128xf32, #tpu.memory_space<hbm>>
      %dma_start3A_126 = tpu.memref_squeeze %dma_start3A_125 : memref<1x128x128xf32, #tpu.memory_space<hbm>> -> memref<128x128xf32, #tpu.memory_space<hbm>>
      tpu.enqueue_dma source(%arg10 : memref<128x128xf32, #tpu.memory_space<vmem>>) target(%dma_start3A_126 : memref<128x128xf32, #tpu.memory_space<hbm>>) target_semaphore(%run_scoped3A : memref<!tpu.dma_semaphore, #tpu.memory_space<semaphore_mem>>)
      %dma_wait3A_127 = arith.constant 0 : i32
      %dma_wait3A_128 = tpu.memref_slice %arg5[%arg0, %add3A_120, %dma_wait3A_127] : memref<2x10240x128xf32, #tpu.memory_space<hbm>> -> memref<1x128x128xf32, #tpu.memory_space<hbm>>
      %dma_wait3A_129 = tpu.memref_squeeze %dma_wait3A_128 : memref<1x128x128xf32, #tpu.memory_space<hbm>> -> memref<128x128xf32, #tpu.memory_space<hbm>>
      %dma_wait3A_130 = arith.constant 0 : i32
      %dma_wait3A_131 = tpu.memref_slice %arg5[%arg0, %add3A_120, %dma_wait3A_130] : memref<2x10240x128xf32, #tpu.memory_space<hbm>> -> memref<1x128x128xf32, #tpu.memory_space<hbm>>
      %dma_wait3A_132 = tpu.memref_squeeze %dma_wait3A_131 : memref<1x128x128xf32, #tpu.memory_space<hbm>> -> memref<128x128xf32, #tpu.memory_space<hbm>>
      tpu.wait_dma2 semaphore(%run_scoped3A : memref<!tpu.dma_semaphore, #tpu.memory_space<semaphore_mem>>) src(%arg10 : memref<128x128xf32, #tpu.memory_space<vmem>>) dst(%dma_wait3A_132 : memref<128x128xf32, #tpu.memory_space<hbm>>)
      tpu.yield
    }) : () -> ()
    return
  }
}

#map = affine_map<(d0, d1) -> (0, 0)>
#map1 = affine_map<(d0, d1) -> (0, 0, 0)>
module attributes {stable_mosaic.version = 14 : i64} {
  func.func @body(%arg0: i32, %arg1: i32, %arg2: memref<10000x128xf32, #tpu.memory_space<hbm>>, %arg3: memref<32x80x128xi32, #tpu.memory_space<hbm>>, %arg4: memref<32x80x128xi32, #tpu.memory_space<hbm>>, %arg5: memref<2x10240x128xf32, #tpu.memory_space<hbm>>, %arg6: memref<2x10240xf32, #tpu.memory_space<hbm>>, %arg7: memref<128xi32, #tpu.memory_space<vmem>>, %arg8: memref<128xi32, #tpu.memory_space<vmem>>, %arg9: memref<128xi32, #tpu.memory_space<vmem>>, %arg10: memref<128xi32, #tpu.memory_space<vmem>>, %arg11: memref<128x128xf32, #tpu.memory_space<vmem>>, %arg12: memref<128x128xf32, #tpu.memory_space<vmem>>, %arg13: memref<128xf32, #tpu.memory_space<vmem>>, %arg14: memref<640xf32, #tpu.memory_space<vmem>>, %arg15: memref<10240x128xf32, #tpu.memory_space<vmem_shared>>, %arg16: memref<10240xf32, #tpu.memory_space<vmem_shared>>, %arg17: memref<!tpu.dma_semaphore, #tpu.memory_space<semaphore_mem>>, %arg18: memref<!tpu.dma_semaphore, #tpu.memory_space<semaphore_mem>>, %arg19: memref<!tpu.dma_semaphore, #tpu.memory_space<semaphore_mem>>, %arg20: memref<!tpu.dma_semaphore, #tpu.memory_space<semaphore_mem>>, %arg21: memref<!tpu.dma_semaphore, #tpu.memory_space<semaphore_mem>>, %arg22: memref<!tpu.dma_semaphore, #tpu.memory_space<semaphore_mem>>) attributes {dimension_semantics = [#tpu.dimension_semantics<core_parallel>, #tpu.dimension_semantics<subcore_parallel>], iteration_bounds = array<i64: 2, 16>, scalar_prefetch = 0 : i64, scratch_operands = 16 : i64, tpu.core_type = #tpu.core_type<sc_vector_subcore>, window_params = [{transform_indices = #map}, {transform_indices = #map1}, {transform_indices = #map1}, {transform_indices = #map1}, {transform_indices = #map}]} {
    %mul3A = arith.constant 16 : i32
    %mul3A_0 = arith.muli %arg0, %mul3A : i32
    %add3A = arith.addi %mul3A_0, %arg1 : i32
    %scan3A = arith.constant 0 : i32
    %scan3A_1 = arith.constant 0 : i32
    %scan3A_2 = arith.constant 128 : i32
    %scan3A_3 = arith.addi %scan3A_1, %scan3A_2 : i32
    %scan3A_4 = arith.constant 1 : i32
    %scan3A_5 = scf.for %scan3A_134 = %scan3A_1 to %scan3A_3 step %scan3A_4 iter_args(%scan3A_135 = %scan3A) -> (i32)  : i32 {
      %broadcast_in_dim3A = arith.constant 0.000000e+00 : f32
      %broadcast_in_dim3A_136 = vector.broadcast %broadcast_in_dim3A : f32 to vector<16xf32>
      %swap3A = arith.index_cast %scan3A_134 : i32 to index
      %swap3A_137 = arith.constant 0 : index
      %swap3A_138 = tpu.vector_load %arg11[%swap3A, %swap3A_137] {strides = array<i32>} : memref<128x128xf32, #tpu.memory_space<vmem>>, vector<1x16xf32>,
      %swap3A_139 = vector.shape_cast %swap3A_138 : vector<1x16xf32> to vector<16xf32>
      %swap3A_140 = vector.shape_cast %broadcast_in_dim3A_136 : vector<16xf32> to vector<1x16xf32>
      tpu.vector_store %arg11[%swap3A, %swap3A_137], %swap3A_140 {strides = array<i32>} : memref<128x128xf32, #tpu.memory_space<vmem>>, vector<1x16xf32>,
      %broadcast_in_dim3A_141 = arith.constant 0.000000e+00 : f32
      %broadcast_in_dim3A_142 = vector.broadcast %broadcast_in_dim3A_141 : f32 to vector<16xf32>
      %swap3A_143 = arith.index_cast %scan3A_134 : i32 to index
      %swap3A_144 = arith.constant 16 : index
      %swap3A_145 = tpu.vector_load %arg11[%swap3A_143, %swap3A_144] {strides = array<i32>} : memref<128x128xf32, #tpu.memory_space<vmem>>, vector<1x16xf32>,
      %swap3A_146 = vector.shape_cast %swap3A_145 : vector<1x16xf32> to vector<16xf32>
      %swap3A_147 = vector.shape_cast %broadcast_in_dim3A_142 : vector<16xf32> to vector<1x16xf32>
      tpu.vector_store %arg11[%swap3A_143, %swap3A_144], %swap3A_147 {strides = array<i32>} : memref<128x128xf32, #tpu.memory_space<vmem>>, vector<1x16xf32>,
      %broadcast_in_dim3A_148 = arith.constant 0.000000e+00 : f32
      %broadcast_in_dim3A_149 = vector.broadcast %broadcast_in_dim3A_148 : f32 to vector<16xf32>
      %swap3A_150 = arith.index_cast %scan3A_134 : i32 to index
      %swap3A_151 = arith.constant 32 : index
      %swap3A_152 = tpu.vector_load %arg11[%swap3A_150, %swap3A_151] {strides = array<i32>} : memref<128x128xf32, #tpu.memory_space<vmem>>, vector<1x16xf32>,
      %swap3A_153 = vector.shape_cast %swap3A_152 : vector<1x16xf32> to vector<16xf32>
      %swap3A_154 = vector.shape_cast %broadcast_in_dim3A_149 : vector<16xf32> to vector<1x16xf32>
      tpu.vector_store %arg11[%swap3A_150, %swap3A_151], %swap3A_154 {strides = array<i32>} : memref<128x128xf32, #tpu.memory_space<vmem>>, vector<1x16xf32>,
      %broadcast_in_dim3A_155 = arith.constant 0.000000e+00 : f32
      %broadcast_in_dim3A_156 = vector.broadcast %broadcast_in_dim3A_155 : f32 to vector<16xf32>
      %swap3A_157 = arith.index_cast %scan3A_134 : i32 to index
      %swap3A_158 = arith.constant 48 : index
      %swap3A_159 = tpu.vector_load %arg11[%swap3A_157, %swap3A_158] {strides = array<i32>} : memref<128x128xf32, #tpu.memory_space<vmem>>, vector<1x16xf32>,
      %swap3A_160 = vector.shape_cast %swap3A_159 : vector<1x16xf32> to vector<16xf32>
      %swap3A_161 = vector.shape_cast %broadcast_in_dim3A_156 : vector<16xf32> to vector<1x16xf32>
      tpu.vector_store %arg11[%swap3A_157, %swap3A_158], %swap3A_161 {strides = array<i32>} : memref<128x128xf32, #tpu.memory_space<vmem>>, vector<1x16xf32>,
      %broadcast_in_dim3A_162 = arith.constant 0.000000e+00 : f32
      %broadcast_in_dim3A_163 = vector.broadcast %broadcast_in_dim3A_162 : f32 to vector<16xf32>
      %swap3A_164 = arith.index_cast %scan3A_134 : i32 to index
      %swap3A_165 = arith.constant 64 : index
      %swap3A_166 = tpu.vector_load %arg11[%swap3A_164, %swap3A_165] {strides = array<i32>} : memref<128x128xf32, #tpu.memory_space<vmem>>, vector<1x16xf32>,
      %swap3A_167 = vector.shape_cast %swap3A_166 : vector<1x16xf32> to vector<16xf32>
      %swap3A_168 = vector.shape_cast %broadcast_in_dim3A_163 : vector<16xf32> to vector<1x16xf32>
      tpu.vector_store %arg11[%swap3A_164, %swap3A_165], %swap3A_168 {strides = array<i32>} : memref<128x128xf32, #tpu.memory_space<vmem>>, vector<1x16xf32>,
      %broadcast_in_dim3A_169 = arith.constant 0.000000e+00 : f32
      %broadcast_in_dim3A_170 = vector.broadcast %broadcast_in_dim3A_169 : f32 to vector<16xf32>
      %swap3A_171 = arith.index_cast %scan3A_134 : i32 to index
      %swap3A_172 = arith.constant 80 : index
      %swap3A_173 = tpu.vector_load %arg11[%swap3A_171, %swap3A_172] {strides = array<i32>} : memref<128x128xf32, #tpu.memory_space<vmem>>, vector<1x16xf32>,
      %swap3A_174 = vector.shape_cast %swap3A_173 : vector<1x16xf32> to vector<16xf32>
      %swap3A_175 = vector.shape_cast %broadcast_in_dim3A_170 : vector<16xf32> to vector<1x16xf32>
      tpu.vector_store %arg11[%swap3A_171, %swap3A_172], %swap3A_175 {strides = array<i32>} : memref<128x128xf32, #tpu.memory_space<vmem>>, vector<1x16xf32>,
      %broadcast_in_dim3A_176 = arith.constant 0.000000e+00 : f32
      %broadcast_in_dim3A_177 = vector.broadcast %broadcast_in_dim3A_176 : f32 to vector<16xf32>
      %swap3A_178 = arith.index_cast %scan3A_134 : i32 to index
      %swap3A_179 = arith.constant 96 : index
      %swap3A_180 = tpu.vector_load %arg11[%swap3A_178, %swap3A_179] {strides = array<i32>} : memref<128x128xf32, #tpu.memory_space<vmem>>, vector<1x16xf32>,
      %swap3A_181 = vector.shape_cast %swap3A_180 : vector<1x16xf32> to vector<16xf32>
      %swap3A_182 = vector.shape_cast %broadcast_in_dim3A_177 : vector<16xf32> to vector<1x16xf32>
      tpu.vector_store %arg11[%swap3A_178, %swap3A_179], %swap3A_182 {strides = array<i32>} : memref<128x128xf32, #tpu.memory_space<vmem>>, vector<1x16xf32>,
      %broadcast_in_dim3A_183 = arith.constant 0.000000e+00 : f32
      %broadcast_in_dim3A_184 = vector.broadcast %broadcast_in_dim3A_183 : f32 to vector<16xf32>
      %swap3A_185 = arith.index_cast %scan3A_134 : i32 to index
      %swap3A_186 = arith.constant 112 : index
      %swap3A_187 = tpu.vector_load %arg11[%swap3A_185, %swap3A_186] {strides = array<i32>} : memref<128x128xf32, #tpu.memory_space<vmem>>, vector<1x16xf32>,
      %swap3A_188 = vector.shape_cast %swap3A_187 : vector<1x16xf32> to vector<16xf32>
      %swap3A_189 = vector.shape_cast %broadcast_in_dim3A_184 : vector<16xf32> to vector<1x16xf32>
      tpu.vector_store %arg11[%swap3A_185, %swap3A_186], %swap3A_189 {strides = array<i32>} : memref<128x128xf32, #tpu.memory_space<vmem>>, vector<1x16xf32>,
      %scan3A_190 = arith.constant 0 : i32
      scf.yield %scan3A_190 : i32
    }
    %scan3A_6 = arith.constant 128 : i32
    %scan3A_7 = arith.constant 0 : i32
    %scan3A_8 = arith.constant 0 : i32
    %scan3A_9 = arith.constant 8 : i32
    %scan3A_10 = arith.addi %scan3A_8, %scan3A_9 : i32
    %scan3A_11 = arith.constant 1 : i32
    %scan3A_12 = scf.for %scan3A_134 = %scan3A_8 to %scan3A_10 step %scan3A_11 iter_args(%scan3A_135 = %scan3A_7) -> (i32)  : i32 {
      %broadcast_in_dim3A = arith.constant 1.000000e+00 : f32
      %broadcast_in_dim3A_136 = vector.broadcast %broadcast_in_dim3A : f32 to vector<16xf32>
      %mul3A_137 = arith.constant 16 : i32
      %mul3A_138 = arith.muli %scan3A_134, %mul3A_137 : i32
      %swap3A = arith.index_cast %mul3A_138 : i32 to index
      %swap3A_139 = tpu.vector_load %arg13[%swap3A] {strides = array<i32>} : memref<128xf32, #tpu.memory_space<vmem>>, vector<16xf32>,
      %swap3A_140 = vector.shape_cast %swap3A_139 : vector<16xf32> to vector<16xf32>
      %swap3A_141 = vector.shape_cast %broadcast_in_dim3A_136 : vector<16xf32> to vector<16xf32>
      tpu.vector_store %arg13[%swap3A], %swap3A_141 {strides = array<i32>} : memref<128xf32, #tpu.memory_space<vmem>>, vector<16xf32>,
      %broadcast_in_dim3A_142 = arith.constant 0.000000e+00 : f32
      %broadcast_in_dim3A_143 = vector.broadcast %broadcast_in_dim3A_142 : f32 to vector<16xf32>
      %add3A_144 = arith.constant 0 : i32
      %add3A_145 = arith.addi %add3A_144, %scan3A_134 : i32
      %mul3A_146 = arith.constant 16 : i32
      %mul3A_147 = arith.muli %add3A_145, %mul3A_146 : i32
      %swap3A_148 = arith.index_cast %mul3A_147 : i32 to index
      %swap3A_149 = tpu.vector_load %arg14[%swap3A_148] {strides = array<i32>} : memref<640xf32, #tpu.memory_space<vmem>>, vector<16xf32>,
      %swap3A_150 = vector.shape_cast %swap3A_149 : vector<16xf32> to vector<16xf32>
      %swap3A_151 = vector.shape_cast %broadcast_in_dim3A_143 : vector<16xf32> to vector<16xf32>
      tpu.vector_store %arg14[%swap3A_148], %swap3A_151 {strides = array<i32>} : memref<640xf32, #tpu.memory_space<vmem>>, vector<16xf32>,
      %add3A_152 = arith.constant 8 : i32
      %add3A_153 = arith.addi %add3A_152, %scan3A_134 : i32
      %mul3A_154 = arith.constant 16 : i32
      %mul3A_155 = arith.muli %add3A_153, %mul3A_154 : i32
      %swap3A_156 = arith.index_cast %mul3A_155 : i32 to index
      %swap3A_157 = tpu.vector_load %arg14[%swap3A_156] {strides = array<i32>} : memref<640xf32, #tpu.memory_space<vmem>>, vector<16xf32>,
      %swap3A_158 = vector.shape_cast %swap3A_157 : vector<16xf32> to vector<16xf32>
      %swap3A_159 = vector.shape_cast %broadcast_in_dim3A_143 : vector<16xf32> to vector<16xf32>
      tpu.vector_store %arg14[%swap3A_156], %swap3A_159 {strides = array<i32>} : memref<640xf32, #tpu.memory_space<vmem>>, vector<16xf32>,
      %add3A_160 = arith.constant 16 : i32
      %add3A_161 = arith.addi %add3A_160, %scan3A_134 : i32
      %mul3A_162 = arith.constant 16 : i32
      %mul3A_163 = arith.muli %add3A_161, %mul3A_162 : i32
      %swap3A_164 = arith.index_cast %mul3A_163 : i32 to index
      %swap3A_165 = tpu.vector_load %arg14[%swap3A_164] {strides = array<i32>} : memref<640xf32, #tpu.memory_space<vmem>>, vector<16xf32>,
      %swap3A_166 = vector.shape_cast %swap3A_165 : vector<16xf32> to vector<16xf32>
      %swap3A_167 = vector.shape_cast %broadcast_in_dim3A_143 : vector<16xf32> to vector<16xf32>
      tpu.vector_store %arg14[%swap3A_164], %swap3A_167 {strides = array<i32>} : memref<640xf32, #tpu.memory_space<vmem>>, vector<16xf32>,
      %add3A_168 = arith.constant 24 : i32
      %add3A_169 = arith.addi %add3A_168, %scan3A_134 : i32
      %mul3A_170 = arith.constant 16 : i32
      %mul3A_171 = arith.muli %add3A_169, %mul3A_170 : i32
      %swap3A_172 = arith.index_cast %mul3A_171 : i32 to index
      %swap3A_173 = tpu.vector_load %arg14[%swap3A_172] {strides = array<i32>} : memref<640xf32, #tpu.memory_space<vmem>>, vector<16xf32>,
      %swap3A_174 = vector.shape_cast %swap3A_173 : vector<16xf32> to vector<16xf32>
      %swap3A_175 = vector.shape_cast %broadcast_in_dim3A_143 : vector<16xf32> to vector<16xf32>
      tpu.vector_store %arg14[%swap3A_172], %swap3A_175 {strides = array<i32>} : memref<640xf32, #tpu.memory_space<vmem>>, vector<16xf32>,
      %add3A_176 = arith.constant 32 : i32
      %add3A_177 = arith.addi %add3A_176, %scan3A_134 : i32
      %mul3A_178 = arith.constant 16 : i32
      %mul3A_179 = arith.muli %add3A_177, %mul3A_178 : i32
      %swap3A_180 = arith.index_cast %mul3A_179 : i32 to index
      %swap3A_181 = tpu.vector_load %arg14[%swap3A_180] {strides = array<i32>} : memref<640xf32, #tpu.memory_space<vmem>>, vector<16xf32>,
      %swap3A_182 = vector.shape_cast %swap3A_181 : vector<16xf32> to vector<16xf32>
      %swap3A_183 = vector.shape_cast %broadcast_in_dim3A_143 : vector<16xf32> to vector<16xf32>
      tpu.vector_store %arg14[%swap3A_180], %swap3A_183 {strides = array<i32>} : memref<640xf32, #tpu.memory_space<vmem>>, vector<16xf32>,
      %scan3A_184 = arith.constant 0 : i32
      scf.yield %scan3A_184 : i32
    }
    %scan3A_13 = arith.constant 8 : i32
    %mul3A_14 = arith.constant 640 : i32
    %mul3A_15 = arith.muli %arg1, %mul3A_14 : i32
    "tpu.region"() ({
      %run_scoped3A = tpu.sem_alloc : memref<!tpu.dma_semaphore, #tpu.memory_space<semaphore_mem>>
      %dma_start3A_134 = tpu.memref_slice %arg16[%mul3A_15] : memref<10240xf32, #tpu.memory_space<vmem_shared>> -> memref<640xf32, #tpu.memory_space<vmem_shared>>
      %dma_start3A_135 = tpu.memref_slice %arg16[%mul3A_15] : memref<10240xf32, #tpu.memory_space<vmem_shared>> -> memref<640xf32, #tpu.memory_space<vmem_shared>>
      tpu.enqueue_dma source(%arg14 : memref<640xf32, #tpu.memory_space<vmem>>) target(%dma_start3A_135 : memref<640xf32, #tpu.memory_space<vmem_shared>>) target_semaphore(%run_scoped3A : memref<!tpu.dma_semaphore, #tpu.memory_space<semaphore_mem>>)
      %dma_wait3A_136 = tpu.memref_slice %arg16[%mul3A_15] : memref<10240xf32, #tpu.memory_space<vmem_shared>> -> memref<640xf32, #tpu.memory_space<vmem_shared>>
      %dma_wait3A_137 = tpu.memref_slice %arg16[%mul3A_15] : memref<10240xf32, #tpu.memory_space<vmem_shared>> -> memref<640xf32, #tpu.memory_space<vmem_shared>>
      tpu.wait_dma2 semaphore(%run_scoped3A : memref<!tpu.dma_semaphore, #tpu.memory_space<semaphore_mem>>) src(%arg14 : memref<640xf32, #tpu.memory_space<vmem>>) dst(%dma_wait3A_137 : memref<640xf32, #tpu.memory_space<vmem_shared>>)
      tpu.yield
    }) : () -> ()
    %mul3A_16 = arith.constant 640 : i32
    %mul3A_17 = arith.muli %arg1, %mul3A_16 : i32
    %add3A_18 = arith.constant 0 : i32
    %add3A_19 = arith.addi %mul3A_17, %add3A_18 : i32
    "tpu.region"() ({
      %run_scoped3A = tpu.sem_alloc : memref<!tpu.dma_semaphore, #tpu.memory_space<semaphore_mem>>
      %dma_start3A_134 = arith.constant 0 : i32
      %dma_start3A_135 = tpu.memref_slice %arg15[%add3A_19, %dma_start3A_134] : memref<10240x128xf32, #tpu.memory_space<vmem_shared>> -> memref<128x128xf32, #tpu.memory_space<vmem_shared>>
      %dma_start3A_136 = arith.constant 0 : i32
      %dma_start3A_137 = tpu.memref_slice %arg15[%add3A_19, %dma_start3A_136] : memref<10240x128xf32, #tpu.memory_space<vmem_shared>> -> memref<128x128xf32, #tpu.memory_space<vmem_shared>>
      tpu.enqueue_dma source(%arg11 : memref<128x128xf32, #tpu.memory_space<vmem>>) target(%dma_start3A_137 : memref<128x128xf32, #tpu.memory_space<vmem_shared>>) target_semaphore(%run_scoped3A : memref<!tpu.dma_semaphore, #tpu.memory_space<semaphore_mem>>)
      %dma_wait3A_138 = arith.constant 0 : i32
      %dma_wait3A_139 = tpu.memref_slice %arg15[%add3A_19, %dma_wait3A_138] : memref<10240x128xf32, #tpu.memory_space<vmem_shared>> -> memref<128x128xf32, #tpu.memory_space<vmem_shared>>
      %dma_wait3A_140 = arith.constant 0 : i32
      %dma_wait3A_141 = tpu.memref_slice %arg15[%add3A_19, %dma_wait3A_140] : memref<10240x128xf32, #tpu.memory_space<vmem_shared>> -> memref<128x128xf32, #tpu.memory_space<vmem_shared>>
      tpu.wait_dma2 semaphore(%run_scoped3A : memref<!tpu.dma_semaphore, #tpu.memory_space<semaphore_mem>>) src(%arg11 : memref<128x128xf32, #tpu.memory_space<vmem>>) dst(%dma_wait3A_141 : memref<128x128xf32, #tpu.memory_space<vmem_shared>>)
      tpu.yield
    }) : () -> ()
    %mul3A_20 = arith.constant 640 : i32
    %mul3A_21 = arith.muli %arg1, %mul3A_20 : i32
    %add3A_22 = arith.constant 128 : i32
    %add3A_23 = arith.addi %mul3A_21, %add3A_22 : i32
    "tpu.region"() ({
      %run_scoped3A = tpu.sem_alloc : memref<!tpu.dma_semaphore, #tpu.memory_space<semaphore_mem>>
      %dma_start3A_134 = arith.constant 0 : i32
      %dma_start3A_135 = tpu.memref_slice %arg15[%add3A_23, %dma_start3A_134] : memref<10240x128xf32, #tpu.memory_space<vmem_shared>> -> memref<128x128xf32, #tpu.memory_space<vmem_shared>>
      %dma_start3A_136 = arith.constant 0 : i32
      %dma_start3A_137 = tpu.memref_slice %arg15[%add3A_23, %dma_start3A_136] : memref<10240x128xf32, #tpu.memory_space<vmem_shared>> -> memref<128x128xf32, #tpu.memory_space<vmem_shared>>
      tpu.enqueue_dma source(%arg11 : memref<128x128xf32, #tpu.memory_space<vmem>>) target(%dma_start3A_137 : memref<128x128xf32, #tpu.memory_space<vmem_shared>>) target_semaphore(%run_scoped3A : memref<!tpu.dma_semaphore, #tpu.memory_space<semaphore_mem>>)
      %dma_wait3A_138 = arith.constant 0 : i32
      %dma_wait3A_139 = tpu.memref_slice %arg15[%add3A_23, %dma_wait3A_138] : memref<10240x128xf32, #tpu.memory_space<vmem_shared>> -> memref<128x128xf32, #tpu.memory_space<vmem_shared>>
      %dma_wait3A_140 = arith.constant 0 : i32
      %dma_wait3A_141 = tpu.memref_slice %arg15[%add3A_23, %dma_wait3A_140] : memref<10240x128xf32, #tpu.memory_space<vmem_shared>> -> memref<128x128xf32, #tpu.memory_space<vmem_shared>>
      tpu.wait_dma2 semaphore(%run_scoped3A : memref<!tpu.dma_semaphore, #tpu.memory_space<semaphore_mem>>) src(%arg11 : memref<128x128xf32, #tpu.memory_space<vmem>>) dst(%dma_wait3A_141 : memref<128x128xf32, #tpu.memory_space<vmem_shared>>)
      tpu.yield
    }) : () -> ()
    %mul3A_24 = arith.constant 640 : i32
    %mul3A_25 = arith.muli %arg1, %mul3A_24 : i32
    %add3A_26 = arith.constant 256 : i32
    %add3A_27 = arith.addi %mul3A_25, %add3A_26 : i32
    "tpu.region"() ({
      %run_scoped3A = tpu.sem_alloc : memref<!tpu.dma_semaphore, #tpu.memory_space<semaphore_mem>>
      %dma_start3A_134 = arith.constant 0 : i32
      %dma_start3A_135 = tpu.memref_slice %arg15[%add3A_27, %dma_start3A_134] : memref<10240x128xf32, #tpu.memory_space<vmem_shared>> -> memref<128x128xf32, #tpu.memory_space<vmem_shared>>
      %dma_start3A_136 = arith.constant 0 : i32
      %dma_start3A_137 = tpu.memref_slice %arg15[%add3A_27, %dma_start3A_136] : memref<10240x128xf32, #tpu.memory_space<vmem_shared>> -> memref<128x128xf32, #tpu.memory_space<vmem_shared>>
      tpu.enqueue_dma source(%arg11 : memref<128x128xf32, #tpu.memory_space<vmem>>) target(%dma_start3A_137 : memref<128x128xf32, #tpu.memory_space<vmem_shared>>) target_semaphore(%run_scoped3A : memref<!tpu.dma_semaphore, #tpu.memory_space<semaphore_mem>>)
      %dma_wait3A_138 = arith.constant 0 : i32
      %dma_wait3A_139 = tpu.memref_slice %arg15[%add3A_27, %dma_wait3A_138] : memref<10240x128xf32, #tpu.memory_space<vmem_shared>> -> memref<128x128xf32, #tpu.memory_space<vmem_shared>>
      %dma_wait3A_140 = arith.constant 0 : i32
      %dma_wait3A_141 = tpu.memref_slice %arg15[%add3A_27, %dma_wait3A_140] : memref<10240x128xf32, #tpu.memory_space<vmem_shared>> -> memref<128x128xf32, #tpu.memory_space<vmem_shared>>
      tpu.wait_dma2 semaphore(%run_scoped3A : memref<!tpu.dma_semaphore, #tpu.memory_space<semaphore_mem>>) src(%arg11 : memref<128x128xf32, #tpu.memory_space<vmem>>) dst(%dma_wait3A_141 : memref<128x128xf32, #tpu.memory_space<vmem_shared>>)
      tpu.yield
    }) : () -> ()
    %mul3A_28 = arith.constant 640 : i32
    %mul3A_29 = arith.muli %arg1, %mul3A_28 : i32
    %add3A_30 = arith.constant 384 : i32
    %add3A_31 = arith.addi %mul3A_29, %add3A_30 : i32
    "tpu.region"() ({
      %run_scoped3A = tpu.sem_alloc : memref<!tpu.dma_semaphore, #tpu.memory_space<semaphore_mem>>
      %dma_start3A_134 = arith.constant 0 : i32
      %dma_start3A_135 = tpu.memref_slice %arg15[%add3A_31, %dma_start3A_134] : memref<10240x128xf32, #tpu.memory_space<vmem_shared>> -> memref<128x128xf32, #tpu.memory_space<vmem_shared>>
      %dma_start3A_136 = arith.constant 0 : i32
      %dma_start3A_137 = tpu.memref_slice %arg15[%add3A_31, %dma_start3A_136] : memref<10240x128xf32, #tpu.memory_space<vmem_shared>> -> memref<128x128xf32, #tpu.memory_space<vmem_shared>>
      tpu.enqueue_dma source(%arg11 : memref<128x128xf32, #tpu.memory_space<vmem>>) target(%dma_start3A_137 : memref<128x128xf32, #tpu.memory_space<vmem_shared>>) target_semaphore(%run_scoped3A : memref<!tpu.dma_semaphore, #tpu.memory_space<semaphore_mem>>)
      %dma_wait3A_138 = arith.constant 0 : i32
      %dma_wait3A_139 = tpu.memref_slice %arg15[%add3A_31, %dma_wait3A_138] : memref<10240x128xf32, #tpu.memory_space<vmem_shared>> -> memref<128x128xf32, #tpu.memory_space<vmem_shared>>
      %dma_wait3A_140 = arith.constant 0 : i32
      %dma_wait3A_141 = tpu.memref_slice %arg15[%add3A_31, %dma_wait3A_140] : memref<10240x128xf32, #tpu.memory_space<vmem_shared>> -> memref<128x128xf32, #tpu.memory_space<vmem_shared>>
      tpu.wait_dma2 semaphore(%run_scoped3A : memref<!tpu.dma_semaphore, #tpu.memory_space<semaphore_mem>>) src(%arg11 : memref<128x128xf32, #tpu.memory_space<vmem>>) dst(%dma_wait3A_141 : memref<128x128xf32, #tpu.memory_space<vmem_shared>>)
      tpu.yield
    }) : () -> ()
    %mul3A_32 = arith.constant 640 : i32
    %mul3A_33 = arith.muli %arg1, %mul3A_32 : i32
    %add3A_34 = arith.constant 512 : i32
    %add3A_35 = arith.addi %mul3A_33, %add3A_34 : i32
    "tpu.region"() ({
      %run_scoped3A = tpu.sem_alloc : memref<!tpu.dma_semaphore, #tpu.memory_space<semaphore_mem>>
      %dma_start3A_134 = arith.constant 0 : i32
      %dma_start3A_135 = tpu.memref_slice %arg15[%add3A_35, %dma_start3A_134] : memref<10240x128xf32, #tpu.memory_space<vmem_shared>> -> memref<128x128xf32, #tpu.memory_space<vmem_shared>>
      %dma_start3A_136 = arith.constant 0 : i32
      %dma_start3A_137 = tpu.memref_slice %arg15[%add3A_35, %dma_start3A_136] : memref<10240x128xf32, #tpu.memory_space<vmem_shared>> -> memref<128x128xf32, #tpu.memory_space<vmem_shared>>
      tpu.enqueue_dma source(%arg11 : memref<128x128xf32, #tpu.memory_space<vmem>>) target(%dma_start3A_137 : memref<128x128xf32, #tpu.memory_space<vmem_shared>>) target_semaphore(%run_scoped3A : memref<!tpu.dma_semaphore, #tpu.memory_space<semaphore_mem>>)
      %dma_wait3A_138 = arith.constant 0 : i32
      %dma_wait3A_139 = tpu.memref_slice %arg15[%add3A_35, %dma_wait3A_138] : memref<10240x128xf32, #tpu.memory_space<vmem_shared>> -> memref<128x128xf32, #tpu.memory_space<vmem_shared>>
      %dma_wait3A_140 = arith.constant 0 : i32
      %dma_wait3A_141 = tpu.memref_slice %arg15[%add3A_35, %dma_wait3A_140] : memref<10240x128xf32, #tpu.memory_space<vmem_shared>> -> memref<128x128xf32, #tpu.memory_space<vmem_shared>>
      tpu.wait_dma2 semaphore(%run_scoped3A : memref<!tpu.dma_semaphore, #tpu.memory_space<semaphore_mem>>) src(%arg11 : memref<128x128xf32, #tpu.memory_space<vmem>>) dst(%dma_wait3A_141 : memref<128x128xf32, #tpu.memory_space<vmem_shared>>)
      tpu.yield
    }) : () -> ()
    %barrier3A = arith.constant 0 : index
    tpu.barrier barrier_id(%barrier3A)
    %dma_start3A = arith.constant 0 : i32
    %dma_start3A_36 = arith.constant 0 : i32
    %dma_start3A_37 = tpu.memref_slice %arg4[%add3A, %dma_start3A, %dma_start3A_36] : memref<32x80x128xi32, #tpu.memory_space<hbm>> -> memref<1x1x128xi32, #tpu.memory_space<hbm>>
    %dma_start3A_38 = tpu.memref_squeeze %dma_start3A_37 : memref<1x1x128xi32, #tpu.memory_space<hbm>> -> memref<128xi32, #tpu.memory_space<hbm>>
    %dma_start3A_39 = arith.constant 0 : i32
    %dma_start3A_40 = tpu.memref_slice %arg4[%add3A, %dma_start3A, %dma_start3A_39] : memref<32x80x128xi32, #tpu.memory_space<hbm>> -> memref<1x1x128xi32, #tpu.memory_space<hbm>>
    %dma_start3A_41 = tpu.memref_squeeze %dma_start3A_40 : memref<1x1x128xi32, #tpu.memory_space<hbm>> -> memref<128xi32, #tpu.memory_space<hbm>>
    tpu.enqueue_dma source(%dma_start3A_41 : memref<128xi32, #tpu.memory_space<hbm>>) target(%arg9 : memref<128xi32, #tpu.memory_space<vmem>>) target_semaphore(%arg19 : memref<!tpu.dma_semaphore, #tpu.memory_space<semaphore_mem>>)
    %dma_start3A_42 = arith.constant 0 : i32
    %dma_start3A_43 = arith.constant 0 : i32
    %dma_start3A_44 = tpu.memref_slice %arg3[%add3A, %dma_start3A_42, %dma_start3A_43] : memref<32x80x128xi32, #tpu.memory_space<hbm>> -> memref<1x1x128xi32, #tpu.memory_space<hbm>>
    %dma_start3A_45 = tpu.memref_squeeze %dma_start3A_44 : memref<1x1x128xi32, #tpu.memory_space<hbm>> -> memref<128xi32, #tpu.memory_space<hbm>>
    %dma_start3A_46 = arith.constant 0 : i32
    %dma_start3A_47 = tpu.memref_slice %arg3[%add3A, %dma_start3A_42, %dma_start3A_46] : memref<32x80x128xi32, #tpu.memory_space<hbm>> -> memref<1x1x128xi32, #tpu.memory_space<hbm>>
    %dma_start3A_48 = tpu.memref_squeeze %dma_start3A_47 : memref<1x1x128xi32, #tpu.memory_space<hbm>> -> memref<128xi32, #tpu.memory_space<hbm>>
    tpu.enqueue_dma source(%dma_start3A_48 : memref<128xi32, #tpu.memory_space<hbm>>) target(%arg7 : memref<128xi32, #tpu.memory_space<vmem>>) target_semaphore(%arg17 : memref<!tpu.dma_semaphore, #tpu.memory_space<semaphore_mem>>)
    %dma_wait3A = arith.constant 0 : i32
    %dma_wait3A_49 = arith.constant 0 : i32
    %dma_wait3A_50 = tpu.memref_slice %arg3[%add3A, %dma_wait3A, %dma_wait3A_49] : memref<32x80x128xi32, #tpu.memory_space<hbm>> -> memref<1x1x128xi32, #tpu.memory_space<hbm>>
    %dma_wait3A_51 = tpu.memref_squeeze %dma_wait3A_50 : memref<1x1x128xi32, #tpu.memory_space<hbm>> -> memref<128xi32, #tpu.memory_space<hbm>>
    %dma_wait3A_52 = arith.constant 0 : i32
    %dma_wait3A_53 = tpu.memref_slice %arg3[%add3A, %dma_wait3A, %dma_wait3A_52] : memref<32x80x128xi32, #tpu.memory_space<hbm>> -> memref<1x1x128xi32, #tpu.memory_space<hbm>>
    %dma_wait3A_54 = tpu.memref_squeeze %dma_wait3A_53 : memref<1x1x128xi32, #tpu.memory_space<hbm>> -> memref<128xi32, #tpu.memory_space<hbm>>
    tpu.wait_dma2 semaphore(%arg17 : memref<!tpu.dma_semaphore, #tpu.memory_space<semaphore_mem>>) src(%dma_wait3A_54 : memref<128xi32, #tpu.memory_space<hbm>>) dst(%arg7 : memref<128xi32, #tpu.memory_space<vmem>>)
    %dma_start3A_55 = arith.constant 0 : i32
    %dma_start3A_56 = arith.constant 0 : i32
    %dma_start3A_57 = tpu.memref_slice %arg2[%dma_start3A_55, %dma_start3A_56] : memref<10000x128xf32, #tpu.memory_space<hbm>> -> memref<10000x128xf32, #tpu.memory_space<hbm>>
    tpu.enqueue_indirect_dma source(%dma_start3A_57 : memref<10000x128xf32, #tpu.memory_space<hbm>>) target(%arg11 : memref<128x128xf32, #tpu.memory_space<vmem>>) offsets(%arg7 : memref<128xi32, #tpu.memory_space<vmem>>) semaphore(%arg21 : memref<!tpu.dma_semaphore, #tpu.memory_space<semaphore_mem>>)
    %dma_start3A_58 = arith.constant 1 : i32
    %dma_start3A_59 = arith.constant 0 : i32
    %dma_start3A_60 = tpu.memref_slice %arg4[%add3A, %dma_start3A_58, %dma_start3A_59] : memref<32x80x128xi32, #tpu.memory_space<hbm>> -> memref<1x1x128xi32, #tpu.memory_space<hbm>>
    %dma_start3A_61 = tpu.memref_squeeze %dma_start3A_60 : memref<1x1x128xi32, #tpu.memory_space<hbm>> -> memref<128xi32, #tpu.memory_space<hbm>>
    %dma_start3A_62 = arith.constant 0 : i32
    %dma_start3A_63 = tpu.memref_slice %arg4[%add3A, %dma_start3A_58, %dma_start3A_62] : memref<32x80x128xi32, #tpu.memory_space<hbm>> -> memref<1x1x128xi32, #tpu.memory_space<hbm>>
    %dma_start3A_64 = tpu.memref_squeeze %dma_start3A_63 : memref<1x1x128xi32, #tpu.memory_space<hbm>> -> memref<128xi32, #tpu.memory_space<hbm>>
    tpu.enqueue_dma source(%dma_start3A_64 : memref<128xi32, #tpu.memory_space<hbm>>) target(%arg10 : memref<128xi32, #tpu.memory_space<vmem>>) target_semaphore(%arg20 : memref<!tpu.dma_semaphore, #tpu.memory_space<semaphore_mem>>)
    %dma_start3A_65 = arith.constant 1 : i32
    %dma_start3A_66 = arith.constant 0 : i32
    %dma_start3A_67 = tpu.memref_slice %arg3[%add3A, %dma_start3A_65, %dma_start3A_66] : memref<32x80x128xi32, #tpu.memory_space<hbm>> -> memref<1x1x128xi32, #tpu.memory_space<hbm>>
    %dma_start3A_68 = tpu.memref_squeeze %dma_start3A_67 : memref<1x1x128xi32, #tpu.memory_space<hbm>> -> memref<128xi32, #tpu.memory_space<hbm>>
    %dma_start3A_69 = arith.constant 0 : i32
    %dma_start3A_70 = tpu.memref_slice %arg3[%add3A, %dma_start3A_65, %dma_start3A_69] : memref<32x80x128xi32, #tpu.memory_space<hbm>> -> memref<1x1x128xi32, #tpu.memory_space<hbm>>
    %dma_start3A_71 = tpu.memref_squeeze %dma_start3A_70 : memref<1x1x128xi32, #tpu.memory_space<hbm>> -> memref<128xi32, #tpu.memory_space<hbm>>
    tpu.enqueue_dma source(%dma_start3A_71 : memref<128xi32, #tpu.memory_space<hbm>>) target(%arg8 : memref<128xi32, #tpu.memory_space<vmem>>) target_semaphore(%arg18 : memref<!tpu.dma_semaphore, #tpu.memory_space<semaphore_mem>>)
    %dma_wait3A_72 = arith.constant 1 : i32
    %dma_wait3A_73 = arith.constant 0 : i32
    %dma_wait3A_74 = tpu.memref_slice %arg3[%add3A, %dma_wait3A_72, %dma_wait3A_73] : memref<32x80x128xi32, #tpu.memory_space<hbm>> -> memref<1x1x128xi32, #tpu.memory_space<hbm>>
    %dma_wait3A_75 = tpu.memref_squeeze %dma_wait3A_74 : memref<1x1x128xi32, #tpu.memory_space<hbm>> -> memref<128xi32, #tpu.memory_space<hbm>>
    %dma_wait3A_76 = arith.constant 0 : i32
    %dma_wait3A_77 = tpu.memref_slice %arg3[%add3A, %dma_wait3A_72, %dma_wait3A_76] : memref<32x80x128xi32, #tpu.memory_space<hbm>> -> memref<1x1x128xi32, #tpu.memory_space<hbm>>
    %dma_wait3A_78 = tpu.memref_squeeze %dma_wait3A_77 : memref<1x1x128xi32, #tpu.memory_space<hbm>> -> memref<128xi32, #tpu.memory_space<hbm>>
    tpu.wait_dma2 semaphore(%arg18 : memref<!tpu.dma_semaphore, #tpu.memory_space<semaphore_mem>>) src(%dma_wait3A_78 : memref<128xi32, #tpu.memory_space<hbm>>) dst(%arg8 : memref<128xi32, #tpu.memory_space<vmem>>)
    %dma_start3A_79 = arith.constant 0 : i32
    %dma_start3A_80 = arith.constant 0 : i32
    %dma_start3A_81 = tpu.memref_slice %arg2[%dma_start3A_79, %dma_start3A_80] : memref<10000x128xf32, #tpu.memory_space<hbm>> -> memref<10000x128xf32, #tpu.memory_space<hbm>>
    tpu.enqueue_indirect_dma source(%dma_start3A_81 : memref<10000x128xf32, #tpu.memory_space<hbm>>) target(%arg12 : memref<128x128xf32, #tpu.memory_space<vmem>>) offsets(%arg8 : memref<128xi32, #tpu.memory_space<vmem>>) semaphore(%arg22 : memref<!tpu.dma_semaphore, #tpu.memory_space<semaphore_mem>>)
    %scan3A_82 = arith.constant 0 : i32
    %scan3A_83 = arith.constant 0 : i32
    %scan3A_84 = arith.constant 40 : i32
    %scan3A_85 = arith.addi %scan3A_83, %scan3A_84 : i32
    %scan3A_86 = arith.constant 1 : i32
    %scan3A_87 = scf.for %scan3A_134 = %scan3A_83 to %scan3A_85 step %scan3A_86 iter_args(%scan3A_135 = %scan3A_82) -> (i32)  : i32 {
      %mul3A_136 = arith.constant 2 : i32
      %mul3A_137 = arith.muli %mul3A_136, %scan3A_134 : i32
      %add3A_138 = arith.constant 0 : i32
      %add3A_139 = arith.addi %mul3A_137, %add3A_138 : i32
      %dma_wait3A_140 = arith.constant 0 : i32
      %dma_wait3A_141 = tpu.memref_slice %arg4[%add3A, %add3A_139, %dma_wait3A_140] : memref<32x80x128xi32, #tpu.memory_space<hbm>> -> memref<1x1x128xi32, #tpu.memory_space<hbm>>
      %dma_wait3A_142 = tpu.memref_squeeze %dma_wait3A_141 : memref<1x1x128xi32, #tpu.memory_space<hbm>> -> memref<128xi32, #tpu.memory_space<hbm>>
      %dma_wait3A_143 = arith.constant 0 : i32
      %dma_wait3A_144 = tpu.memref_slice %arg4[%add3A, %add3A_139, %dma_wait3A_143] : memref<32x80x128xi32, #tpu.memory_space<hbm>> -> memref<1x1x128xi32, #tpu.memory_space<hbm>>
      %dma_wait3A_145 = tpu.memref_squeeze %dma_wait3A_144 : memref<1x1x128xi32, #tpu.memory_space<hbm>> -> memref<128xi32, #tpu.memory_space<hbm>>
      tpu.wait_dma2 semaphore(%arg19 : memref<!tpu.dma_semaphore, #tpu.memory_space<semaphore_mem>>) src(%dma_wait3A_145 : memref<128xi32, #tpu.memory_space<hbm>>) dst(%arg9 : memref<128xi32, #tpu.memory_space<vmem>>)
      %add3A_146 = arith.constant 2 : i32
      %add3A_147 = arith.addi %add3A_139, %add3A_146 : i32
      "tpu.region"() ({
        %run_scoped3A = tpu.sem_alloc : memref<!tpu.dma_semaphore, #tpu.memory_space<semaphore_mem>>
        %dma_start3A_184 = arith.constant 0 : i32
        %dma_start3A_185 = tpu.memref_slice %arg16[%dma_start3A_184] : memref<10240xf32, #tpu.memory_space<vmem_shared>> -> memref<10240xf32, #tpu.memory_space<vmem_shared>>
        tpu.enqueue_indirect_dma source(%arg13 : memref<128xf32, #tpu.memory_space<vmem>>) target(%dma_start3A_185 : memref<10240xf32, #tpu.memory_space<vmem_shared>>) offsets(%arg9 : memref<128xi32, #tpu.memory_space<vmem>>) semaphore(%run_scoped3A : memref<!tpu.dma_semaphore, #tpu.memory_space<semaphore_mem>>) {add = true}
        %dma_wait3A_186 = arith.constant 0 : i32
        %dma_wait3A_187 = tpu.memref_slice %arg16[%dma_wait3A_186] : memref<10240xf32, #tpu.memory_space<vmem_shared>> -> memref<10240xf32, #tpu.memory_space<vmem_shared>>
        tpu.wait_indirect_dma semaphore(%run_scoped3A : memref<!tpu.dma_semaphore, #tpu.memory_space<semaphore_mem>>) src(%arg13 : memref<128xf32, #tpu.memory_space<vmem>>) dst(%dma_wait3A_187 : memref<10240xf32, #tpu.memory_space<vmem_shared>>)
        tpu.yield
      }) : () -> ()
      %dma_wait3A_148 = arith.constant 0 : i32
      %dma_wait3A_149 = arith.constant 0 : i32
      %dma_wait3A_150 = tpu.memref_slice %arg2[%dma_wait3A_148, %dma_wait3A_149] : memref<10000x128xf32, #tpu.memory_space<hbm>> -> memref<10000x128xf32, #tpu.memory_space<hbm>>
      tpu.wait_indirect_dma semaphore(%arg21 : memref<!tpu.dma_semaphore, #tpu.memory_space<semaphore_mem>>) src(%dma_wait3A_150 : memref<10000x128xf32, #tpu.memory_space<hbm>>) dst(%arg11 : memref<128x128xf32, #tpu.memory_space<vmem>>)
      %lt3A = arith.constant 80 : i32
      %lt3A_151 = arith.cmpi slt, %add3A_147, %lt3A : i32
      %convert_element_type3A = arith.extui %lt3A_151 : i1 to i32
      %cond3A = arith.constant 0 : i32
      %cond3A_152 = arith.cmpi ne, %convert_element_type3A, %cond3A : i32
      scf.if %cond3A_152 {
        %dma_start3A_184 = arith.constant 0 : i32
        %dma_start3A_185 = tpu.memref_slice %arg3[%add3A, %add3A_147, %dma_start3A_184] : memref<32x80x128xi32, #tpu.memory_space<hbm>> -> memref<1x1x128xi32, #tpu.memory_space<hbm>>
        %dma_start3A_186 = tpu.memref_squeeze %dma_start3A_185 : memref<1x1x128xi32, #tpu.memory_space<hbm>> -> memref<128xi32, #tpu.memory_space<hbm>>
        %dma_start3A_187 = arith.constant 0 : i32
        %dma_start3A_188 = tpu.memref_slice %arg3[%add3A, %add3A_147, %dma_start3A_187] : memref<32x80x128xi32, #tpu.memory_space<hbm>> -> memref<1x1x128xi32, #tpu.memory_space<hbm>>
        %dma_start3A_189 = tpu.memref_squeeze %dma_start3A_188 : memref<1x1x128xi32, #tpu.memory_space<hbm>> -> memref<128xi32, #tpu.memory_space<hbm>>
        tpu.enqueue_dma source(%dma_start3A_189 : memref<128xi32, #tpu.memory_space<hbm>>) target(%arg7 : memref<128xi32, #tpu.memory_space<vmem>>) target_semaphore(%arg17 : memref<!tpu.dma_semaphore, #tpu.memory_space<semaphore_mem>>)
      } else {
      }
      "tpu.region"() ({
        %run_scoped3A = tpu.sem_alloc : memref<!tpu.dma_semaphore, #tpu.memory_space<semaphore_mem>>
        %dma_start3A_184 = arith.constant 0 : i32
        %dma_start3A_185 = arith.constant 0 : i32
        %dma_start3A_186 = tpu.memref_slice %arg15[%dma_start3A_184, %dma_start3A_185] : memref<10240x128xf32, #tpu.memory_space<vmem_shared>> -> memref<10240x128xf32, #tpu.memory_space<vmem_shared>>
        tpu.enqueue_indirect_dma source(%arg11 : memref<128x128xf32, #tpu.memory_space<vmem>>) target(%dma_start3A_186 : memref<10240x128xf32, #tpu.memory_space<vmem_shared>>) offsets(%arg9 : memref<128xi32, #tpu.memory_space<vmem>>) semaphore(%run_scoped3A : memref<!tpu.dma_semaphore, #tpu.memory_space<semaphore_mem>>) {add = true}
        %dma_wait3A_187 = arith.constant 0 : i32
        %dma_wait3A_188 = arith.constant 0 : i32
        %dma_wait3A_189 = tpu.memref_slice %arg15[%dma_wait3A_187, %dma_wait3A_188] : memref<10240x128xf32, #tpu.memory_space<vmem_shared>> -> memref<10240x128xf32, #tpu.memory_space<vmem_shared>>
        tpu.wait_indirect_dma semaphore(%run_scoped3A : memref<!tpu.dma_semaphore, #tpu.memory_space<semaphore_mem>>) src(%arg11 : memref<128x128xf32, #tpu.memory_space<vmem>>) dst(%dma_wait3A_189 : memref<10240x128xf32, #tpu.memory_space<vmem_shared>>)
        tpu.yield
      }) : () -> ()
      %lt3A_153 = arith.constant 80 : i32
      %lt3A_154 = arith.cmpi slt, %add3A_147, %lt3A_153 : i32
      %convert_element_type3A_155 = arith.extui %lt3A_154 : i1 to i32
      %cond3A_156 = arith.constant 0 : i32
      %cond3A_157 = arith.cmpi ne, %convert_element_type3A_155, %cond3A_156 : i32
      scf.if %cond3A_157 {
        %dma_wait3A_184 = arith.constant 0 : i32
        %dma_wait3A_185 = tpu.memref_slice %arg3[%add3A, %add3A_147, %dma_wait3A_184] : memref<32x80x128xi32, #tpu.memory_space<hbm>> -> memref<1x1x128xi32, #tpu.memory_space<hbm>>
        %dma_wait3A_186 = tpu.memref_squeeze %dma_wait3A_185 : memref<1x1x128xi32, #tpu.memory_space<hbm>> -> memref<128xi32, #tpu.memory_space<hbm>>
        %dma_wait3A_187 = arith.constant 0 : i32
        %dma_wait3A_188 = tpu.memref_slice %arg3[%add3A, %add3A_147, %dma_wait3A_187] : memref<32x80x128xi32, #tpu.memory_space<hbm>> -> memref<1x1x128xi32, #tpu.memory_space<hbm>>
        %dma_wait3A_189 = tpu.memref_squeeze %dma_wait3A_188 : memref<1x1x128xi32, #tpu.memory_space<hbm>> -> memref<128xi32, #tpu.memory_space<hbm>>
        tpu.wait_dma2 semaphore(%arg17 : memref<!tpu.dma_semaphore, #tpu.memory_space<semaphore_mem>>) src(%dma_wait3A_189 : memref<128xi32, #tpu.memory_space<hbm>>) dst(%arg7 : memref<128xi32, #tpu.memory_space<vmem>>)
        %dma_start3A_190 = arith.constant 0 : i32
        %dma_start3A_191 = arith.constant 0 : i32
        %dma_start3A_192 = tpu.memref_slice %arg2[%dma_start3A_190, %dma_start3A_191] : memref<10000x128xf32, #tpu.memory_space<hbm>> -> memref<10000x128xf32, #tpu.memory_space<hbm>>
        tpu.enqueue_indirect_dma source(%dma_start3A_192 : memref<10000x128xf32, #tpu.memory_space<hbm>>) target(%arg11 : memref<128x128xf32, #tpu.memory_space<vmem>>) offsets(%arg7 : memref<128xi32, #tpu.memory_space<vmem>>) semaphore(%arg21 : memref<!tpu.dma_semaphore, #tpu.memory_space<semaphore_mem>>)
        %dma_start3A_193 = arith.constant 0 : i32
        %dma_start3A_194 = tpu.memref_slice %arg4[%add3A, %add3A_147, %dma_start3A_193] : memref<32x80x128xi32, #tpu.memory_space<hbm>> -> memref<1x1x128xi32, #tpu.memory_space<hbm>>
        %dma_start3A_195 = tpu.memref_squeeze %dma_start3A_194 : memref<1x1x128xi32, #tpu.memory_space<hbm>> -> memref<128xi32, #tpu.memory_space<hbm>>
        %dma_start3A_196 = arith.constant 0 : i32
        %dma_start3A_197 = tpu.memref_slice %arg4[%add3A, %add3A_147, %dma_start3A_196] : memref<32x80x128xi32, #tpu.memory_space<hbm>> -> memref<1x1x128xi32, #tpu.memory_space<hbm>>
        %dma_start3A_198 = tpu.memref_squeeze %dma_start3A_197 : memref<1x1x128xi32, #tpu.memory_space<hbm>> -> memref<128xi32, #tpu.memory_space<hbm>>
        tpu.enqueue_dma source(%dma_start3A_198 : memref<128xi32, #tpu.memory_space<hbm>>) target(%arg9 : memref<128xi32, #tpu.memory_space<vmem>>) target_semaphore(%arg19 : memref<!tpu.dma_semaphore, #tpu.memory_space<semaphore_mem>>)
      } else {
      }
      %mul3A_158 = arith.constant 2 : i32
      %mul3A_159 = arith.muli %mul3A_158, %scan3A_134 : i32
      %add3A_160 = arith.constant 1 : i32
      %add3A_161 = arith.addi %mul3A_159, %add3A_160 : i32
      %dma_wait3A_162 = arith.constant 0 : i32
      %dma_wait3A_163 = tpu.memref_slice %arg4[%add3A, %add3A_161, %dma_wait3A_162] : memref<32x80x128xi32, #tpu.memory_space<hbm>> -> memref<1x1x128xi32, #tpu.memory_space<hbm>>
      %dma_wait3A_164 = tpu.memref_squeeze %dma_wait3A_163 : memref<1x1x128xi32, #tpu.memory_space<hbm>> -> memref<128xi32, #tpu.memory_space<hbm>>
      %dma_wait3A_165 = arith.constant 0 : i32
      %dma_wait3A_166 = tpu.memref_slice %arg4[%add3A, %add3A_161, %dma_wait3A_165] : memref<32x80x128xi32, #tpu.memory_space<hbm>> -> memref<1x1x128xi32, #tpu.memory_space<hbm>>
      %dma_wait3A_167 = tpu.memref_squeeze %dma_wait3A_166 : memref<1x1x128xi32, #tpu.memory_space<hbm>> -> memref<128xi32, #tpu.memory_space<hbm>>
      tpu.wait_dma2 semaphore(%arg20 : memref<!tpu.dma_semaphore, #tpu.memory_space<semaphore_mem>>) src(%dma_wait3A_167 : memref<128xi32, #tpu.memory_space<hbm>>) dst(%arg10 : memref<128xi32, #tpu.memory_space<vmem>>)
      %add3A_168 = arith.constant 2 : i32
      %add3A_169 = arith.addi %add3A_161, %add3A_168 : i32
      "tpu.region"() ({
        %run_scoped3A = tpu.sem_alloc : memref<!tpu.dma_semaphore, #tpu.memory_space<semaphore_mem>>
        %dma_start3A_184 = arith.constant 0 : i32
        %dma_start3A_185 = tpu.memref_slice %arg16[%dma_start3A_184] : memref<10240xf32, #tpu.memory_space<vmem_shared>> -> memref<10240xf32, #tpu.memory_space<vmem_shared>>
        tpu.enqueue_indirect_dma source(%arg13 : memref<128xf32, #tpu.memory_space<vmem>>) target(%dma_start3A_185 : memref<10240xf32, #tpu.memory_space<vmem_shared>>) offsets(%arg10 : memref<128xi32, #tpu.memory_space<vmem>>) semaphore(%run_scoped3A : memref<!tpu.dma_semaphore, #tpu.memory_space<semaphore_mem>>) {add = true}
        %dma_wait3A_186 = arith.constant 0 : i32
        %dma_wait3A_187 = tpu.memref_slice %arg16[%dma_wait3A_186] : memref<10240xf32, #tpu.memory_space<vmem_shared>> -> memref<10240xf32, #tpu.memory_space<vmem_shared>>
        tpu.wait_indirect_dma semaphore(%run_scoped3A : memref<!tpu.dma_semaphore, #tpu.memory_space<semaphore_mem>>) src(%arg13 : memref<128xf32, #tpu.memory_space<vmem>>) dst(%dma_wait3A_187 : memref<10240xf32, #tpu.memory_space<vmem_shared>>)
        tpu.yield
      }) : () -> ()
      %dma_wait3A_170 = arith.constant 0 : i32
      %dma_wait3A_171 = arith.constant 0 : i32
      %dma_wait3A_172 = tpu.memref_slice %arg2[%dma_wait3A_170, %dma_wait3A_171] : memref<10000x128xf32, #tpu.memory_space<hbm>> -> memref<10000x128xf32, #tpu.memory_space<hbm>>
      tpu.wait_indirect_dma semaphore(%arg22 : memref<!tpu.dma_semaphore, #tpu.memory_space<semaphore_mem>>) src(%dma_wait3A_172 : memref<10000x128xf32, #tpu.memory_space<hbm>>) dst(%arg12 : memref<128x128xf32, #tpu.memory_space<vmem>>)
      %lt3A_173 = arith.constant 80 : i32
      %lt3A_174 = arith.cmpi slt, %add3A_169, %lt3A_173 : i32
      %convert_element_type3A_175 = arith.extui %lt3A_174 : i1 to i32
      %cond3A_176 = arith.constant 0 : i32
      %cond3A_177 = arith.cmpi ne, %convert_element_type3A_175, %cond3A_176 : i32
      scf.if %cond3A_177 {
        %dma_start3A_184 = arith.constant 0 : i32
        %dma_start3A_185 = tpu.memref_slice %arg3[%add3A, %add3A_169, %dma_start3A_184] : memref<32x80x128xi32, #tpu.memory_space<hbm>> -> memref<1x1x128xi32, #tpu.memory_space<hbm>>
        %dma_start3A_186 = tpu.memref_squeeze %dma_start3A_185 : memref<1x1x128xi32, #tpu.memory_space<hbm>> -> memref<128xi32, #tpu.memory_space<hbm>>
        %dma_start3A_187 = arith.constant 0 : i32
        %dma_start3A_188 = tpu.memref_slice %arg3[%add3A, %add3A_169, %dma_start3A_187] : memref<32x80x128xi32, #tpu.memory_space<hbm>> -> memref<1x1x128xi32, #tpu.memory_space<hbm>>
        %dma_start3A_189 = tpu.memref_squeeze %dma_start3A_188 : memref<1x1x128xi32, #tpu.memory_space<hbm>> -> memref<128xi32, #tpu.memory_space<hbm>>
        tpu.enqueue_dma source(%dma_start3A_189 : memref<128xi32, #tpu.memory_space<hbm>>) target(%arg8 : memref<128xi32, #tpu.memory_space<vmem>>) target_semaphore(%arg18 : memref<!tpu.dma_semaphore, #tpu.memory_space<semaphore_mem>>)
      } else {
      }
      "tpu.region"() ({
        %run_scoped3A = tpu.sem_alloc : memref<!tpu.dma_semaphore, #tpu.memory_space<semaphore_mem>>
        %dma_start3A_184 = arith.constant 0 : i32
        %dma_start3A_185 = arith.constant 0 : i32
        %dma_start3A_186 = tpu.memref_slice %arg15[%dma_start3A_184, %dma_start3A_185] : memref<10240x128xf32, #tpu.memory_space<vmem_shared>> -> memref<10240x128xf32, #tpu.memory_space<vmem_shared>>
        tpu.enqueue_indirect_dma source(%arg12 : memref<128x128xf32, #tpu.memory_space<vmem>>) target(%dma_start3A_186 : memref<10240x128xf32, #tpu.memory_space<vmem_shared>>) offsets(%arg10 : memref<128xi32, #tpu.memory_space<vmem>>) semaphore(%run_scoped3A : memref<!tpu.dma_semaphore, #tpu.memory_space<semaphore_mem>>) {add = true}
        %dma_wait3A_187 = arith.constant 0 : i32
        %dma_wait3A_188 = arith.constant 0 : i32
        %dma_wait3A_189 = tpu.memref_slice %arg15[%dma_wait3A_187, %dma_wait3A_188] : memref<10240x128xf32, #tpu.memory_space<vmem_shared>> -> memref<10240x128xf32, #tpu.memory_space<vmem_shared>>
        tpu.wait_indirect_dma semaphore(%run_scoped3A : memref<!tpu.dma_semaphore, #tpu.memory_space<semaphore_mem>>) src(%arg12 : memref<128x128xf32, #tpu.memory_space<vmem>>) dst(%dma_wait3A_189 : memref<10240x128xf32, #tpu.memory_space<vmem_shared>>)
        tpu.yield
      }) : () -> ()
      %lt3A_178 = arith.constant 80 : i32
      %lt3A_179 = arith.cmpi slt, %add3A_169, %lt3A_178 : i32
      %convert_element_type3A_180 = arith.extui %lt3A_179 : i1 to i32
      %cond3A_181 = arith.constant 0 : i32
      %cond3A_182 = arith.cmpi ne, %convert_element_type3A_180, %cond3A_181 : i32
      scf.if %cond3A_182 {
        %dma_wait3A_184 = arith.constant 0 : i32
        %dma_wait3A_185 = tpu.memref_slice %arg3[%add3A, %add3A_169, %dma_wait3A_184] : memref<32x80x128xi32, #tpu.memory_space<hbm>> -> memref<1x1x128xi32, #tpu.memory_space<hbm>>
        %dma_wait3A_186 = tpu.memref_squeeze %dma_wait3A_185 : memref<1x1x128xi32, #tpu.memory_space<hbm>> -> memref<128xi32, #tpu.memory_space<hbm>>
        %dma_wait3A_187 = arith.constant 0 : i32
        %dma_wait3A_188 = tpu.memref_slice %arg3[%add3A, %add3A_169, %dma_wait3A_187] : memref<32x80x128xi32, #tpu.memory_space<hbm>> -> memref<1x1x128xi32, #tpu.memory_space<hbm>>
        %dma_wait3A_189 = tpu.memref_squeeze %dma_wait3A_188 : memref<1x1x128xi32, #tpu.memory_space<hbm>> -> memref<128xi32, #tpu.memory_space<hbm>>
        tpu.wait_dma2 semaphore(%arg18 : memref<!tpu.dma_semaphore, #tpu.memory_space<semaphore_mem>>) src(%dma_wait3A_189 : memref<128xi32, #tpu.memory_space<hbm>>) dst(%arg8 : memref<128xi32, #tpu.memory_space<vmem>>)
        %dma_start3A_190 = arith.constant 0 : i32
        %dma_start3A_191 = arith.constant 0 : i32
        %dma_start3A_192 = tpu.memref_slice %arg2[%dma_start3A_190, %dma_start3A_191] : memref<10000x128xf32, #tpu.memory_space<hbm>> -> memref<10000x128xf32, #tpu.memory_space<hbm>>
        tpu.enqueue_indirect_dma source(%dma_start3A_192 : memref<10000x128xf32, #tpu.memory_space<hbm>>) target(%arg12 : memref<128x128xf32, #tpu.memory_space<vmem>>) offsets(%arg8 : memref<128xi32, #tpu.memory_space<vmem>>) semaphore(%arg22 : memref<!tpu.dma_semaphore, #tpu.memory_space<semaphore_mem>>)
        %dma_start3A_193 = arith.constant 0 : i32
        %dma_start3A_194 = tpu.memref_slice %arg4[%add3A, %add3A_169, %dma_start3A_193] : memref<32x80x128xi32, #tpu.memory_space<hbm>> -> memref<1x1x128xi32, #tpu.memory_space<hbm>>
        %dma_start3A_195 = tpu.memref_squeeze %dma_start3A_194 : memref<1x1x128xi32, #tpu.memory_space<hbm>> -> memref<128xi32, #tpu.memory_space<hbm>>
        %dma_start3A_196 = arith.constant 0 : i32
        %dma_start3A_197 = tpu.memref_slice %arg4[%add3A, %add3A_169, %dma_start3A_196] : memref<32x80x128xi32, #tpu.memory_space<hbm>> -> memref<1x1x128xi32, #tpu.memory_space<hbm>>
        %dma_start3A_198 = tpu.memref_squeeze %dma_start3A_197 : memref<1x1x128xi32, #tpu.memory_space<hbm>> -> memref<128xi32, #tpu.memory_space<hbm>>
        tpu.enqueue_dma source(%dma_start3A_198 : memref<128xi32, #tpu.memory_space<hbm>>) target(%arg10 : memref<128xi32, #tpu.memory_space<vmem>>) target_semaphore(%arg20 : memref<!tpu.dma_semaphore, #tpu.memory_space<semaphore_mem>>)
      } else {
      }
      %scan3A_183 = arith.constant 0 : i32
      scf.yield %scan3A_183 : i32
    }
    %scan3A_88 = arith.constant 40 : i32
    %barrier3A_89 = arith.constant 0 : index
    tpu.barrier barrier_id(%barrier3A_89)
    %mul3A_90 = arith.constant 640 : i32
    %mul3A_91 = arith.muli %arg1, %mul3A_90 : i32
    "tpu.region"() ({
      %run_scoped3A = tpu.sem_alloc : memref<!tpu.dma_semaphore, #tpu.memory_space<semaphore_mem>>
      %dma_start3A_134 = tpu.memref_slice %arg16[%mul3A_91] : memref<10240xf32, #tpu.memory_space<vmem_shared>> -> memref<640xf32, #tpu.memory_space<vmem_shared>>
      %dma_start3A_135 = tpu.memref_slice %arg16[%mul3A_91] : memref<10240xf32, #tpu.memory_space<vmem_shared>> -> memref<640xf32, #tpu.memory_space<vmem_shared>>
      tpu.enqueue_dma source(%dma_start3A_135 : memref<640xf32, #tpu.memory_space<vmem_shared>>) target(%arg14 : memref<640xf32, #tpu.memory_space<vmem>>) target_semaphore(%run_scoped3A : memref<!tpu.dma_semaphore, #tpu.memory_space<semaphore_mem>>)
      %dma_wait3A_136 = tpu.memref_slice %arg16[%mul3A_91] : memref<10240xf32, #tpu.memory_space<vmem_shared>> -> memref<640xf32, #tpu.memory_space<vmem_shared>>
      %dma_wait3A_137 = tpu.memref_slice %arg16[%mul3A_91] : memref<10240xf32, #tpu.memory_space<vmem_shared>> -> memref<640xf32, #tpu.memory_space<vmem_shared>>
      tpu.wait_dma2 semaphore(%run_scoped3A : memref<!tpu.dma_semaphore, #tpu.memory_space<semaphore_mem>>) src(%dma_wait3A_137 : memref<640xf32, #tpu.memory_space<vmem_shared>>) dst(%arg14 : memref<640xf32, #tpu.memory_space<vmem>>)
      tpu.yield
    }) : () -> ()
    %mul3A_92 = arith.constant 640 : i32
    %mul3A_93 = arith.muli %arg1, %mul3A_92 : i32
    "tpu.region"() ({
      %run_scoped3A = tpu.sem_alloc : memref<!tpu.dma_semaphore, #tpu.memory_space<semaphore_mem>>
      %dma_start3A_134 = tpu.memref_slice %arg6[%arg0, %mul3A_93] : memref<2x10240xf32, #tpu.memory_space<hbm>> -> memref<1x640xf32, #tpu.memory_space<hbm>>
      %dma_start3A_135 = tpu.memref_squeeze %dma_start3A_134 : memref<1x640xf32, #tpu.memory_space<hbm>> -> memref<640xf32, #tpu.memory_space<hbm>>
      %dma_start3A_136 = tpu.memref_slice %arg6[%arg0, %mul3A_93] : memref<2x10240xf32, #tpu.memory_space<hbm>> -> memref<1x640xf32, #tpu.memory_space<hbm>>
      %dma_start3A_137 = tpu.memref_squeeze %dma_start3A_136 : memref<1x640xf32, #tpu.memory_space<hbm>> -> memref<640xf32, #tpu.memory_space<hbm>>
      tpu.enqueue_dma source(%arg14 : memref<640xf32, #tpu.memory_space<vmem>>) target(%dma_start3A_137 : memref<640xf32, #tpu.memory_space<hbm>>) target_semaphore(%run_scoped3A : memref<!tpu.dma_semaphore, #tpu.memory_space<semaphore_mem>>)
      %dma_wait3A_138 = tpu.memref_slice %arg6[%arg0, %mul3A_93] : memref<2x10240xf32, #tpu.memory_space<hbm>> -> memref<1x640xf32, #tpu.memory_space<hbm>>
      %dma_wait3A_139 = tpu.memref_squeeze %dma_wait3A_138 : memref<1x640xf32, #tpu.memory_space<hbm>> -> memref<640xf32, #tpu.memory_space<hbm>>
      %dma_wait3A_140 = tpu.memref_slice %arg6[%arg0, %mul3A_93] : memref<2x10240xf32, #tpu.memory_space<hbm>> -> memref<1x640xf32, #tpu.memory_space<hbm>>
      %dma_wait3A_141 = tpu.memref_squeeze %dma_wait3A_140 : memref<1x640xf32, #tpu.memory_space<hbm>> -> memref<640xf32, #tpu.memory_space<hbm>>
      tpu.wait_dma2 semaphore(%run_scoped3A : memref<!tpu.dma_semaphore, #tpu.memory_space<semaphore_mem>>) src(%arg14 : memref<640xf32, #tpu.memory_space<vmem>>) dst(%dma_wait3A_141 : memref<640xf32, #tpu.memory_space<hbm>>)
      tpu.yield
    }) : () -> ()
    %mul3A_94 = arith.constant 640 : i32
    %mul3A_95 = arith.muli %arg1, %mul3A_94 : i32
    %add3A_96 = arith.constant 0 : i32
    %add3A_97 = arith.addi %mul3A_95, %add3A_96 : i32
    "tpu.region"() ({
      %run_scoped3A = tpu.sem_alloc : memref<!tpu.dma_semaphore, #tpu.memory_space<semaphore_mem>>
      %dma_start3A_134 = arith.constant 0 : i32
      %dma_start3A_135 = tpu.memref_slice %arg15[%add3A_97, %dma_start3A_134] : memref<10240x128xf32, #tpu.memory_space<vmem_shared>> -> memref<128x128xf32, #tpu.memory_space<vmem_shared>>
      %dma_start3A_136 = arith.constant 0 : i32
      %dma_start3A_137 = tpu.memref_slice %arg15[%add3A_97, %dma_start3A_136] : memref<10240x128xf32, #tpu.memory_space<vmem_shared>> -> memref<128x128xf32, #tpu.memory_space<vmem_shared>>
      tpu.enqueue_dma source(%dma_start3A_137 : memref<128x128xf32, #tpu.memory_space<vmem_shared>>) target(%arg11 : memref<128x128xf32, #tpu.memory_space<vmem>>) target_semaphore(%run_scoped3A : memref<!tpu.dma_semaphore, #tpu.memory_space<semaphore_mem>>)
      %dma_wait3A_138 = arith.constant 0 : i32
      %dma_wait3A_139 = tpu.memref_slice %arg15[%add3A_97, %dma_wait3A_138] : memref<10240x128xf32, #tpu.memory_space<vmem_shared>> -> memref<128x128xf32, #tpu.memory_space<vmem_shared>>
      %dma_wait3A_140 = arith.constant 0 : i32
      %dma_wait3A_141 = tpu.memref_slice %arg15[%add3A_97, %dma_wait3A_140] : memref<10240x128xf32, #tpu.memory_space<vmem_shared>> -> memref<128x128xf32, #tpu.memory_space<vmem_shared>>
      tpu.wait_dma2 semaphore(%run_scoped3A : memref<!tpu.dma_semaphore, #tpu.memory_space<semaphore_mem>>) src(%dma_wait3A_141 : memref<128x128xf32, #tpu.memory_space<vmem_shared>>) dst(%arg11 : memref<128x128xf32, #tpu.memory_space<vmem>>)
      tpu.yield
    }) : () -> ()
    %mul3A_98 = arith.constant 640 : i32
    %mul3A_99 = arith.muli %arg1, %mul3A_98 : i32
    %add3A_100 = arith.constant 0 : i32
    %add3A_101 = arith.addi %mul3A_99, %add3A_100 : i32
    "tpu.region"() ({
      %run_scoped3A = tpu.sem_alloc : memref<!tpu.dma_semaphore, #tpu.memory_space<semaphore_mem>>
      %dma_start3A_134 = arith.constant 0 : i32
      %dma_start3A_135 = tpu.memref_slice %arg5[%arg0, %add3A_101, %dma_start3A_134] : memref<2x10240x128xf32, #tpu.memory_space<hbm>> -> memref<1x128x128xf32, #tpu.memory_space<hbm>>
      %dma_start3A_136 = tpu.memref_squeeze %dma_start3A_135 : memref<1x128x128xf32, #tpu.memory_space<hbm>> -> memref<128x128xf32, #tpu.memory_space<hbm>>
      %dma_start3A_137 = arith.constant 0 : i32
      %dma_start3A_138 = tpu.memref_slice %arg5[%arg0, %add3A_101, %dma_start3A_137] : memref<2x10240x128xf32, #tpu.memory_space<hbm>> -> memref<1x128x128xf32, #tpu.memory_space<hbm>>
      %dma_start3A_139 = tpu.memref_squeeze %dma_start3A_138 : memref<1x128x128xf32, #tpu.memory_space<hbm>> -> memref<128x128xf32, #tpu.memory_space<hbm>>
      tpu.enqueue_dma source(%arg11 : memref<128x128xf32, #tpu.memory_space<vmem>>) target(%dma_start3A_139 : memref<128x128xf32, #tpu.memory_space<hbm>>) target_semaphore(%run_scoped3A : memref<!tpu.dma_semaphore, #tpu.memory_space<semaphore_mem>>)
      %dma_wait3A_140 = arith.constant 0 : i32
      %dma_wait3A_141 = tpu.memref_slice %arg5[%arg0, %add3A_101, %dma_wait3A_140] : memref<2x10240x128xf32, #tpu.memory_space<hbm>> -> memref<1x128x128xf32, #tpu.memory_space<hbm>>
      %dma_wait3A_142 = tpu.memref_squeeze %dma_wait3A_141 : memref<1x128x128xf32, #tpu.memory_space<hbm>> -> memref<128x128xf32, #tpu.memory_space<hbm>>
      %dma_wait3A_143 = arith.constant 0 : i32
      %dma_wait3A_144 = tpu.memref_slice %arg5[%arg0, %add3A_101, %dma_wait3A_143] : memref<2x10240x128xf32, #tpu.memory_space<hbm>> -> memref<1x128x128xf32, #tpu.memory_space<hbm>>
      %dma_wait3A_145 = tpu.memref_squeeze %dma_wait3A_144 : memref<1x128x128xf32, #tpu.memory_space<hbm>> -> memref<128x128xf32, #tpu.memory_space<hbm>>
      tpu.wait_dma2 semaphore(%run_scoped3A : memref<!tpu.dma_semaphore, #tpu.memory_space<semaphore_mem>>) src(%arg11 : memref<128x128xf32, #tpu.memory_space<vmem>>) dst(%dma_wait3A_145 : memref<128x128xf32, #tpu.memory_space<hbm>>)
      tpu.yield
    }) : () -> ()
    %mul3A_102 = arith.constant 640 : i32
    %mul3A_103 = arith.muli %arg1, %mul3A_102 : i32
    %add3A_104 = arith.constant 128 : i32
    %add3A_105 = arith.addi %mul3A_103, %add3A_104 : i32
    "tpu.region"() ({
      %run_scoped3A = tpu.sem_alloc : memref<!tpu.dma_semaphore, #tpu.memory_space<semaphore_mem>>
      %dma_start3A_134 = arith.constant 0 : i32
      %dma_start3A_135 = tpu.memref_slice %arg15[%add3A_105, %dma_start3A_134] : memref<10240x128xf32, #tpu.memory_space<vmem_shared>> -> memref<128x128xf32, #tpu.memory_space<vmem_shared>>
      %dma_start3A_136 = arith.constant 0 : i32
      %dma_start3A_137 = tpu.memref_slice %arg15[%add3A_105, %dma_start3A_136] : memref<10240x128xf32, #tpu.memory_space<vmem_shared>> -> memref<128x128xf32, #tpu.memory_space<vmem_shared>>
      tpu.enqueue_dma source(%dma_start3A_137 : memref<128x128xf32, #tpu.memory_space<vmem_shared>>) target(%arg12 : memref<128x128xf32, #tpu.memory_space<vmem>>) target_semaphore(%run_scoped3A : memref<!tpu.dma_semaphore, #tpu.memory_space<semaphore_mem>>)
      %dma_wait3A_138 = arith.constant 0 : i32
      %dma_wait3A_139 = tpu.memref_slice %arg15[%add3A_105, %dma_wait3A_138] : memref<10240x128xf32, #tpu.memory_space<vmem_shared>> -> memref<128x128xf32, #tpu.memory_space<vmem_shared>>
      %dma_wait3A_140 = arith.constant 0 : i32
      %dma_wait3A_141 = tpu.memref_slice %arg15[%add3A_105, %dma_wait3A_140] : memref<10240x128xf32, #tpu.memory_space<vmem_shared>> -> memref<128x128xf32, #tpu.memory_space<vmem_shared>>
      tpu.wait_dma2 semaphore(%run_scoped3A : memref<!tpu.dma_semaphore, #tpu.memory_space<semaphore_mem>>) src(%dma_wait3A_141 : memref<128x128xf32, #tpu.memory_space<vmem_shared>>) dst(%arg12 : memref<128x128xf32, #tpu.memory_space<vmem>>)
      tpu.yield
    }) : () -> ()
    %mul3A_106 = arith.constant 640 : i32
    %mul3A_107 = arith.muli %arg1, %mul3A_106 : i32
    %add3A_108 = arith.constant 128 : i32
    %add3A_109 = arith.addi %mul3A_107, %add3A_108 : i32
    "tpu.region"() ({
      %run_scoped3A = tpu.sem_alloc : memref<!tpu.dma_semaphore, #tpu.memory_space<semaphore_mem>>
      %dma_start3A_134 = arith.constant 0 : i32
      %dma_start3A_135 = tpu.memref_slice %arg5[%arg0, %add3A_109, %dma_start3A_134] : memref<2x10240x128xf32, #tpu.memory_space<hbm>> -> memref<1x128x128xf32, #tpu.memory_space<hbm>>
      %dma_start3A_136 = tpu.memref_squeeze %dma_start3A_135 : memref<1x128x128xf32, #tpu.memory_space<hbm>> -> memref<128x128xf32, #tpu.memory_space<hbm>>
      %dma_start3A_137 = arith.constant 0 : i32
      %dma_start3A_138 = tpu.memref_slice %arg5[%arg0, %add3A_109, %dma_start3A_137] : memref<2x10240x128xf32, #tpu.memory_space<hbm>> -> memref<1x128x128xf32, #tpu.memory_space<hbm>>
      %dma_start3A_139 = tpu.memref_squeeze %dma_start3A_138 : memref<1x128x128xf32, #tpu.memory_space<hbm>> -> memref<128x128xf32, #tpu.memory_space<hbm>>
      tpu.enqueue_dma source(%arg12 : memref<128x128xf32, #tpu.memory_space<vmem>>) target(%dma_start3A_139 : memref<128x128xf32, #tpu.memory_space<hbm>>) target_semaphore(%run_scoped3A : memref<!tpu.dma_semaphore, #tpu.memory_space<semaphore_mem>>)
      %dma_wait3A_140 = arith.constant 0 : i32
      %dma_wait3A_141 = tpu.memref_slice %arg5[%arg0, %add3A_109, %dma_wait3A_140] : memref<2x10240x128xf32, #tpu.memory_space<hbm>> -> memref<1x128x128xf32, #tpu.memory_space<hbm>>
      %dma_wait3A_142 = tpu.memref_squeeze %dma_wait3A_141 : memref<1x128x128xf32, #tpu.memory_space<hbm>> -> memref<128x128xf32, #tpu.memory_space<hbm>>
      %dma_wait3A_143 = arith.constant 0 : i32
      %dma_wait3A_144 = tpu.memref_slice %arg5[%arg0, %add3A_109, %dma_wait3A_143] : memref<2x10240x128xf32, #tpu.memory_space<hbm>> -> memref<1x128x128xf32, #tpu.memory_space<hbm>>
      %dma_wait3A_145 = tpu.memref_squeeze %dma_wait3A_144 : memref<1x128x128xf32, #tpu.memory_space<hbm>> -> memref<128x128xf32, #tpu.memory_space<hbm>>
      tpu.wait_dma2 semaphore(%run_scoped3A : memref<!tpu.dma_semaphore, #tpu.memory_space<semaphore_mem>>) src(%arg12 : memref<128x128xf32, #tpu.memory_space<vmem>>) dst(%dma_wait3A_145 : memref<128x128xf32, #tpu.memory_space<hbm>>)
      tpu.yield
    }) : () -> ()
    %mul3A_110 = arith.constant 640 : i32
    %mul3A_111 = arith.muli %arg1, %mul3A_110 : i32
    %add3A_112 = arith.constant 256 : i32
    %add3A_113 = arith.addi %mul3A_111, %add3A_112 : i32
    "tpu.region"() ({
      %run_scoped3A = tpu.sem_alloc : memref<!tpu.dma_semaphore, #tpu.memory_space<semaphore_mem>>
      %dma_start3A_134 = arith.constant 0 : i32
      %dma_start3A_135 = tpu.memref_slice %arg15[%add3A_113, %dma_start3A_134] : memref<10240x128xf32, #tpu.memory_space<vmem_shared>> -> memref<128x128xf32, #tpu.memory_space<vmem_shared>>
      %dma_start3A_136 = arith.constant 0 : i32
      %dma_start3A_137 = tpu.memref_slice %arg15[%add3A_113, %dma_start3A_136] : memref<10240x128xf32, #tpu.memory_space<vmem_shared>> -> memref<128x128xf32, #tpu.memory_space<vmem_shared>>
      tpu.enqueue_dma source(%dma_start3A_137 : memref<128x128xf32, #tpu.memory_space<vmem_shared>>) target(%arg11 : memref<128x128xf32, #tpu.memory_space<vmem>>) target_semaphore(%run_scoped3A : memref<!tpu.dma_semaphore, #tpu.memory_space<semaphore_mem>>)
      %dma_wait3A_138 = arith.constant 0 : i32
      %dma_wait3A_139 = tpu.memref_slice %arg15[%add3A_113, %dma_wait3A_138] : memref<10240x128xf32, #tpu.memory_space<vmem_shared>> -> memref<128x128xf32, #tpu.memory_space<vmem_shared>>
      %dma_wait3A_140 = arith.constant 0 : i32
      %dma_wait3A_141 = tpu.memref_slice %arg15[%add3A_113, %dma_wait3A_140] : memref<10240x128xf32, #tpu.memory_space<vmem_shared>> -> memref<128x128xf32, #tpu.memory_space<vmem_shared>>
      tpu.wait_dma2 semaphore(%run_scoped3A : memref<!tpu.dma_semaphore, #tpu.memory_space<semaphore_mem>>) src(%dma_wait3A_141 : memref<128x128xf32, #tpu.memory_space<vmem_shared>>) dst(%arg11 : memref<128x128xf32, #tpu.memory_space<vmem>>)
      tpu.yield
    }) : () -> ()
    %mul3A_114 = arith.constant 640 : i32
    %mul3A_115 = arith.muli %arg1, %mul3A_114 : i32
    %add3A_116 = arith.constant 256 : i32
    %add3A_117 = arith.addi %mul3A_115, %add3A_116 : i32
    "tpu.region"() ({
      %run_scoped3A = tpu.sem_alloc : memref<!tpu.dma_semaphore, #tpu.memory_space<semaphore_mem>>
      %dma_start3A_134 = arith.constant 0 : i32
      %dma_start3A_135 = tpu.memref_slice %arg5[%arg0, %add3A_117, %dma_start3A_134] : memref<2x10240x128xf32, #tpu.memory_space<hbm>> -> memref<1x128x128xf32, #tpu.memory_space<hbm>>
      %dma_start3A_136 = tpu.memref_squeeze %dma_start3A_135 : memref<1x128x128xf32, #tpu.memory_space<hbm>> -> memref<128x128xf32, #tpu.memory_space<hbm>>
      %dma_start3A_137 = arith.constant 0 : i32
      %dma_start3A_138 = tpu.memref_slice %arg5[%arg0, %add3A_117, %dma_start3A_137] : memref<2x10240x128xf32, #tpu.memory_space<hbm>> -> memref<1x128x128xf32, #tpu.memory_space<hbm>>
      %dma_start3A_139 = tpu.memref_squeeze %dma_start3A_138 : memref<1x128x128xf32, #tpu.memory_space<hbm>> -> memref<128x128xf32, #tpu.memory_space<hbm>>
      tpu.enqueue_dma source(%arg11 : memref<128x128xf32, #tpu.memory_space<vmem>>) target(%dma_start3A_139 : memref<128x128xf32, #tpu.memory_space<hbm>>) target_semaphore(%run_scoped3A : memref<!tpu.dma_semaphore, #tpu.memory_space<semaphore_mem>>)
      %dma_wait3A_140 = arith.constant 0 : i32
      %dma_wait3A_141 = tpu.memref_slice %arg5[%arg0, %add3A_117, %dma_wait3A_140] : memref<2x10240x128xf32, #tpu.memory_space<hbm>> -> memref<1x128x128xf32, #tpu.memory_space<hbm>>
      %dma_wait3A_142 = tpu.memref_squeeze %dma_wait3A_141 : memref<1x128x128xf32, #tpu.memory_space<hbm>> -> memref<128x128xf32, #tpu.memory_space<hbm>>
      %dma_wait3A_143 = arith.constant 0 : i32
      %dma_wait3A_144 = tpu.memref_slice %arg5[%arg0, %add3A_117, %dma_wait3A_143] : memref<2x10240x128xf32, #tpu.memory_space<hbm>> -> memref<1x128x128xf32, #tpu.memory_space<hbm>>
      %dma_wait3A_145 = tpu.memref_squeeze %dma_wait3A_144 : memref<1x128x128xf32, #tpu.memory_space<hbm>> -> memref<128x128xf32, #tpu.memory_space<hbm>>
      tpu.wait_dma2 semaphore(%run_scoped3A : memref<!tpu.dma_semaphore, #tpu.memory_space<semaphore_mem>>) src(%arg11 : memref<128x128xf32, #tpu.memory_space<vmem>>) dst(%dma_wait3A_145 : memref<128x128xf32, #tpu.memory_space<hbm>>)
      tpu.yield
    }) : () -> ()
    %mul3A_118 = arith.constant 640 : i32
    %mul3A_119 = arith.muli %arg1, %mul3A_118 : i32
    %add3A_120 = arith.constant 384 : i32
    %add3A_121 = arith.addi %mul3A_119, %add3A_120 : i32
    "tpu.region"() ({
      %run_scoped3A = tpu.sem_alloc : memref<!tpu.dma_semaphore, #tpu.memory_space<semaphore_mem>>
      %dma_start3A_134 = arith.constant 0 : i32
      %dma_start3A_135 = tpu.memref_slice %arg15[%add3A_121, %dma_start3A_134] : memref<10240x128xf32, #tpu.memory_space<vmem_shared>> -> memref<128x128xf32, #tpu.memory_space<vmem_shared>>
      %dma_start3A_136 = arith.constant 0 : i32
      %dma_start3A_137 = tpu.memref_slice %arg15[%add3A_121, %dma_start3A_136] : memref<10240x128xf32, #tpu.memory_space<vmem_shared>> -> memref<128x128xf32, #tpu.memory_space<vmem_shared>>
      tpu.enqueue_dma source(%dma_start3A_137 : memref<128x128xf32, #tpu.memory_space<vmem_shared>>) target(%arg12 : memref<128x128xf32, #tpu.memory_space<vmem>>) target_semaphore(%run_scoped3A : memref<!tpu.dma_semaphore, #tpu.memory_space<semaphore_mem>>)
      %dma_wait3A_138 = arith.constant 0 : i32
      %dma_wait3A_139 = tpu.memref_slice %arg15[%add3A_121, %dma_wait3A_138] : memref<10240x128xf32, #tpu.memory_space<vmem_shared>> -> memref<128x128xf32, #tpu.memory_space<vmem_shared>>
      %dma_wait3A_140 = arith.constant 0 : i32
      %dma_wait3A_141 = tpu.memref_slice %arg15[%add3A_121, %dma_wait3A_140] : memref<10240x128xf32, #tpu.memory_space<vmem_shared>> -> memref<128x128xf32, #tpu.memory_space<vmem_shared>>
      tpu.wait_dma2 semaphore(%run_scoped3A : memref<!tpu.dma_semaphore, #tpu.memory_space<semaphore_mem>>) src(%dma_wait3A_141 : memref<128x128xf32, #tpu.memory_space<vmem_shared>>) dst(%arg12 : memref<128x128xf32, #tpu.memory_space<vmem>>)
      tpu.yield
    }) : () -> ()
    %mul3A_122 = arith.constant 640 : i32
    %mul3A_123 = arith.muli %arg1, %mul3A_122 : i32
    %add3A_124 = arith.constant 384 : i32
    %add3A_125 = arith.addi %mul3A_123, %add3A_124 : i32
    "tpu.region"() ({
      %run_scoped3A = tpu.sem_alloc : memref<!tpu.dma_semaphore, #tpu.memory_space<semaphore_mem>>
      %dma_start3A_134 = arith.constant 0 : i32
      %dma_start3A_135 = tpu.memref_slice %arg5[%arg0, %add3A_125, %dma_start3A_134] : memref<2x10240x128xf32, #tpu.memory_space<hbm>> -> memref<1x128x128xf32, #tpu.memory_space<hbm>>
      %dma_start3A_136 = tpu.memref_squeeze %dma_start3A_135 : memref<1x128x128xf32, #tpu.memory_space<hbm>> -> memref<128x128xf32, #tpu.memory_space<hbm>>
      %dma_start3A_137 = arith.constant 0 : i32
      %dma_start3A_138 = tpu.memref_slice %arg5[%arg0, %add3A_125, %dma_start3A_137] : memref<2x10240x128xf32, #tpu.memory_space<hbm>> -> memref<1x128x128xf32, #tpu.memory_space<hbm>>
      %dma_start3A_139 = tpu.memref_squeeze %dma_start3A_138 : memref<1x128x128xf32, #tpu.memory_space<hbm>> -> memref<128x128xf32, #tpu.memory_space<hbm>>
      tpu.enqueue_dma source(%arg12 : memref<128x128xf32, #tpu.memory_space<vmem>>) target(%dma_start3A_139 : memref<128x128xf32, #tpu.memory_space<hbm>>) target_semaphore(%run_scoped3A : memref<!tpu.dma_semaphore, #tpu.memory_space<semaphore_mem>>)
      %dma_wait3A_140 = arith.constant 0 : i32
      %dma_wait3A_141 = tpu.memref_slice %arg5[%arg0, %add3A_125, %dma_wait3A_140] : memref<2x10240x128xf32, #tpu.memory_space<hbm>> -> memref<1x128x128xf32, #tpu.memory_space<hbm>>
      %dma_wait3A_142 = tpu.memref_squeeze %dma_wait3A_141 : memref<1x128x128xf32, #tpu.memory_space<hbm>> -> memref<128x128xf32, #tpu.memory_space<hbm>>
      %dma_wait3A_143 = arith.constant 0 : i32
      %dma_wait3A_144 = tpu.memref_slice %arg5[%arg0, %add3A_125, %dma_wait3A_143] : memref<2x10240x128xf32, #tpu.memory_space<hbm>> -> memref<1x128x128xf32, #tpu.memory_space<hbm>>
      %dma_wait3A_145 = tpu.memref_squeeze %dma_wait3A_144 : memref<1x128x128xf32, #tpu.memory_space<hbm>> -> memref<128x128xf32, #tpu.memory_space<hbm>>
      tpu.wait_dma2 semaphore(%run_scoped3A : memref<!tpu.dma_semaphore, #tpu.memory_space<semaphore_mem>>) src(%arg12 : memref<128x128xf32, #tpu.memory_space<vmem>>) dst(%dma_wait3A_145 : memref<128x128xf32, #tpu.memory_space<hbm>>)
      tpu.yield
    }) : () -> ()
    %mul3A_126 = arith.constant 640 : i32
    %mul3A_127 = arith.muli %arg1, %mul3A_126 : i32
    %add3A_128 = arith.constant 512 : i32
    %add3A_129 = arith.addi %mul3A_127, %add3A_128 : i32
    "tpu.region"() ({
      %run_scoped3A = tpu.sem_alloc : memref<!tpu.dma_semaphore, #tpu.memory_space<semaphore_mem>>
      %dma_start3A_134 = arith.constant 0 : i32
      %dma_start3A_135 = tpu.memref_slice %arg15[%add3A_129, %dma_start3A_134] : memref<10240x128xf32, #tpu.memory_space<vmem_shared>> -> memref<128x128xf32, #tpu.memory_space<vmem_shared>>
      %dma_start3A_136 = arith.constant 0 : i32
      %dma_start3A_137 = tpu.memref_slice %arg15[%add3A_129, %dma_start3A_136] : memref<10240x128xf32, #tpu.memory_space<vmem_shared>> -> memref<128x128xf32, #tpu.memory_space<vmem_shared>>
      tpu.enqueue_dma source(%dma_start3A_137 : memref<128x128xf32, #tpu.memory_space<vmem_shared>>) target(%arg11 : memref<128x128xf32, #tpu.memory_space<vmem>>) target_semaphore(%run_scoped3A : memref<!tpu.dma_semaphore, #tpu.memory_space<semaphore_mem>>)
      %dma_wait3A_138 = arith.constant 0 : i32
      %dma_wait3A_139 = tpu.memref_slice %arg15[%add3A_129, %dma_wait3A_138] : memref<10240x128xf32, #tpu.memory_space<vmem_shared>> -> memref<128x128xf32, #tpu.memory_space<vmem_shared>>
      %dma_wait3A_140 = arith.constant 0 : i32
      %dma_wait3A_141 = tpu.memref_slice %arg15[%add3A_129, %dma_wait3A_140] : memref<10240x128xf32, #tpu.memory_space<vmem_shared>> -> memref<128x128xf32, #tpu.memory_space<vmem_shared>>
      tpu.wait_dma2 semaphore(%run_scoped3A : memref<!tpu.dma_semaphore, #tpu.memory_space<semaphore_mem>>) src(%dma_wait3A_141 : memref<128x128xf32, #tpu.memory_space<vmem_shared>>) dst(%arg11 : memref<128x128xf32, #tpu.memory_space<vmem>>)
      tpu.yield
    }) : () -> ()
    %mul3A_130 = arith.constant 640 : i32
    %mul3A_131 = arith.muli %arg1, %mul3A_130 : i32
    %add3A_132 = arith.constant 512 : i32
    %add3A_133 = arith.addi %mul3A_131, %add3A_132 : i32
    "tpu.region"() ({
      %run_scoped3A = tpu.sem_alloc : memref<!tpu.dma_semaphore, #tpu.memory_space<semaphore_mem>>
      %dma_start3A_134 = arith.constant 0 : i32
      %dma_start3A_135 = tpu.memref_slice %arg5[%arg0, %add3A_133, %dma_start3A_134] : memref<2x10240x128xf32, #tpu.memory_space<hbm>> -> memref<1x128x128xf32, #tpu.memory_space<hbm>>
      %dma_start3A_136 = tpu.memref_squeeze %dma_start3A_135 : memref<1x128x128xf32, #tpu.memory_space<hbm>> -> memref<128x128xf32, #tpu.memory_space<hbm>>
      %dma_start3A_137 = arith.constant 0 : i32
      %dma_start3A_138 = tpu.memref_slice %arg5[%arg0, %add3A_133, %dma_start3A_137] : memref<2x10240x128xf32, #tpu.memory_space<hbm>> -> memref<1x128x128xf32, #tpu.memory_space<hbm>>
      %dma_start3A_139 = tpu.memref_squeeze %dma_start3A_138 : memref<1x128x128xf32, #tpu.memory_space<hbm>> -> memref<128x128xf32, #tpu.memory_space<hbm>>
      tpu.enqueue_dma source(%arg11 : memref<128x128xf32, #tpu.memory_space<vmem>>) target(%dma_start3A_139 : memref<128x128xf32, #tpu.memory_space<hbm>>) target_semaphore(%run_scoped3A : memref<!tpu.dma_semaphore, #tpu.memory_space<semaphore_mem>>)
      %dma_wait3A_140 = arith.constant 0 : i32
      %dma_wait3A_141 = tpu.memref_slice %arg5[%arg0, %add3A_133, %dma_wait3A_140] : memref<2x10240x128xf32, #tpu.memory_space<hbm>> -> memref<1x128x128xf32, #tpu.memory_space<hbm>>
      %dma_wait3A_142 = tpu.memref_squeeze %dma_wait3A_141 : memref<1x128x128xf32, #tpu.memory_space<hbm>> -> memref<128x128xf32, #tpu.memory_space<hbm>>
      %dma_wait3A_143 = arith.constant 0 : i32
      %dma_wait3A_144 = tpu.memref_slice %arg5[%arg0, %add3A_133, %dma_wait3A_143] : memref<2x10240x128xf32, #tpu.memory_space<hbm>> -> memref<1x128x128xf32, #tpu.memory_space<hbm>>
      %dma_wait3A_145 = tpu.memref_squeeze %dma_wait3A_144 : memref<1x128x128xf32, #tpu.memory_space<hbm>> -> memref<128x128xf32, #tpu.memory_space<hbm>>
      tpu.wait_dma2 semaphore(%run_scoped3A : memref<!tpu.dma_semaphore, #tpu.memory_space<semaphore_mem>>) src(%arg11 : memref<128x128xf32, #tpu.memory_space<vmem>>) dst(%dma_wait3A_145 : memref<128x128xf32, #tpu.memory_space<hbm>>)
      tpu.yield
    }) : () -> ()
    return
  }
}

#map = affine_map<(d0, d1) -> (0, 0)>
#map1 = affine_map<(d0, d1) -> (0, 0, 0)>
module attributes {stable_mosaic.version = 14 : i64} {
  func.func @body(%arg0: i32, %arg1: i32, %arg2: memref<10000x128xf32, #tpu.memory_space<hbm>>, %arg3: memref<32x80x128xi32, #tpu.memory_space<hbm>>, %arg4: memref<32x80x128xi32, #tpu.memory_space<hbm>>, %arg5: memref<2x10240x128xf32, #tpu.memory_space<hbm>>, %arg6: memref<128xi32, #tpu.memory_space<vmem>>, %arg7: memref<128xi32, #tpu.memory_space<vmem>>, %arg8: memref<128xi32, #tpu.memory_space<vmem>>, %arg9: memref<128xi32, #tpu.memory_space<vmem>>, %arg10: memref<128x128xf32, #tpu.memory_space<vmem>>, %arg11: memref<128x128xf32, #tpu.memory_space<vmem>>, %arg12: memref<10240x128xf32, #tpu.memory_space<vmem_shared>>, %arg13: memref<!tpu.dma_semaphore, #tpu.memory_space<semaphore_mem>>, %arg14: memref<!tpu.dma_semaphore, #tpu.memory_space<semaphore_mem>>, %arg15: memref<!tpu.dma_semaphore, #tpu.memory_space<semaphore_mem>>, %arg16: memref<!tpu.dma_semaphore, #tpu.memory_space<semaphore_mem>>, %arg17: memref<!tpu.dma_semaphore, #tpu.memory_space<semaphore_mem>>, %arg18: memref<!tpu.dma_semaphore, #tpu.memory_space<semaphore_mem>>) attributes {dimension_semantics = [#tpu.dimension_semantics<core_parallel>, #tpu.dimension_semantics<subcore_parallel>], iteration_bounds = array<i64: 2, 16>, scalar_prefetch = 0 : i64, scratch_operands = 13 : i64, tpu.core_type = #tpu.core_type<sc_vector_subcore>, window_params = [{transform_indices = #map}, {transform_indices = #map1}, {transform_indices = #map1}, {transform_indices = #map1}]} {
    %mul3A = arith.constant 16 : i32
    %mul3A_0 = arith.muli %arg0, %mul3A : i32
    %add3A = arith.addi %mul3A_0, %arg1 : i32
    %scan3A = arith.constant 0 : i32
    %scan3A_1 = arith.constant 0 : i32
    %scan3A_2 = arith.constant 128 : i32
    %scan3A_3 = arith.addi %scan3A_1, %scan3A_2 : i32
    %scan3A_4 = arith.constant 1 : i32
    %scan3A_5 = scf.for %scan3A_121 = %scan3A_1 to %scan3A_3 step %scan3A_4 iter_args(%scan3A_122 = %scan3A) -> (i32)  : i32 {
      %broadcast_in_dim3A = arith.constant 0.000000e+00 : f32
      %broadcast_in_dim3A_123 = vector.broadcast %broadcast_in_dim3A : f32 to vector<16xf32>
      %swap3A = arith.index_cast %scan3A_121 : i32 to index
      %swap3A_124 = arith.constant 0 : index
      %swap3A_125 = tpu.vector_load %arg10[%swap3A, %swap3A_124] {strides = array<i32>} : memref<128x128xf32, #tpu.memory_space<vmem>>, vector<1x16xf32>,
      %swap3A_126 = vector.shape_cast %swap3A_125 : vector<1x16xf32> to vector<16xf32>
      %swap3A_127 = vector.shape_cast %broadcast_in_dim3A_123 : vector<16xf32> to vector<1x16xf32>
      tpu.vector_store %arg10[%swap3A, %swap3A_124], %swap3A_127 {strides = array<i32>} : memref<128x128xf32, #tpu.memory_space<vmem>>, vector<1x16xf32>,
      %broadcast_in_dim3A_128 = arith.constant 0.000000e+00 : f32
      %broadcast_in_dim3A_129 = vector.broadcast %broadcast_in_dim3A_128 : f32 to vector<16xf32>
      %swap3A_130 = arith.index_cast %scan3A_121 : i32 to index
      %swap3A_131 = arith.constant 16 : index
      %swap3A_132 = tpu.vector_load %arg10[%swap3A_130, %swap3A_131] {strides = array<i32>} : memref<128x128xf32, #tpu.memory_space<vmem>>, vector<1x16xf32>,
      %swap3A_133 = vector.shape_cast %swap3A_132 : vector<1x16xf32> to vector<16xf32>
      %swap3A_134 = vector.shape_cast %broadcast_in_dim3A_129 : vector<16xf32> to vector<1x16xf32>
      tpu.vector_store %arg10[%swap3A_130, %swap3A_131], %swap3A_134 {strides = array<i32>} : memref<128x128xf32, #tpu.memory_space<vmem>>, vector<1x16xf32>,
      %broadcast_in_dim3A_135 = arith.constant 0.000000e+00 : f32
      %broadcast_in_dim3A_136 = vector.broadcast %broadcast_in_dim3A_135 : f32 to vector<16xf32>
      %swap3A_137 = arith.index_cast %scan3A_121 : i32 to index
      %swap3A_138 = arith.constant 32 : index
      %swap3A_139 = tpu.vector_load %arg10[%swap3A_137, %swap3A_138] {strides = array<i32>} : memref<128x128xf32, #tpu.memory_space<vmem>>, vector<1x16xf32>,
      %swap3A_140 = vector.shape_cast %swap3A_139 : vector<1x16xf32> to vector<16xf32>
      %swap3A_141 = vector.shape_cast %broadcast_in_dim3A_136 : vector<16xf32> to vector<1x16xf32>
      tpu.vector_store %arg10[%swap3A_137, %swap3A_138], %swap3A_141 {strides = array<i32>} : memref<128x128xf32, #tpu.memory_space<vmem>>, vector<1x16xf32>,
      %broadcast_in_dim3A_142 = arith.constant 0.000000e+00 : f32
      %broadcast_in_dim3A_143 = vector.broadcast %broadcast_in_dim3A_142 : f32 to vector<16xf32>
      %swap3A_144 = arith.index_cast %scan3A_121 : i32 to index
      %swap3A_145 = arith.constant 48 : index
      %swap3A_146 = tpu.vector_load %arg10[%swap3A_144, %swap3A_145] {strides = array<i32>} : memref<128x128xf32, #tpu.memory_space<vmem>>, vector<1x16xf32>,
      %swap3A_147 = vector.shape_cast %swap3A_146 : vector<1x16xf32> to vector<16xf32>
      %swap3A_148 = vector.shape_cast %broadcast_in_dim3A_143 : vector<16xf32> to vector<1x16xf32>
      tpu.vector_store %arg10[%swap3A_144, %swap3A_145], %swap3A_148 {strides = array<i32>} : memref<128x128xf32, #tpu.memory_space<vmem>>, vector<1x16xf32>,
      %broadcast_in_dim3A_149 = arith.constant 0.000000e+00 : f32
      %broadcast_in_dim3A_150 = vector.broadcast %broadcast_in_dim3A_149 : f32 to vector<16xf32>
      %swap3A_151 = arith.index_cast %scan3A_121 : i32 to index
      %swap3A_152 = arith.constant 64 : index
      %swap3A_153 = tpu.vector_load %arg10[%swap3A_151, %swap3A_152] {strides = array<i32>} : memref<128x128xf32, #tpu.memory_space<vmem>>, vector<1x16xf32>,
      %swap3A_154 = vector.shape_cast %swap3A_153 : vector<1x16xf32> to vector<16xf32>
      %swap3A_155 = vector.shape_cast %broadcast_in_dim3A_150 : vector<16xf32> to vector<1x16xf32>
      tpu.vector_store %arg10[%swap3A_151, %swap3A_152], %swap3A_155 {strides = array<i32>} : memref<128x128xf32, #tpu.memory_space<vmem>>, vector<1x16xf32>,
      %broadcast_in_dim3A_156 = arith.constant 0.000000e+00 : f32
      %broadcast_in_dim3A_157 = vector.broadcast %broadcast_in_dim3A_156 : f32 to vector<16xf32>
      %swap3A_158 = arith.index_cast %scan3A_121 : i32 to index
      %swap3A_159 = arith.constant 80 : index
      %swap3A_160 = tpu.vector_load %arg10[%swap3A_158, %swap3A_159] {strides = array<i32>} : memref<128x128xf32, #tpu.memory_space<vmem>>, vector<1x16xf32>,
      %swap3A_161 = vector.shape_cast %swap3A_160 : vector<1x16xf32> to vector<16xf32>
      %swap3A_162 = vector.shape_cast %broadcast_in_dim3A_157 : vector<16xf32> to vector<1x16xf32>
      tpu.vector_store %arg10[%swap3A_158, %swap3A_159], %swap3A_162 {strides = array<i32>} : memref<128x128xf32, #tpu.memory_space<vmem>>, vector<1x16xf32>,
      %broadcast_in_dim3A_163 = arith.constant 0.000000e+00 : f32
      %broadcast_in_dim3A_164 = vector.broadcast %broadcast_in_dim3A_163 : f32 to vector<16xf32>
      %swap3A_165 = arith.index_cast %scan3A_121 : i32 to index
      %swap3A_166 = arith.constant 96 : index
      %swap3A_167 = tpu.vector_load %arg10[%swap3A_165, %swap3A_166] {strides = array<i32>} : memref<128x128xf32, #tpu.memory_space<vmem>>, vector<1x16xf32>,
      %swap3A_168 = vector.shape_cast %swap3A_167 : vector<1x16xf32> to vector<16xf32>
      %swap3A_169 = vector.shape_cast %broadcast_in_dim3A_164 : vector<16xf32> to vector<1x16xf32>
      tpu.vector_store %arg10[%swap3A_165, %swap3A_166], %swap3A_169 {strides = array<i32>} : memref<128x128xf32, #tpu.memory_space<vmem>>, vector<1x16xf32>,
      %broadcast_in_dim3A_170 = arith.constant 0.000000e+00 : f32
      %broadcast_in_dim3A_171 = vector.broadcast %broadcast_in_dim3A_170 : f32 to vector<16xf32>
      %swap3A_172 = arith.index_cast %scan3A_121 : i32 to index
      %swap3A_173 = arith.constant 112 : index
      %swap3A_174 = tpu.vector_load %arg10[%swap3A_172, %swap3A_173] {strides = array<i32>} : memref<128x128xf32, #tpu.memory_space<vmem>>, vector<1x16xf32>,
      %swap3A_175 = vector.shape_cast %swap3A_174 : vector<1x16xf32> to vector<16xf32>
      %swap3A_176 = vector.shape_cast %broadcast_in_dim3A_171 : vector<16xf32> to vector<1x16xf32>
      tpu.vector_store %arg10[%swap3A_172, %swap3A_173], %swap3A_176 {strides = array<i32>} : memref<128x128xf32, #tpu.memory_space<vmem>>, vector<1x16xf32>,
      %scan3A_177 = arith.constant 0 : i32
      scf.yield %scan3A_177 : i32
    }
    %scan3A_6 = arith.constant 128 : i32
    %mul3A_7 = arith.constant 640 : i32
    %mul3A_8 = arith.muli %arg1, %mul3A_7 : i32
    %add3A_9 = arith.constant 0 : i32
    %add3A_10 = arith.addi %mul3A_8, %add3A_9 : i32
    "tpu.region"() ({
      %run_scoped3A = tpu.sem_alloc : memref<!tpu.dma_semaphore, #tpu.memory_space<semaphore_mem>>
      %dma_start3A_121 = arith.constant 0 : i32
      %dma_start3A_122 = tpu.memref_slice %arg12[%add3A_10, %dma_start3A_121] : memref<10240x128xf32, #tpu.memory_space<vmem_shared>> -> memref<128x128xf32, #tpu.memory_space<vmem_shared>>
      %dma_start3A_123 = arith.constant 0 : i32
      %dma_start3A_124 = tpu.memref_slice %arg12[%add3A_10, %dma_start3A_123] : memref<10240x128xf32, #tpu.memory_space<vmem_shared>> -> memref<128x128xf32, #tpu.memory_space<vmem_shared>>
      tpu.enqueue_dma source(%arg10 : memref<128x128xf32, #tpu.memory_space<vmem>>) target(%dma_start3A_124 : memref<128x128xf32, #tpu.memory_space<vmem_shared>>) target_semaphore(%run_scoped3A : memref<!tpu.dma_semaphore, #tpu.memory_space<semaphore_mem>>)
      %dma_wait3A_125 = arith.constant 0 : i32
      %dma_wait3A_126 = tpu.memref_slice %arg12[%add3A_10, %dma_wait3A_125] : memref<10240x128xf32, #tpu.memory_space<vmem_shared>> -> memref<128x128xf32, #tpu.memory_space<vmem_shared>>
      %dma_wait3A_127 = arith.constant 0 : i32
      %dma_wait3A_128 = tpu.memref_slice %arg12[%add3A_10, %dma_wait3A_127] : memref<10240x128xf32, #tpu.memory_space<vmem_shared>> -> memref<128x128xf32, #tpu.memory_space<vmem_shared>>
      tpu.wait_dma2 semaphore(%run_scoped3A : memref<!tpu.dma_semaphore, #tpu.memory_space<semaphore_mem>>) src(%arg10 : memref<128x128xf32, #tpu.memory_space<vmem>>) dst(%dma_wait3A_128 : memref<128x128xf32, #tpu.memory_space<vmem_shared>>)
      tpu.yield
    }) : () -> ()
    %mul3A_11 = arith.constant 640 : i32
    %mul3A_12 = arith.muli %arg1, %mul3A_11 : i32
    %add3A_13 = arith.constant 128 : i32
    %add3A_14 = arith.addi %mul3A_12, %add3A_13 : i32
    "tpu.region"() ({
      %run_scoped3A = tpu.sem_alloc : memref<!tpu.dma_semaphore, #tpu.memory_space<semaphore_mem>>
      %dma_start3A_121 = arith.constant 0 : i32
      %dma_start3A_122 = tpu.memref_slice %arg12[%add3A_14, %dma_start3A_121] : memref<10240x128xf32, #tpu.memory_space<vmem_shared>> -> memref<128x128xf32, #tpu.memory_space<vmem_shared>>
      %dma_start3A_123 = arith.constant 0 : i32
      %dma_start3A_124 = tpu.memref_slice %arg12[%add3A_14, %dma_start3A_123] : memref<10240x128xf32, #tpu.memory_space<vmem_shared>> -> memref<128x128xf32, #tpu.memory_space<vmem_shared>>
      tpu.enqueue_dma source(%arg10 : memref<128x128xf32, #tpu.memory_space<vmem>>) target(%dma_start3A_124 : memref<128x128xf32, #tpu.memory_space<vmem_shared>>) target_semaphore(%run_scoped3A : memref<!tpu.dma_semaphore, #tpu.memory_space<semaphore_mem>>)
      %dma_wait3A_125 = arith.constant 0 : i32
      %dma_wait3A_126 = tpu.memref_slice %arg12[%add3A_14, %dma_wait3A_125] : memref<10240x128xf32, #tpu.memory_space<vmem_shared>> -> memref<128x128xf32, #tpu.memory_space<vmem_shared>>
      %dma_wait3A_127 = arith.constant 0 : i32
      %dma_wait3A_128 = tpu.memref_slice %arg12[%add3A_14, %dma_wait3A_127] : memref<10240x128xf32, #tpu.memory_space<vmem_shared>> -> memref<128x128xf32, #tpu.memory_space<vmem_shared>>
      tpu.wait_dma2 semaphore(%run_scoped3A : memref<!tpu.dma_semaphore, #tpu.memory_space<semaphore_mem>>) src(%arg10 : memref<128x128xf32, #tpu.memory_space<vmem>>) dst(%dma_wait3A_128 : memref<128x128xf32, #tpu.memory_space<vmem_shared>>)
      tpu.yield
    }) : () -> ()
    %mul3A_15 = arith.constant 640 : i32
    %mul3A_16 = arith.muli %arg1, %mul3A_15 : i32
    %add3A_17 = arith.constant 256 : i32
    %add3A_18 = arith.addi %mul3A_16, %add3A_17 : i32
    "tpu.region"() ({
      %run_scoped3A = tpu.sem_alloc : memref<!tpu.dma_semaphore, #tpu.memory_space<semaphore_mem>>
      %dma_start3A_121 = arith.constant 0 : i32
      %dma_start3A_122 = tpu.memref_slice %arg12[%add3A_18, %dma_start3A_121] : memref<10240x128xf32, #tpu.memory_space<vmem_shared>> -> memref<128x128xf32, #tpu.memory_space<vmem_shared>>
      %dma_start3A_123 = arith.constant 0 : i32
      %dma_start3A_124 = tpu.memref_slice %arg12[%add3A_18, %dma_start3A_123] : memref<10240x128xf32, #tpu.memory_space<vmem_shared>> -> memref<128x128xf32, #tpu.memory_space<vmem_shared>>
      tpu.enqueue_dma source(%arg10 : memref<128x128xf32, #tpu.memory_space<vmem>>) target(%dma_start3A_124 : memref<128x128xf32, #tpu.memory_space<vmem_shared>>) target_semaphore(%run_scoped3A : memref<!tpu.dma_semaphore, #tpu.memory_space<semaphore_mem>>)
      %dma_wait3A_125 = arith.constant 0 : i32
      %dma_wait3A_126 = tpu.memref_slice %arg12[%add3A_18, %dma_wait3A_125] : memref<10240x128xf32, #tpu.memory_space<vmem_shared>> -> memref<128x128xf32, #tpu.memory_space<vmem_shared>>
      %dma_wait3A_127 = arith.constant 0 : i32
      %dma_wait3A_128 = tpu.memref_slice %arg12[%add3A_18, %dma_wait3A_127] : memref<10240x128xf32, #tpu.memory_space<vmem_shared>> -> memref<128x128xf32, #tpu.memory_space<vmem_shared>>
      tpu.wait_dma2 semaphore(%run_scoped3A : memref<!tpu.dma_semaphore, #tpu.memory_space<semaphore_mem>>) src(%arg10 : memref<128x128xf32, #tpu.memory_space<vmem>>) dst(%dma_wait3A_128 : memref<128x128xf32, #tpu.memory_space<vmem_shared>>)
      tpu.yield
    }) : () -> ()
    %mul3A_19 = arith.constant 640 : i32
    %mul3A_20 = arith.muli %arg1, %mul3A_19 : i32
    %add3A_21 = arith.constant 384 : i32
    %add3A_22 = arith.addi %mul3A_20, %add3A_21 : i32
    "tpu.region"() ({
      %run_scoped3A = tpu.sem_alloc : memref<!tpu.dma_semaphore, #tpu.memory_space<semaphore_mem>>
      %dma_start3A_121 = arith.constant 0 : i32
      %dma_start3A_122 = tpu.memref_slice %arg12[%add3A_22, %dma_start3A_121] : memref<10240x128xf32, #tpu.memory_space<vmem_shared>> -> memref<128x128xf32, #tpu.memory_space<vmem_shared>>
      %dma_start3A_123 = arith.constant 0 : i32
      %dma_start3A_124 = tpu.memref_slice %arg12[%add3A_22, %dma_start3A_123] : memref<10240x128xf32, #tpu.memory_space<vmem_shared>> -> memref<128x128xf32, #tpu.memory_space<vmem_shared>>
      tpu.enqueue_dma source(%arg10 : memref<128x128xf32, #tpu.memory_space<vmem>>) target(%dma_start3A_124 : memref<128x128xf32, #tpu.memory_space<vmem_shared>>) target_semaphore(%run_scoped3A : memref<!tpu.dma_semaphore, #tpu.memory_space<semaphore_mem>>)
      %dma_wait3A_125 = arith.constant 0 : i32
      %dma_wait3A_126 = tpu.memref_slice %arg12[%add3A_22, %dma_wait3A_125] : memref<10240x128xf32, #tpu.memory_space<vmem_shared>> -> memref<128x128xf32, #tpu.memory_space<vmem_shared>>
      %dma_wait3A_127 = arith.constant 0 : i32
      %dma_wait3A_128 = tpu.memref_slice %arg12[%add3A_22, %dma_wait3A_127] : memref<10240x128xf32, #tpu.memory_space<vmem_shared>> -> memref<128x128xf32, #tpu.memory_space<vmem_shared>>
      tpu.wait_dma2 semaphore(%run_scoped3A : memref<!tpu.dma_semaphore, #tpu.memory_space<semaphore_mem>>) src(%arg10 : memref<128x128xf32, #tpu.memory_space<vmem>>) dst(%dma_wait3A_128 : memref<128x128xf32, #tpu.memory_space<vmem_shared>>)
      tpu.yield
    }) : () -> ()
    %mul3A_23 = arith.constant 640 : i32
    %mul3A_24 = arith.muli %arg1, %mul3A_23 : i32
    %add3A_25 = arith.constant 512 : i32
    %add3A_26 = arith.addi %mul3A_24, %add3A_25 : i32
    "tpu.region"() ({
      %run_scoped3A = tpu.sem_alloc : memref<!tpu.dma_semaphore, #tpu.memory_space<semaphore_mem>>
      %dma_start3A_121 = arith.constant 0 : i32
      %dma_start3A_122 = tpu.memref_slice %arg12[%add3A_26, %dma_start3A_121] : memref<10240x128xf32, #tpu.memory_space<vmem_shared>> -> memref<128x128xf32, #tpu.memory_space<vmem_shared>>
      %dma_start3A_123 = arith.constant 0 : i32
      %dma_start3A_124 = tpu.memref_slice %arg12[%add3A_26, %dma_start3A_123] : memref<10240x128xf32, #tpu.memory_space<vmem_shared>> -> memref<128x128xf32, #tpu.memory_space<vmem_shared>>
      tpu.enqueue_dma source(%arg10 : memref<128x128xf32, #tpu.memory_space<vmem>>) target(%dma_start3A_124 : memref<128x128xf32, #tpu.memory_space<vmem_shared>>) target_semaphore(%run_scoped3A : memref<!tpu.dma_semaphore, #tpu.memory_space<semaphore_mem>>)
      %dma_wait3A_125 = arith.constant 0 : i32
      %dma_wait3A_126 = tpu.memref_slice %arg12[%add3A_26, %dma_wait3A_125] : memref<10240x128xf32, #tpu.memory_space<vmem_shared>> -> memref<128x128xf32, #tpu.memory_space<vmem_shared>>
      %dma_wait3A_127 = arith.constant 0 : i32
      %dma_wait3A_128 = tpu.memref_slice %arg12[%add3A_26, %dma_wait3A_127] : memref<10240x128xf32, #tpu.memory_space<vmem_shared>> -> memref<128x128xf32, #tpu.memory_space<vmem_shared>>
      tpu.wait_dma2 semaphore(%run_scoped3A : memref<!tpu.dma_semaphore, #tpu.memory_space<semaphore_mem>>) src(%arg10 : memref<128x128xf32, #tpu.memory_space<vmem>>) dst(%dma_wait3A_128 : memref<128x128xf32, #tpu.memory_space<vmem_shared>>)
      tpu.yield
    }) : () -> ()
    %barrier3A = arith.constant 0 : index
    tpu.barrier barrier_id(%barrier3A)
    %dma_start3A = arith.constant 0 : i32
    %dma_start3A_27 = arith.constant 0 : i32
    %dma_start3A_28 = tpu.memref_slice %arg4[%add3A, %dma_start3A, %dma_start3A_27] : memref<32x80x128xi32, #tpu.memory_space<hbm>> -> memref<1x1x128xi32, #tpu.memory_space<hbm>>
    %dma_start3A_29 = tpu.memref_squeeze %dma_start3A_28 : memref<1x1x128xi32, #tpu.memory_space<hbm>> -> memref<128xi32, #tpu.memory_space<hbm>>
    %dma_start3A_30 = arith.constant 0 : i32
    %dma_start3A_31 = tpu.memref_slice %arg4[%add3A, %dma_start3A, %dma_start3A_30] : memref<32x80x128xi32, #tpu.memory_space<hbm>> -> memref<1x1x128xi32, #tpu.memory_space<hbm>>
    %dma_start3A_32 = tpu.memref_squeeze %dma_start3A_31 : memref<1x1x128xi32, #tpu.memory_space<hbm>> -> memref<128xi32, #tpu.memory_space<hbm>>
    tpu.enqueue_dma source(%dma_start3A_32 : memref<128xi32, #tpu.memory_space<hbm>>) target(%arg8 : memref<128xi32, #tpu.memory_space<vmem>>) target_semaphore(%arg15 : memref<!tpu.dma_semaphore, #tpu.memory_space<semaphore_mem>>)
    %dma_start3A_33 = arith.constant 0 : i32
    %dma_start3A_34 = arith.constant 0 : i32
    %dma_start3A_35 = tpu.memref_slice %arg3[%add3A, %dma_start3A_33, %dma_start3A_34] : memref<32x80x128xi32, #tpu.memory_space<hbm>> -> memref<1x1x128xi32, #tpu.memory_space<hbm>>
    %dma_start3A_36 = tpu.memref_squeeze %dma_start3A_35 : memref<1x1x128xi32, #tpu.memory_space<hbm>> -> memref<128xi32, #tpu.memory_space<hbm>>
    %dma_start3A_37 = arith.constant 0 : i32
    %dma_start3A_38 = tpu.memref_slice %arg3[%add3A, %dma_start3A_33, %dma_start3A_37] : memref<32x80x128xi32, #tpu.memory_space<hbm>> -> memref<1x1x128xi32, #tpu.memory_space<hbm>>
    %dma_start3A_39 = tpu.memref_squeeze %dma_start3A_38 : memref<1x1x128xi32, #tpu.memory_space<hbm>> -> memref<128xi32, #tpu.memory_space<hbm>>
    tpu.enqueue_dma source(%dma_start3A_39 : memref<128xi32, #tpu.memory_space<hbm>>) target(%arg6 : memref<128xi32, #tpu.memory_space<vmem>>) target_semaphore(%arg13 : memref<!tpu.dma_semaphore, #tpu.memory_space<semaphore_mem>>)
    %dma_wait3A = arith.constant 0 : i32
    %dma_wait3A_40 = arith.constant 0 : i32
    %dma_wait3A_41 = tpu.memref_slice %arg3[%add3A, %dma_wait3A, %dma_wait3A_40] : memref<32x80x128xi32, #tpu.memory_space<hbm>> -> memref<1x1x128xi32, #tpu.memory_space<hbm>>
    %dma_wait3A_42 = tpu.memref_squeeze %dma_wait3A_41 : memref<1x1x128xi32, #tpu.memory_space<hbm>> -> memref<128xi32, #tpu.memory_space<hbm>>
    %dma_wait3A_43 = arith.constant 0 : i32
    %dma_wait3A_44 = tpu.memref_slice %arg3[%add3A, %dma_wait3A, %dma_wait3A_43] : memref<32x80x128xi32, #tpu.memory_space<hbm>> -> memref<1x1x128xi32, #tpu.memory_space<hbm>>
    %dma_wait3A_45 = tpu.memref_squeeze %dma_wait3A_44 : memref<1x1x128xi32, #tpu.memory_space<hbm>> -> memref<128xi32, #tpu.memory_space<hbm>>
    tpu.wait_dma2 semaphore(%arg13 : memref<!tpu.dma_semaphore, #tpu.memory_space<semaphore_mem>>) src(%dma_wait3A_45 : memref<128xi32, #tpu.memory_space<hbm>>) dst(%arg6 : memref<128xi32, #tpu.memory_space<vmem>>)
    %dma_start3A_46 = arith.constant 0 : i32
    %dma_start3A_47 = arith.constant 0 : i32
    %dma_start3A_48 = tpu.memref_slice %arg2[%dma_start3A_46, %dma_start3A_47] : memref<10000x128xf32, #tpu.memory_space<hbm>> -> memref<10000x128xf32, #tpu.memory_space<hbm>>
    tpu.enqueue_indirect_dma source(%dma_start3A_48 : memref<10000x128xf32, #tpu.memory_space<hbm>>) target(%arg10 : memref<128x128xf32, #tpu.memory_space<vmem>>) offsets(%arg6 : memref<128xi32, #tpu.memory_space<vmem>>) semaphore(%arg17 : memref<!tpu.dma_semaphore, #tpu.memory_space<semaphore_mem>>)
    %dma_start3A_49 = arith.constant 1 : i32
    %dma_start3A_50 = arith.constant 0 : i32
    %dma_start3A_51 = tpu.memref_slice %arg4[%add3A, %dma_start3A_49, %dma_start3A_50] : memref<32x80x128xi32, #tpu.memory_space<hbm>> -> memref<1x1x128xi32, #tpu.memory_space<hbm>>
    %dma_start3A_52 = tpu.memref_squeeze %dma_start3A_51 : memref<1x1x128xi32, #tpu.memory_space<hbm>> -> memref<128xi32, #tpu.memory_space<hbm>>
    %dma_start3A_53 = arith.constant 0 : i32
    %dma_start3A_54 = tpu.memref_slice %arg4[%add3A, %dma_start3A_49, %dma_start3A_53] : memref<32x80x128xi32, #tpu.memory_space<hbm>> -> memref<1x1x128xi32, #tpu.memory_space<hbm>>
    %dma_start3A_55 = tpu.memref_squeeze %dma_start3A_54 : memref<1x1x128xi32, #tpu.memory_space<hbm>> -> memref<128xi32, #tpu.memory_space<hbm>>
    tpu.enqueue_dma source(%dma_start3A_55 : memref<128xi32, #tpu.memory_space<hbm>>) target(%arg9 : memref<128xi32, #tpu.memory_space<vmem>>) target_semaphore(%arg16 : memref<!tpu.dma_semaphore, #tpu.memory_space<semaphore_mem>>)
    %dma_start3A_56 = arith.constant 1 : i32
    %dma_start3A_57 = arith.constant 0 : i32
    %dma_start3A_58 = tpu.memref_slice %arg3[%add3A, %dma_start3A_56, %dma_start3A_57] : memref<32x80x128xi32, #tpu.memory_space<hbm>> -> memref<1x1x128xi32, #tpu.memory_space<hbm>>
    %dma_start3A_59 = tpu.memref_squeeze %dma_start3A_58 : memref<1x1x128xi32, #tpu.memory_space<hbm>> -> memref<128xi32, #tpu.memory_space<hbm>>
    %dma_start3A_60 = arith.constant 0 : i32
    %dma_start3A_61 = tpu.memref_slice %arg3[%add3A, %dma_start3A_56, %dma_start3A_60] : memref<32x80x128xi32, #tpu.memory_space<hbm>> -> memref<1x1x128xi32, #tpu.memory_space<hbm>>
    %dma_start3A_62 = tpu.memref_squeeze %dma_start3A_61 : memref<1x1x128xi32, #tpu.memory_space<hbm>> -> memref<128xi32, #tpu.memory_space<hbm>>
    tpu.enqueue_dma source(%dma_start3A_62 : memref<128xi32, #tpu.memory_space<hbm>>) target(%arg7 : memref<128xi32, #tpu.memory_space<vmem>>) target_semaphore(%arg14 : memref<!tpu.dma_semaphore, #tpu.memory_space<semaphore_mem>>)
    %dma_wait3A_63 = arith.constant 1 : i32
    %dma_wait3A_64 = arith.constant 0 : i32
    %dma_wait3A_65 = tpu.memref_slice %arg3[%add3A, %dma_wait3A_63, %dma_wait3A_64] : memref<32x80x128xi32, #tpu.memory_space<hbm>> -> memref<1x1x128xi32, #tpu.memory_space<hbm>>
    %dma_wait3A_66 = tpu.memref_squeeze %dma_wait3A_65 : memref<1x1x128xi32, #tpu.memory_space<hbm>> -> memref<128xi32, #tpu.memory_space<hbm>>
    %dma_wait3A_67 = arith.constant 0 : i32
    %dma_wait3A_68 = tpu.memref_slice %arg3[%add3A, %dma_wait3A_63, %dma_wait3A_67] : memref<32x80x128xi32, #tpu.memory_space<hbm>> -> memref<1x1x128xi32, #tpu.memory_space<hbm>>
    %dma_wait3A_69 = tpu.memref_squeeze %dma_wait3A_68 : memref<1x1x128xi32, #tpu.memory_space<hbm>> -> memref<128xi32, #tpu.memory_space<hbm>>
    tpu.wait_dma2 semaphore(%arg14 : memref<!tpu.dma_semaphore, #tpu.memory_space<semaphore_mem>>) src(%dma_wait3A_69 : memref<128xi32, #tpu.memory_space<hbm>>) dst(%arg7 : memref<128xi32, #tpu.memory_space<vmem>>)
    %dma_start3A_70 = arith.constant 0 : i32
    %dma_start3A_71 = arith.constant 0 : i32
    %dma_start3A_72 = tpu.memref_slice %arg2[%dma_start3A_70, %dma_start3A_71] : memref<10000x128xf32, #tpu.memory_space<hbm>> -> memref<10000x128xf32, #tpu.memory_space<hbm>>
    tpu.enqueue_indirect_dma source(%dma_start3A_72 : memref<10000x128xf32, #tpu.memory_space<hbm>>) target(%arg11 : memref<128x128xf32, #tpu.memory_space<vmem>>) offsets(%arg7 : memref<128xi32, #tpu.memory_space<vmem>>) semaphore(%arg18 : memref<!tpu.dma_semaphore, #tpu.memory_space<semaphore_mem>>)
    %scan3A_73 = arith.constant 0 : i32
    %scan3A_74 = arith.constant 0 : i32
    %scan3A_75 = arith.constant 40 : i32
    %scan3A_76 = arith.addi %scan3A_74, %scan3A_75 : i32
    %scan3A_77 = arith.constant 1 : i32
    %scan3A_78 = scf.for %scan3A_121 = %scan3A_74 to %scan3A_76 step %scan3A_77 iter_args(%scan3A_122 = %scan3A_73) -> (i32)  : i32 {
      %mul3A_123 = arith.constant 2 : i32
      %mul3A_124 = arith.muli %mul3A_123, %scan3A_121 : i32
      %add3A_125 = arith.constant 0 : i32
      %add3A_126 = arith.addi %mul3A_124, %add3A_125 : i32
      %dma_wait3A_127 = arith.constant 0 : i32
      %dma_wait3A_128 = tpu.memref_slice %arg4[%add3A, %add3A_126, %dma_wait3A_127] : memref<32x80x128xi32, #tpu.memory_space<hbm>> -> memref<1x1x128xi32, #tpu.memory_space<hbm>>
      %dma_wait3A_129 = tpu.memref_squeeze %dma_wait3A_128 : memref<1x1x128xi32, #tpu.memory_space<hbm>> -> memref<128xi32, #tpu.memory_space<hbm>>
      %dma_wait3A_130 = arith.constant 0 : i32
      %dma_wait3A_131 = tpu.memref_slice %arg4[%add3A, %add3A_126, %dma_wait3A_130] : memref<32x80x128xi32, #tpu.memory_space<hbm>> -> memref<1x1x128xi32, #tpu.memory_space<hbm>>
      %dma_wait3A_132 = tpu.memref_squeeze %dma_wait3A_131 : memref<1x1x128xi32, #tpu.memory_space<hbm>> -> memref<128xi32, #tpu.memory_space<hbm>>
      tpu.wait_dma2 semaphore(%arg15 : memref<!tpu.dma_semaphore, #tpu.memory_space<semaphore_mem>>) src(%dma_wait3A_132 : memref<128xi32, #tpu.memory_space<hbm>>) dst(%arg8 : memref<128xi32, #tpu.memory_space<vmem>>)
      %add3A_133 = arith.constant 2 : i32
      %add3A_134 = arith.addi %add3A_126, %add3A_133 : i32
      %dma_wait3A_135 = arith.constant 0 : i32
      %dma_wait3A_136 = arith.constant 0 : i32
      %dma_wait3A_137 = tpu.memref_slice %arg2[%dma_wait3A_135, %dma_wait3A_136] : memref<10000x128xf32, #tpu.memory_space<hbm>> -> memref<10000x128xf32, #tpu.memory_space<hbm>>
      tpu.wait_indirect_dma semaphore(%arg17 : memref<!tpu.dma_semaphore, #tpu.memory_space<semaphore_mem>>) src(%dma_wait3A_137 : memref<10000x128xf32, #tpu.memory_space<hbm>>) dst(%arg10 : memref<128x128xf32, #tpu.memory_space<vmem>>)
      %lt3A = arith.constant 80 : i32
      %lt3A_138 = arith.cmpi slt, %add3A_134, %lt3A : i32
      %convert_element_type3A = arith.extui %lt3A_138 : i1 to i32
      %cond3A = arith.constant 0 : i32
      %cond3A_139 = arith.cmpi ne, %convert_element_type3A, %cond3A : i32
      scf.if %cond3A_139 {
        %dma_start3A_171 = arith.constant 0 : i32
        %dma_start3A_172 = tpu.memref_slice %arg3[%add3A, %add3A_134, %dma_start3A_171] : memref<32x80x128xi32, #tpu.memory_space<hbm>> -> memref<1x1x128xi32, #tpu.memory_space<hbm>>
        %dma_start3A_173 = tpu.memref_squeeze %dma_start3A_172 : memref<1x1x128xi32, #tpu.memory_space<hbm>> -> memref<128xi32, #tpu.memory_space<hbm>>
        %dma_start3A_174 = arith.constant 0 : i32
        %dma_start3A_175 = tpu.memref_slice %arg3[%add3A, %add3A_134, %dma_start3A_174] : memref<32x80x128xi32, #tpu.memory_space<hbm>> -> memref<1x1x128xi32, #tpu.memory_space<hbm>>
        %dma_start3A_176 = tpu.memref_squeeze %dma_start3A_175 : memref<1x1x128xi32, #tpu.memory_space<hbm>> -> memref<128xi32, #tpu.memory_space<hbm>>
        tpu.enqueue_dma source(%dma_start3A_176 : memref<128xi32, #tpu.memory_space<hbm>>) target(%arg6 : memref<128xi32, #tpu.memory_space<vmem>>) target_semaphore(%arg13 : memref<!tpu.dma_semaphore, #tpu.memory_space<semaphore_mem>>)
      } else {
      }
      "tpu.region"() ({
        %run_scoped3A = tpu.sem_alloc : memref<!tpu.dma_semaphore, #tpu.memory_space<semaphore_mem>>
        %dma_start3A_171 = arith.constant 0 : i32
        %dma_start3A_172 = arith.constant 0 : i32
        %dma_start3A_173 = tpu.memref_slice %arg12[%dma_start3A_171, %dma_start3A_172] : memref<10240x128xf32, #tpu.memory_space<vmem_shared>> -> memref<10240x128xf32, #tpu.memory_space<vmem_shared>>
        tpu.enqueue_indirect_dma source(%arg10 : memref<128x128xf32, #tpu.memory_space<vmem>>) target(%dma_start3A_173 : memref<10240x128xf32, #tpu.memory_space<vmem_shared>>) offsets(%arg8 : memref<128xi32, #tpu.memory_space<vmem>>) semaphore(%run_scoped3A : memref<!tpu.dma_semaphore, #tpu.memory_space<semaphore_mem>>) {add = true}
        %dma_wait3A_174 = arith.constant 0 : i32
        %dma_wait3A_175 = arith.constant 0 : i32
        %dma_wait3A_176 = tpu.memref_slice %arg12[%dma_wait3A_174, %dma_wait3A_175] : memref<10240x128xf32, #tpu.memory_space<vmem_shared>> -> memref<10240x128xf32, #tpu.memory_space<vmem_shared>>
        tpu.wait_indirect_dma semaphore(%run_scoped3A : memref<!tpu.dma_semaphore, #tpu.memory_space<semaphore_mem>>) src(%arg10 : memref<128x128xf32, #tpu.memory_space<vmem>>) dst(%dma_wait3A_176 : memref<10240x128xf32, #tpu.memory_space<vmem_shared>>)
        tpu.yield
      }) : () -> ()
      %lt3A_140 = arith.constant 80 : i32
      %lt3A_141 = arith.cmpi slt, %add3A_134, %lt3A_140 : i32
      %convert_element_type3A_142 = arith.extui %lt3A_141 : i1 to i32
      %cond3A_143 = arith.constant 0 : i32
      %cond3A_144 = arith.cmpi ne, %convert_element_type3A_142, %cond3A_143 : i32
      scf.if %cond3A_144 {
        %dma_wait3A_171 = arith.constant 0 : i32
        %dma_wait3A_172 = tpu.memref_slice %arg3[%add3A, %add3A_134, %dma_wait3A_171] : memref<32x80x128xi32, #tpu.memory_space<hbm>> -> memref<1x1x128xi32, #tpu.memory_space<hbm>>
        %dma_wait3A_173 = tpu.memref_squeeze %dma_wait3A_172 : memref<1x1x128xi32, #tpu.memory_space<hbm>> -> memref<128xi32, #tpu.memory_space<hbm>>
        %dma_wait3A_174 = arith.constant 0 : i32
        %dma_wait3A_175 = tpu.memref_slice %arg3[%add3A, %add3A_134, %dma_wait3A_174] : memref<32x80x128xi32, #tpu.memory_space<hbm>> -> memref<1x1x128xi32, #tpu.memory_space<hbm>>
        %dma_wait3A_176 = tpu.memref_squeeze %dma_wait3A_175 : memref<1x1x128xi32, #tpu.memory_space<hbm>> -> memref<128xi32, #tpu.memory_space<hbm>>
        tpu.wait_dma2 semaphore(%arg13 : memref<!tpu.dma_semaphore, #tpu.memory_space<semaphore_mem>>) src(%dma_wait3A_176 : memref<128xi32, #tpu.memory_space<hbm>>) dst(%arg6 : memref<128xi32, #tpu.memory_space<vmem>>)
        %dma_start3A_177 = arith.constant 0 : i32
        %dma_start3A_178 = arith.constant 0 : i32
        %dma_start3A_179 = tpu.memref_slice %arg2[%dma_start3A_177, %dma_start3A_178] : memref<10000x128xf32, #tpu.memory_space<hbm>> -> memref<10000x128xf32, #tpu.memory_space<hbm>>
        tpu.enqueue_indirect_dma source(%dma_start3A_179 : memref<10000x128xf32, #tpu.memory_space<hbm>>) target(%arg10 : memref<128x128xf32, #tpu.memory_space<vmem>>) offsets(%arg6 : memref<128xi32, #tpu.memory_space<vmem>>) semaphore(%arg17 : memref<!tpu.dma_semaphore, #tpu.memory_space<semaphore_mem>>)
        %dma_start3A_180 = arith.constant 0 : i32
        %dma_start3A_181 = tpu.memref_slice %arg4[%add3A, %add3A_134, %dma_start3A_180] : memref<32x80x128xi32, #tpu.memory_space<hbm>> -> memref<1x1x128xi32, #tpu.memory_space<hbm>>
        %dma_start3A_182 = tpu.memref_squeeze %dma_start3A_181 : memref<1x1x128xi32, #tpu.memory_space<hbm>> -> memref<128xi32, #tpu.memory_space<hbm>>
        %dma_start3A_183 = arith.constant 0 : i32
        %dma_start3A_184 = tpu.memref_slice %arg4[%add3A, %add3A_134, %dma_start3A_183] : memref<32x80x128xi32, #tpu.memory_space<hbm>> -> memref<1x1x128xi32, #tpu.memory_space<hbm>>
        %dma_start3A_185 = tpu.memref_squeeze %dma_start3A_184 : memref<1x1x128xi32, #tpu.memory_space<hbm>> -> memref<128xi32, #tpu.memory_space<hbm>>
        tpu.enqueue_dma source(%dma_start3A_185 : memref<128xi32, #tpu.memory_space<hbm>>) target(%arg8 : memref<128xi32, #tpu.memory_space<vmem>>) target_semaphore(%arg15 : memref<!tpu.dma_semaphore, #tpu.memory_space<semaphore_mem>>)
      } else {
      }
      %mul3A_145 = arith.constant 2 : i32
      %mul3A_146 = arith.muli %mul3A_145, %scan3A_121 : i32
      %add3A_147 = arith.constant 1 : i32
      %add3A_148 = arith.addi %mul3A_146, %add3A_147 : i32
      %dma_wait3A_149 = arith.constant 0 : i32
      %dma_wait3A_150 = tpu.memref_slice %arg4[%add3A, %add3A_148, %dma_wait3A_149] : memref<32x80x128xi32, #tpu.memory_space<hbm>> -> memref<1x1x128xi32, #tpu.memory_space<hbm>>
      %dma_wait3A_151 = tpu.memref_squeeze %dma_wait3A_150 : memref<1x1x128xi32, #tpu.memory_space<hbm>> -> memref<128xi32, #tpu.memory_space<hbm>>
      %dma_wait3A_152 = arith.constant 0 : i32
      %dma_wait3A_153 = tpu.memref_slice %arg4[%add3A, %add3A_148, %dma_wait3A_152] : memref<32x80x128xi32, #tpu.memory_space<hbm>> -> memref<1x1x128xi32, #tpu.memory_space<hbm>>
      %dma_wait3A_154 = tpu.memref_squeeze %dma_wait3A_153 : memref<1x1x128xi32, #tpu.memory_space<hbm>> -> memref<128xi32, #tpu.memory_space<hbm>>
      tpu.wait_dma2 semaphore(%arg16 : memref<!tpu.dma_semaphore, #tpu.memory_space<semaphore_mem>>) src(%dma_wait3A_154 : memref<128xi32, #tpu.memory_space<hbm>>) dst(%arg9 : memref<128xi32, #tpu.memory_space<vmem>>)
      %add3A_155 = arith.constant 2 : i32
      %add3A_156 = arith.addi %add3A_148, %add3A_155 : i32
      %dma_wait3A_157 = arith.constant 0 : i32
      %dma_wait3A_158 = arith.constant 0 : i32
      %dma_wait3A_159 = tpu.memref_slice %arg2[%dma_wait3A_157, %dma_wait3A_158] : memref<10000x128xf32, #tpu.memory_space<hbm>> -> memref<10000x128xf32, #tpu.memory_space<hbm>>
      tpu.wait_indirect_dma semaphore(%arg18 : memref<!tpu.dma_semaphore, #tpu.memory_space<semaphore_mem>>) src(%dma_wait3A_159 : memref<10000x128xf32, #tpu.memory_space<hbm>>) dst(%arg11 : memref<128x128xf32, #tpu.memory_space<vmem>>)
      %lt3A_160 = arith.constant 80 : i32
      %lt3A_161 = arith.cmpi slt, %add3A_156, %lt3A_160 : i32
      %convert_element_type3A_162 = arith.extui %lt3A_161 : i1 to i32
      %cond3A_163 = arith.constant 0 : i32
      %cond3A_164 = arith.cmpi ne, %convert_element_type3A_162, %cond3A_163 : i32
      scf.if %cond3A_164 {
        %dma_start3A_171 = arith.constant 0 : i32
        %dma_start3A_172 = tpu.memref_slice %arg3[%add3A, %add3A_156, %dma_start3A_171] : memref<32x80x128xi32, #tpu.memory_space<hbm>> -> memref<1x1x128xi32, #tpu.memory_space<hbm>>
        %dma_start3A_173 = tpu.memref_squeeze %dma_start3A_172 : memref<1x1x128xi32, #tpu.memory_space<hbm>> -> memref<128xi32, #tpu.memory_space<hbm>>
        %dma_start3A_174 = arith.constant 0 : i32
        %dma_start3A_175 = tpu.memref_slice %arg3[%add3A, %add3A_156, %dma_start3A_174] : memref<32x80x128xi32, #tpu.memory_space<hbm>> -> memref<1x1x128xi32, #tpu.memory_space<hbm>>
        %dma_start3A_176 = tpu.memref_squeeze %dma_start3A_175 : memref<1x1x128xi32, #tpu.memory_space<hbm>> -> memref<128xi32, #tpu.memory_space<hbm>>
        tpu.enqueue_dma source(%dma_start3A_176 : memref<128xi32, #tpu.memory_space<hbm>>) target(%arg7 : memref<128xi32, #tpu.memory_space<vmem>>) target_semaphore(%arg14 : memref<!tpu.dma_semaphore, #tpu.memory_space<semaphore_mem>>)
      } else {
      }
      "tpu.region"() ({
        %run_scoped3A = tpu.sem_alloc : memref<!tpu.dma_semaphore, #tpu.memory_space<semaphore_mem>>
        %dma_start3A_171 = arith.constant 0 : i32
        %dma_start3A_172 = arith.constant 0 : i32
        %dma_start3A_173 = tpu.memref_slice %arg12[%dma_start3A_171, %dma_start3A_172] : memref<10240x128xf32, #tpu.memory_space<vmem_shared>> -> memref<10240x128xf32, #tpu.memory_space<vmem_shared>>
        tpu.enqueue_indirect_dma source(%arg11 : memref<128x128xf32, #tpu.memory_space<vmem>>) target(%dma_start3A_173 : memref<10240x128xf32, #tpu.memory_space<vmem_shared>>) offsets(%arg9 : memref<128xi32, #tpu.memory_space<vmem>>) semaphore(%run_scoped3A : memref<!tpu.dma_semaphore, #tpu.memory_space<semaphore_mem>>) {add = true}
        %dma_wait3A_174 = arith.constant 0 : i32
        %dma_wait3A_175 = arith.constant 0 : i32
        %dma_wait3A_176 = tpu.memref_slice %arg12[%dma_wait3A_174, %dma_wait3A_175] : memref<10240x128xf32, #tpu.memory_space<vmem_shared>> -> memref<10240x128xf32, #tpu.memory_space<vmem_shared>>
        tpu.wait_indirect_dma semaphore(%run_scoped3A : memref<!tpu.dma_semaphore, #tpu.memory_space<semaphore_mem>>) src(%arg11 : memref<128x128xf32, #tpu.memory_space<vmem>>) dst(%dma_wait3A_176 : memref<10240x128xf32, #tpu.memory_space<vmem_shared>>)
        tpu.yield
      }) : () -> ()
      %lt3A_165 = arith.constant 80 : i32
      %lt3A_166 = arith.cmpi slt, %add3A_156, %lt3A_165 : i32
      %convert_element_type3A_167 = arith.extui %lt3A_166 : i1 to i32
      %cond3A_168 = arith.constant 0 : i32
      %cond3A_169 = arith.cmpi ne, %convert_element_type3A_167, %cond3A_168 : i32
      scf.if %cond3A_169 {
        %dma_wait3A_171 = arith.constant 0 : i32
        %dma_wait3A_172 = tpu.memref_slice %arg3[%add3A, %add3A_156, %dma_wait3A_171] : memref<32x80x128xi32, #tpu.memory_space<hbm>> -> memref<1x1x128xi32, #tpu.memory_space<hbm>>
        %dma_wait3A_173 = tpu.memref_squeeze %dma_wait3A_172 : memref<1x1x128xi32, #tpu.memory_space<hbm>> -> memref<128xi32, #tpu.memory_space<hbm>>
        %dma_wait3A_174 = arith.constant 0 : i32
        %dma_wait3A_175 = tpu.memref_slice %arg3[%add3A, %add3A_156, %dma_wait3A_174] : memref<32x80x128xi32, #tpu.memory_space<hbm>> -> memref<1x1x128xi32, #tpu.memory_space<hbm>>
        %dma_wait3A_176 = tpu.memref_squeeze %dma_wait3A_175 : memref<1x1x128xi32, #tpu.memory_space<hbm>> -> memref<128xi32, #tpu.memory_space<hbm>>
        tpu.wait_dma2 semaphore(%arg14 : memref<!tpu.dma_semaphore, #tpu.memory_space<semaphore_mem>>) src(%dma_wait3A_176 : memref<128xi32, #tpu.memory_space<hbm>>) dst(%arg7 : memref<128xi32, #tpu.memory_space<vmem>>)
        %dma_start3A_177 = arith.constant 0 : i32
        %dma_start3A_178 = arith.constant 0 : i32
        %dma_start3A_179 = tpu.memref_slice %arg2[%dma_start3A_177, %dma_start3A_178] : memref<10000x128xf32, #tpu.memory_space<hbm>> -> memref<10000x128xf32, #tpu.memory_space<hbm>>
        tpu.enqueue_indirect_dma source(%dma_start3A_179 : memref<10000x128xf32, #tpu.memory_space<hbm>>) target(%arg11 : memref<128x128xf32, #tpu.memory_space<vmem>>) offsets(%arg7 : memref<128xi32, #tpu.memory_space<vmem>>) semaphore(%arg18 : memref<!tpu.dma_semaphore, #tpu.memory_space<semaphore_mem>>)
        %dma_start3A_180 = arith.constant 0 : i32
        %dma_start3A_181 = tpu.memref_slice %arg4[%add3A, %add3A_156, %dma_start3A_180] : memref<32x80x128xi32, #tpu.memory_space<hbm>> -> memref<1x1x128xi32, #tpu.memory_space<hbm>>
        %dma_start3A_182 = tpu.memref_squeeze %dma_start3A_181 : memref<1x1x128xi32, #tpu.memory_space<hbm>> -> memref<128xi32, #tpu.memory_space<hbm>>
        %dma_start3A_183 = arith.constant 0 : i32
        %dma_start3A_184 = tpu.memref_slice %arg4[%add3A, %add3A_156, %dma_start3A_183] : memref<32x80x128xi32, #tpu.memory_space<hbm>> -> memref<1x1x128xi32, #tpu.memory_space<hbm>>
        %dma_start3A_185 = tpu.memref_squeeze %dma_start3A_184 : memref<1x1x128xi32, #tpu.memory_space<hbm>> -> memref<128xi32, #tpu.memory_space<hbm>>
        tpu.enqueue_dma source(%dma_start3A_185 : memref<128xi32, #tpu.memory_space<hbm>>) target(%arg9 : memref<128xi32, #tpu.memory_space<vmem>>) target_semaphore(%arg16 : memref<!tpu.dma_semaphore, #tpu.memory_space<semaphore_mem>>)
      } else {
      }
      %scan3A_170 = arith.constant 0 : i32
      scf.yield %scan3A_170 : i32
    }
    %scan3A_79 = arith.constant 40 : i32
    %barrier3A_80 = arith.constant 0 : index
    tpu.barrier barrier_id(%barrier3A_80)
    %mul3A_81 = arith.constant 640 : i32
    %mul3A_82 = arith.muli %arg1, %mul3A_81 : i32
    %add3A_83 = arith.constant 0 : i32
    %add3A_84 = arith.addi %mul3A_82, %add3A_83 : i32
    "tpu.region"() ({
      %run_scoped3A = tpu.sem_alloc : memref<!tpu.dma_semaphore, #tpu.memory_space<semaphore_mem>>
      %dma_start3A_121 = arith.constant 0 : i32
      %dma_start3A_122 = tpu.memref_slice %arg12[%add3A_84, %dma_start3A_121] : memref<10240x128xf32, #tpu.memory_space<vmem_shared>> -> memref<128x128xf32, #tpu.memory_space<vmem_shared>>
      %dma_start3A_123 = arith.constant 0 : i32
      %dma_start3A_124 = tpu.memref_slice %arg12[%add3A_84, %dma_start3A_123] : memref<10240x128xf32, #tpu.memory_space<vmem_shared>> -> memref<128x128xf32, #tpu.memory_space<vmem_shared>>
      tpu.enqueue_dma source(%dma_start3A_124 : memref<128x128xf32, #tpu.memory_space<vmem_shared>>) target(%arg10 : memref<128x128xf32, #tpu.memory_space<vmem>>) target_semaphore(%run_scoped3A : memref<!tpu.dma_semaphore, #tpu.memory_space<semaphore_mem>>)
      %dma_wait3A_125 = arith.constant 0 : i32
      %dma_wait3A_126 = tpu.memref_slice %arg12[%add3A_84, %dma_wait3A_125] : memref<10240x128xf32, #tpu.memory_space<vmem_shared>> -> memref<128x128xf32, #tpu.memory_space<vmem_shared>>
      %dma_wait3A_127 = arith.constant 0 : i32
      %dma_wait3A_128 = tpu.memref_slice %arg12[%add3A_84, %dma_wait3A_127] : memref<10240x128xf32, #tpu.memory_space<vmem_shared>> -> memref<128x128xf32, #tpu.memory_space<vmem_shared>>
      tpu.wait_dma2 semaphore(%run_scoped3A : memref<!tpu.dma_semaphore, #tpu.memory_space<semaphore_mem>>) src(%dma_wait3A_128 : memref<128x128xf32, #tpu.memory_space<vmem_shared>>) dst(%arg10 : memref<128x128xf32, #tpu.memory_space<vmem>>)
      tpu.yield
    }) : () -> ()
    %mul3A_85 = arith.constant 640 : i32
    %mul3A_86 = arith.muli %arg1, %mul3A_85 : i32
    %add3A_87 = arith.constant 0 : i32
    %add3A_88 = arith.addi %mul3A_86, %add3A_87 : i32
    "tpu.region"() ({
      %run_scoped3A = tpu.sem_alloc : memref<!tpu.dma_semaphore, #tpu.memory_space<semaphore_mem>>
      %dma_start3A_121 = arith.constant 0 : i32
      %dma_start3A_122 = tpu.memref_slice %arg5[%arg0, %add3A_88, %dma_start3A_121] : memref<2x10240x128xf32, #tpu.memory_space<hbm>> -> memref<1x128x128xf32, #tpu.memory_space<hbm>>
      %dma_start3A_123 = tpu.memref_squeeze %dma_start3A_122 : memref<1x128x128xf32, #tpu.memory_space<hbm>> -> memref<128x128xf32, #tpu.memory_space<hbm>>
      %dma_start3A_124 = arith.constant 0 : i32
      %dma_start3A_125 = tpu.memref_slice %arg5[%arg0, %add3A_88, %dma_start3A_124] : memref<2x10240x128xf32, #tpu.memory_space<hbm>> -> memref<1x128x128xf32, #tpu.memory_space<hbm>>
      %dma_start3A_126 = tpu.memref_squeeze %dma_start3A_125 : memref<1x128x128xf32, #tpu.memory_space<hbm>> -> memref<128x128xf32, #tpu.memory_space<hbm>>
      tpu.enqueue_dma source(%arg10 : memref<128x128xf32, #tpu.memory_space<vmem>>) target(%dma_start3A_126 : memref<128x128xf32, #tpu.memory_space<hbm>>) target_semaphore(%run_scoped3A : memref<!tpu.dma_semaphore, #tpu.memory_space<semaphore_mem>>)
      %dma_wait3A_127 = arith.constant 0 : i32
      %dma_wait3A_128 = tpu.memref_slice %arg5[%arg0, %add3A_88, %dma_wait3A_127] : memref<2x10240x128xf32, #tpu.memory_space<hbm>> -> memref<1x128x128xf32, #tpu.memory_space<hbm>>
      %dma_wait3A_129 = tpu.memref_squeeze %dma_wait3A_128 : memref<1x128x128xf32, #tpu.memory_space<hbm>> -> memref<128x128xf32, #tpu.memory_space<hbm>>
      %dma_wait3A_130 = arith.constant 0 : i32
      %dma_wait3A_131 = tpu.memref_slice %arg5[%arg0, %add3A_88, %dma_wait3A_130] : memref<2x10240x128xf32, #tpu.memory_space<hbm>> -> memref<1x128x128xf32, #tpu.memory_space<hbm>>
      %dma_wait3A_132 = tpu.memref_squeeze %dma_wait3A_131 : memref<1x128x128xf32, #tpu.memory_space<hbm>> -> memref<128x128xf32, #tpu.memory_space<hbm>>
      tpu.wait_dma2 semaphore(%run_scoped3A : memref<!tpu.dma_semaphore, #tpu.memory_space<semaphore_mem>>) src(%arg10 : memref<128x128xf32, #tpu.memory_space<vmem>>) dst(%dma_wait3A_132 : memref<128x128xf32, #tpu.memory_space<hbm>>)
      tpu.yield
    }) : () -> ()
    %mul3A_89 = arith.constant 640 : i32
    %mul3A_90 = arith.muli %arg1, %mul3A_89 : i32
    %add3A_91 = arith.constant 128 : i32
    %add3A_92 = arith.addi %mul3A_90, %add3A_91 : i32
    "tpu.region"() ({
      %run_scoped3A = tpu.sem_alloc : memref<!tpu.dma_semaphore, #tpu.memory_space<semaphore_mem>>
      %dma_start3A_121 = arith.constant 0 : i32
      %dma_start3A_122 = tpu.memref_slice %arg12[%add3A_92, %dma_start3A_121] : memref<10240x128xf32, #tpu.memory_space<vmem_shared>> -> memref<128x128xf32, #tpu.memory_space<vmem_shared>>
      %dma_start3A_123 = arith.constant 0 : i32
      %dma_start3A_124 = tpu.memref_slice %arg12[%add3A_92, %dma_start3A_123] : memref<10240x128xf32, #tpu.memory_space<vmem_shared>> -> memref<128x128xf32, #tpu.memory_space<vmem_shared>>
      tpu.enqueue_dma source(%dma_start3A_124 : memref<128x128xf32, #tpu.memory_space<vmem_shared>>) target(%arg11 : memref<128x128xf32, #tpu.memory_space<vmem>>) target_semaphore(%run_scoped3A : memref<!tpu.dma_semaphore, #tpu.memory_space<semaphore_mem>>)
      %dma_wait3A_125 = arith.constant 0 : i32
      %dma_wait3A_126 = tpu.memref_slice %arg12[%add3A_92, %dma_wait3A_125] : memref<10240x128xf32, #tpu.memory_space<vmem_shared>> -> memref<128x128xf32, #tpu.memory_space<vmem_shared>>
      %dma_wait3A_127 = arith.constant 0 : i32
      %dma_wait3A_128 = tpu.memref_slice %arg12[%add3A_92, %dma_wait3A_127] : memref<10240x128xf32, #tpu.memory_space<vmem_shared>> -> memref<128x128xf32, #tpu.memory_space<vmem_shared>>
      tpu.wait_dma2 semaphore(%run_scoped3A : memref<!tpu.dma_semaphore, #tpu.memory_space<semaphore_mem>>) src(%dma_wait3A_128 : memref<128x128xf32, #tpu.memory_space<vmem_shared>>) dst(%arg11 : memref<128x128xf32, #tpu.memory_space<vmem>>)
      tpu.yield
    }) : () -> ()
    %mul3A_93 = arith.constant 640 : i32
    %mul3A_94 = arith.muli %arg1, %mul3A_93 : i32
    %add3A_95 = arith.constant 128 : i32
    %add3A_96 = arith.addi %mul3A_94, %add3A_95 : i32
    "tpu.region"() ({
      %run_scoped3A = tpu.sem_alloc : memref<!tpu.dma_semaphore, #tpu.memory_space<semaphore_mem>>
      %dma_start3A_121 = arith.constant 0 : i32
      %dma_start3A_122 = tpu.memref_slice %arg5[%arg0, %add3A_96, %dma_start3A_121] : memref<2x10240x128xf32, #tpu.memory_space<hbm>> -> memref<1x128x128xf32, #tpu.memory_space<hbm>>
      %dma_start3A_123 = tpu.memref_squeeze %dma_start3A_122 : memref<1x128x128xf32, #tpu.memory_space<hbm>> -> memref<128x128xf32, #tpu.memory_space<hbm>>
      %dma_start3A_124 = arith.constant 0 : i32
      %dma_start3A_125 = tpu.memref_slice %arg5[%arg0, %add3A_96, %dma_start3A_124] : memref<2x10240x128xf32, #tpu.memory_space<hbm>> -> memref<1x128x128xf32, #tpu.memory_space<hbm>>
      %dma_start3A_126 = tpu.memref_squeeze %dma_start3A_125 : memref<1x128x128xf32, #tpu.memory_space<hbm>> -> memref<128x128xf32, #tpu.memory_space<hbm>>
      tpu.enqueue_dma source(%arg11 : memref<128x128xf32, #tpu.memory_space<vmem>>) target(%dma_start3A_126 : memref<128x128xf32, #tpu.memory_space<hbm>>) target_semaphore(%run_scoped3A : memref<!tpu.dma_semaphore, #tpu.memory_space<semaphore_mem>>)
      %dma_wait3A_127 = arith.constant 0 : i32
      %dma_wait3A_128 = tpu.memref_slice %arg5[%arg0, %add3A_96, %dma_wait3A_127] : memref<2x10240x128xf32, #tpu.memory_space<hbm>> -> memref<1x128x128xf32, #tpu.memory_space<hbm>>
      %dma_wait3A_129 = tpu.memref_squeeze %dma_wait3A_128 : memref<1x128x128xf32, #tpu.memory_space<hbm>> -> memref<128x128xf32, #tpu.memory_space<hbm>>
      %dma_wait3A_130 = arith.constant 0 : i32
      %dma_wait3A_131 = tpu.memref_slice %arg5[%arg0, %add3A_96, %dma_wait3A_130] : memref<2x10240x128xf32, #tpu.memory_space<hbm>> -> memref<1x128x128xf32, #tpu.memory_space<hbm>>
      %dma_wait3A_132 = tpu.memref_squeeze %dma_wait3A_131 : memref<1x128x128xf32, #tpu.memory_space<hbm>> -> memref<128x128xf32, #tpu.memory_space<hbm>>
      tpu.wait_dma2 semaphore(%run_scoped3A : memref<!tpu.dma_semaphore, #tpu.memory_space<semaphore_mem>>) src(%arg11 : memref<128x128xf32, #tpu.memory_space<vmem>>) dst(%dma_wait3A_132 : memref<128x128xf32, #tpu.memory_space<hbm>>)
      tpu.yield
    }) : () -> ()
    %mul3A_97 = arith.constant 640 : i32
    %mul3A_98 = arith.muli %arg1, %mul3A_97 : i32
    %add3A_99 = arith.constant 256 : i32
    %add3A_100 = arith.addi %mul3A_98, %add3A_99 : i32
    "tpu.region"() ({
      %run_scoped3A = tpu.sem_alloc : memref<!tpu.dma_semaphore, #tpu.memory_space<semaphore_mem>>
      %dma_start3A_121 = arith.constant 0 : i32
      %dma_start3A_122 = tpu.memref_slice %arg12[%add3A_100, %dma_start3A_121] : memref<10240x128xf32, #tpu.memory_space<vmem_shared>> -> memref<128x128xf32, #tpu.memory_space<vmem_shared>>
      %dma_start3A_123 = arith.constant 0 : i32
      %dma_start3A_124 = tpu.memref_slice %arg12[%add3A_100, %dma_start3A_123] : memref<10240x128xf32, #tpu.memory_space<vmem_shared>> -> memref<128x128xf32, #tpu.memory_space<vmem_shared>>
      tpu.enqueue_dma source(%dma_start3A_124 : memref<128x128xf32, #tpu.memory_space<vmem_shared>>) target(%arg10 : memref<128x128xf32, #tpu.memory_space<vmem>>) target_semaphore(%run_scoped3A : memref<!tpu.dma_semaphore, #tpu.memory_space<semaphore_mem>>)
      %dma_wait3A_125 = arith.constant 0 : i32
      %dma_wait3A_126 = tpu.memref_slice %arg12[%add3A_100, %dma_wait3A_125] : memref<10240x128xf32, #tpu.memory_space<vmem_shared>> -> memref<128x128xf32, #tpu.memory_space<vmem_shared>>
      %dma_wait3A_127 = arith.constant 0 : i32
      %dma_wait3A_128 = tpu.memref_slice %arg12[%add3A_100, %dma_wait3A_127] : memref<10240x128xf32, #tpu.memory_space<vmem_shared>> -> memref<128x128xf32, #tpu.memory_space<vmem_shared>>
      tpu.wait_dma2 semaphore(%run_scoped3A : memref<!tpu.dma_semaphore, #tpu.memory_space<semaphore_mem>>) src(%dma_wait3A_128 : memref<128x128xf32, #tpu.memory_space<vmem_shared>>) dst(%arg10 : memref<128x128xf32, #tpu.memory_space<vmem>>)
      tpu.yield
    }) : () -> ()
    %mul3A_101 = arith.constant 640 : i32
    %mul3A_102 = arith.muli %arg1, %mul3A_101 : i32
    %add3A_103 = arith.constant 256 : i32
    %add3A_104 = arith.addi %mul3A_102, %add3A_103 : i32
    "tpu.region"() ({
      %run_scoped3A = tpu.sem_alloc : memref<!tpu.dma_semaphore, #tpu.memory_space<semaphore_mem>>
      %dma_start3A_121 = arith.constant 0 : i32
      %dma_start3A_122 = tpu.memref_slice %arg5[%arg0, %add3A_104, %dma_start3A_121] : memref<2x10240x128xf32, #tpu.memory_space<hbm>> -> memref<1x128x128xf32, #tpu.memory_space<hbm>>
      %dma_start3A_123 = tpu.memref_squeeze %dma_start3A_122 : memref<1x128x128xf32, #tpu.memory_space<hbm>> -> memref<128x128xf32, #tpu.memory_space<hbm>>
      %dma_start3A_124 = arith.constant 0 : i32
      %dma_start3A_125 = tpu.memref_slice %arg5[%arg0, %add3A_104, %dma_start3A_124] : memref<2x10240x128xf32, #tpu.memory_space<hbm>> -> memref<1x128x128xf32, #tpu.memory_space<hbm>>
      %dma_start3A_126 = tpu.memref_squeeze %dma_start3A_125 : memref<1x128x128xf32, #tpu.memory_space<hbm>> -> memref<128x128xf32, #tpu.memory_space<hbm>>
      tpu.enqueue_dma source(%arg10 : memref<128x128xf32, #tpu.memory_space<vmem>>) target(%dma_start3A_126 : memref<128x128xf32, #tpu.memory_space<hbm>>) target_semaphore(%run_scoped3A : memref<!tpu.dma_semaphore, #tpu.memory_space<semaphore_mem>>)
      %dma_wait3A_127 = arith.constant 0 : i32
      %dma_wait3A_128 = tpu.memref_slice %arg5[%arg0, %add3A_104, %dma_wait3A_127] : memref<2x10240x128xf32, #tpu.memory_space<hbm>> -> memref<1x128x128xf32, #tpu.memory_space<hbm>>
      %dma_wait3A_129 = tpu.memref_squeeze %dma_wait3A_128 : memref<1x128x128xf32, #tpu.memory_space<hbm>> -> memref<128x128xf32, #tpu.memory_space<hbm>>
      %dma_wait3A_130 = arith.constant 0 : i32
      %dma_wait3A_131 = tpu.memref_slice %arg5[%arg0, %add3A_104, %dma_wait3A_130] : memref<2x10240x128xf32, #tpu.memory_space<hbm>> -> memref<1x128x128xf32, #tpu.memory_space<hbm>>
      %dma_wait3A_132 = tpu.memref_squeeze %dma_wait3A_131 : memref<1x128x128xf32, #tpu.memory_space<hbm>> -> memref<128x128xf32, #tpu.memory_space<hbm>>
      tpu.wait_dma2 semaphore(%run_scoped3A : memref<!tpu.dma_semaphore, #tpu.memory_space<semaphore_mem>>) src(%arg10 : memref<128x128xf32, #tpu.memory_space<vmem>>) dst(%dma_wait3A_132 : memref<128x128xf32, #tpu.memory_space<hbm>>)
      tpu.yield
    }) : () -> ()
    %mul3A_105 = arith.constant 640 : i32
    %mul3A_106 = arith.muli %arg1, %mul3A_105 : i32
    %add3A_107 = arith.constant 384 : i32
    %add3A_108 = arith.addi %mul3A_106, %add3A_107 : i32
    "tpu.region"() ({
      %run_scoped3A = tpu.sem_alloc : memref<!tpu.dma_semaphore, #tpu.memory_space<semaphore_mem>>
      %dma_start3A_121 = arith.constant 0 : i32
      %dma_start3A_122 = tpu.memref_slice %arg12[%add3A_108, %dma_start3A_121] : memref<10240x128xf32, #tpu.memory_space<vmem_shared>> -> memref<128x128xf32, #tpu.memory_space<vmem_shared>>
      %dma_start3A_123 = arith.constant 0 : i32
      %dma_start3A_124 = tpu.memref_slice %arg12[%add3A_108, %dma_start3A_123] : memref<10240x128xf32, #tpu.memory_space<vmem_shared>> -> memref<128x128xf32, #tpu.memory_space<vmem_shared>>
      tpu.enqueue_dma source(%dma_start3A_124 : memref<128x128xf32, #tpu.memory_space<vmem_shared>>) target(%arg11 : memref<128x128xf32, #tpu.memory_space<vmem>>) target_semaphore(%run_scoped3A : memref<!tpu.dma_semaphore, #tpu.memory_space<semaphore_mem>>)
      %dma_wait3A_125 = arith.constant 0 : i32
      %dma_wait3A_126 = tpu.memref_slice %arg12[%add3A_108, %dma_wait3A_125] : memref<10240x128xf32, #tpu.memory_space<vmem_shared>> -> memref<128x128xf32, #tpu.memory_space<vmem_shared>>
      %dma_wait3A_127 = arith.constant 0 : i32
      %dma_wait3A_128 = tpu.memref_slice %arg12[%add3A_108, %dma_wait3A_127] : memref<10240x128xf32, #tpu.memory_space<vmem_shared>> -> memref<128x128xf32, #tpu.memory_space<vmem_shared>>
      tpu.wait_dma2 semaphore(%run_scoped3A : memref<!tpu.dma_semaphore, #tpu.memory_space<semaphore_mem>>) src(%dma_wait3A_128 : memref<128x128xf32, #tpu.memory_space<vmem_shared>>) dst(%arg11 : memref<128x128xf32, #tpu.memory_space<vmem>>)
      tpu.yield
    }) : () -> ()
    %mul3A_109 = arith.constant 640 : i32
    %mul3A_110 = arith.muli %arg1, %mul3A_109 : i32
    %add3A_111 = arith.constant 384 : i32
    %add3A_112 = arith.addi %mul3A_110, %add3A_111 : i32
    "tpu.region"() ({
      %run_scoped3A = tpu.sem_alloc : memref<!tpu.dma_semaphore, #tpu.memory_space<semaphore_mem>>
      %dma_start3A_121 = arith.constant 0 : i32
      %dma_start3A_122 = tpu.memref_slice %arg5[%arg0, %add3A_112, %dma_start3A_121] : memref<2x10240x128xf32, #tpu.memory_space<hbm>> -> memref<1x128x128xf32, #tpu.memory_space<hbm>>
      %dma_start3A_123 = tpu.memref_squeeze %dma_start3A_122 : memref<1x128x128xf32, #tpu.memory_space<hbm>> -> memref<128x128xf32, #tpu.memory_space<hbm>>
      %dma_start3A_124 = arith.constant 0 : i32
      %dma_start3A_125 = tpu.memref_slice %arg5[%arg0, %add3A_112, %dma_start3A_124] : memref<2x10240x128xf32, #tpu.memory_space<hbm>> -> memref<1x128x128xf32, #tpu.memory_space<hbm>>
      %dma_start3A_126 = tpu.memref_squeeze %dma_start3A_125 : memref<1x128x128xf32, #tpu.memory_space<hbm>> -> memref<128x128xf32, #tpu.memory_space<hbm>>
      tpu.enqueue_dma source(%arg11 : memref<128x128xf32, #tpu.memory_space<vmem>>) target(%dma_start3A_126 : memref<128x128xf32, #tpu.memory_space<hbm>>) target_semaphore(%run_scoped3A : memref<!tpu.dma_semaphore, #tpu.memory_space<semaphore_mem>>)
      %dma_wait3A_127 = arith.constant 0 : i32
      %dma_wait3A_128 = tpu.memref_slice %arg5[%arg0, %add3A_112, %dma_wait3A_127] : memref<2x10240x128xf32, #tpu.memory_space<hbm>> -> memref<1x128x128xf32, #tpu.memory_space<hbm>>
      %dma_wait3A_129 = tpu.memref_squeeze %dma_wait3A_128 : memref<1x128x128xf32, #tpu.memory_space<hbm>> -> memref<128x128xf32, #tpu.memory_space<hbm>>
      %dma_wait3A_130 = arith.constant 0 : i32
      %dma_wait3A_131 = tpu.memref_slice %arg5[%arg0, %add3A_112, %dma_wait3A_130] : memref<2x10240x128xf32, #tpu.memory_space<hbm>> -> memref<1x128x128xf32, #tpu.memory_space<hbm>>
      %dma_wait3A_132 = tpu.memref_squeeze %dma_wait3A_131 : memref<1x128x128xf32, #tpu.memory_space<hbm>> -> memref<128x128xf32, #tpu.memory_space<hbm>>
      tpu.wait_dma2 semaphore(%run_scoped3A : memref<!tpu.dma_semaphore, #tpu.memory_space<semaphore_mem>>) src(%arg11 : memref<128x128xf32, #tpu.memory_space<vmem>>) dst(%dma_wait3A_132 : memref<128x128xf32, #tpu.memory_space<hbm>>)
      tpu.yield
    }) : () -> ()
    %mul3A_113 = arith.constant 640 : i32
    %mul3A_114 = arith.muli %arg1, %mul3A_113 : i32
    %add3A_115 = arith.constant 512 : i32
    %add3A_116 = arith.addi %mul3A_114, %add3A_115 : i32
    "tpu.region"() ({
      %run_scoped3A = tpu.sem_alloc : memref<!tpu.dma_semaphore, #tpu.memory_space<semaphore_mem>>
      %dma_start3A_121 = arith.constant 0 : i32
      %dma_start3A_122 = tpu.memref_slice %arg12[%add3A_116, %dma_start3A_121] : memref<10240x128xf32, #tpu.memory_space<vmem_shared>> -> memref<128x128xf32, #tpu.memory_space<vmem_shared>>
      %dma_start3A_123 = arith.constant 0 : i32
      %dma_start3A_124 = tpu.memref_slice %arg12[%add3A_116, %dma_start3A_123] : memref<10240x128xf32, #tpu.memory_space<vmem_shared>> -> memref<128x128xf32, #tpu.memory_space<vmem_shared>>
      tpu.enqueue_dma source(%dma_start3A_124 : memref<128x128xf32, #tpu.memory_space<vmem_shared>>) target(%arg10 : memref<128x128xf32, #tpu.memory_space<vmem>>) target_semaphore(%run_scoped3A : memref<!tpu.dma_semaphore, #tpu.memory_space<semaphore_mem>>)
      %dma_wait3A_125 = arith.constant 0 : i32
      %dma_wait3A_126 = tpu.memref_slice %arg12[%add3A_116, %dma_wait3A_125] : memref<10240x128xf32, #tpu.memory_space<vmem_shared>> -> memref<128x128xf32, #tpu.memory_space<vmem_shared>>
      %dma_wait3A_127 = arith.constant 0 : i32
      %dma_wait3A_128 = tpu.memref_slice %arg12[%add3A_116, %dma_wait3A_127] : memref<10240x128xf32, #tpu.memory_space<vmem_shared>> -> memref<128x128xf32, #tpu.memory_space<vmem_shared>>
      tpu.wait_dma2 semaphore(%run_scoped3A : memref<!tpu.dma_semaphore, #tpu.memory_space<semaphore_mem>>) src(%dma_wait3A_128 : memref<128x128xf32, #tpu.memory_space<vmem_shared>>) dst(%arg10 : memref<128x128xf32, #tpu.memory_space<vmem>>)
      tpu.yield
    }) : () -> ()
    %mul3A_117 = arith.constant 640 : i32
    %mul3A_118 = arith.muli %arg1, %mul3A_117 : i32
    %add3A_119 = arith.constant 512 : i32
    %add3A_120 = arith.addi %mul3A_118, %add3A_119 : i32
    "tpu.region"() ({
      %run_scoped3A = tpu.sem_alloc : memref<!tpu.dma_semaphore, #tpu.memory_space<semaphore_mem>>
      %dma_start3A_121 = arith.constant 0 : i32
      %dma_start3A_122 = tpu.memref_slice %arg5[%arg0, %add3A_120, %dma_start3A_121] : memref<2x10240x128xf32, #tpu.memory_space<hbm>> -> memref<1x128x128xf32, #tpu.memory_space<hbm>>
      %dma_start3A_123 = tpu.memref_squeeze %dma_start3A_122 : memref<1x128x128xf32, #tpu.memory_space<hbm>> -> memref<128x128xf32, #tpu.memory_space<hbm>>
      %dma_start3A_124 = arith.constant 0 : i32
      %dma_start3A_125 = tpu.memref_slice %arg5[%arg0, %add3A_120, %dma_start3A_124] : memref<2x10240x128xf32, #tpu.memory_space<hbm>> -> memref<1x128x128xf32, #tpu.memory_space<hbm>>
      %dma_start3A_126 = tpu.memref_squeeze %dma_start3A_125 : memref<1x128x128xf32, #tpu.memory_space<hbm>> -> memref<128x128xf32, #tpu.memory_space<hbm>>
      tpu.enqueue_dma source(%arg10 : memref<128x128xf32, #tpu.memory_space<vmem>>) target(%dma_start3A_126 : memref<128x128xf32, #tpu.memory_space<hbm>>) target_semaphore(%run_scoped3A : memref<!tpu.dma_semaphore, #tpu.memory_space<semaphore_mem>>)
      %dma_wait3A_127 = arith.constant 0 : i32
      %dma_wait3A_128 = tpu.memref_slice %arg5[%arg0, %add3A_120, %dma_wait3A_127] : memref<2x10240x128xf32, #tpu.memory_space<hbm>> -> memref<1x128x128xf32, #tpu.memory_space<hbm>>
      %dma_wait3A_129 = tpu.memref_squeeze %dma_wait3A_128 : memref<1x128x128xf32, #tpu.memory_space<hbm>> -> memref<128x128xf32, #tpu.memory_space<hbm>>
      %dma_wait3A_130 = arith.constant 0 : i32
      %dma_wait3A_131 = tpu.memref_slice %arg5[%arg0, %add3A_120, %dma_wait3A_130] : memref<2x10240x128xf32, #tpu.memory_space<hbm>> -> memref<1x128x128xf32, #tpu.memory_space<hbm>>
      %dma_wait3A_132 = tpu.memref_squeeze %dma_wait3A_131 : memref<1x128x128xf32, #tpu.memory_space<hbm>> -> memref<128x128xf32, #tpu.memory_space<hbm>>
      tpu.wait_dma2 semaphore(%run_scoped3A : memref<!tpu.dma_semaphore, #tpu.memory_space<semaphore_mem>>) src(%arg10 : memref<128x128xf32, #tpu.memory_space<vmem>>) dst(%dma_wait3A_132 : memref<128x128xf32, #tpu.memory_space<hbm>>)
      tpu.yield
    }) : () -> ()
    return
  }
}

module attributes {stable_mosaic.version = 14 : i64} {
  func.func @_xr_body(%arg0: i32, %arg1: memref<1000x128xf32, #tpu.memory_space<vmem>>, %arg2: memref<128x128xf32, #tpu.memory_space<vmem>>, %arg3: memref<1x128xf32, #tpu.memory_space<vmem>>, %arg4: memref<1000x128xf32, #tpu.memory_space<vmem>>) attributes {dimension_semantics = [#tpu.dimension_semantics<arbitrary>], iteration_bounds = array<i64: 10>, scalar_prefetch = 0 : i64, scratch_operands = 0 : i64, tpu.core_type = #tpu.core_type<tc>, window_params = [{transform_indices = @transform_0, window_bounds = array<i64: 1000, 128>}, {pipeline_mode = #tpu.pipeline_mode<synchronous>, transform_indices = @transform_1, window_bounds = array<i64: 128, 128>}, {pipeline_mode = #tpu.pipeline_mode<synchronous>, transform_indices = @transform_2, window_bounds = array<i64: 1, 128>}, {transform_indices = @transform_3, window_bounds = array<i64: 1000, 128>}]} {
    %get3A = arith.constant 0 : index
    %get3A_0 = arith.constant 0 : index
    %get3A_1 = vector.load %arg1[%get3A, %get3A_0] : memref<1000x128xf32, #tpu.memory_space<vmem>>, vector<1000x128xf32>
    %get3A_2 = arith.constant 0 : index
    %get3A_3 = arith.constant 0 : index
    %get3A_4 = vector.load %arg2[%get3A_2, %get3A_3] : memref<128x128xf32, #tpu.memory_space<vmem>>, vector<128x128xf32>
    %dot_general3A = arith.constant dense<0.000000e+00> : vector<1000x128xf32>
    %dot_general3A_5 = tpu.matmul %get3A_1, %get3A_4, %dot_general3A {dimension_numbers = #tpu.dot_dimension_numbers<[1], [0], [0], [1], [0, 0, 1, 1], [], []>, transpose_lhs_hint = false} : vector<1000x128xf32>, vector<128x128xf32>, vector<1000x128xf32> -> vector<1000x128xf32>
    %get3A_6 = arith.constant 0 : index
    %get3A_7 = arith.constant 0 : index
    %get3A_8 = vector.load %arg3[%get3A_6, %get3A_7] : memref<1x128xf32, #tpu.memory_space<vmem>>, vector<1x128xf32>
    %add3A = vector.broadcast %get3A_8 : vector<1x128xf32> to vector<1000x128xf32>
    %add3A_9 = arith.addf %dot_general3A_5, %add3A : vector<1000x128xf32>
    %swap3A = arith.constant 0 : index
    %swap3A_10 = arith.constant 0 : index
    %swap3A_11 = vector.load %arg4[%swap3A, %swap3A_10] : memref<1000x128xf32, #tpu.memory_space<vmem>>, vector<1000x128xf32>
    tpu.vector_store %arg4[%swap3A, %swap3A_10], %add3A_9 {strides = array<i32>} : memref<1000x128xf32, #tpu.memory_space<vmem>>, vector<1000x128xf32>,
    return
  }
  func.func @transform_0(%arg0: i32) -> (i32, i32) {
    %c0_i32 = arith.constant 0 : i32
    %c0_i32_0 = arith.constant 0 : i32
    return %arg0, %c0_i32 : i32, i32
  }
  func.func @transform_1(%arg0: i32) -> (i32, i32) {
    %c0_i32 = arith.constant 0 : i32
    %c0_i32_0 = arith.constant 0 : i32
    %c0_i32_1 = arith.constant 0 : i32
    return %c0_i32, %c0_i32_0 : i32, i32
  }
  func.func @transform_2(%arg0: i32) -> (i32, i32) {
    %c0_i32 = arith.constant 0 : i32
    %c0_i32_0 = arith.constant 0 : i32
    %c0_i32_1 = arith.constant 0 : i32
    return %c0_i32, %c0_i32_0 : i32, i32
  }
  func.func @transform_3(%arg0: i32) -> (i32, i32) {
    %c0_i32 = arith.constant 0 : i32
    %c0_i32_0 = arith.constant 0 : i32
    return %arg0, %c0_i32 : i32, i32
  }
}

module attributes {stable_mosaic.version = 14 : i64} {
  func.func @_bn_relu_body(%arg0: i32, %arg1: memref<1000x128xf32, #tpu.memory_space<vmem>>, %arg2: memref<1x128xf32, #tpu.memory_space<vmem>>, %arg3: memref<1x128xf32, #tpu.memory_space<vmem>>, %arg4: memref<1000x128xf32, #tpu.memory_space<vmem>>) attributes {dimension_semantics = [#tpu.dimension_semantics<arbitrary>], iteration_bounds = array<i64: 10>, scalar_prefetch = 0 : i64, scratch_operands = 0 : i64, tpu.core_type = #tpu.core_type<tc>, window_params = [{transform_indices = @transform_0, window_bounds = array<i64: 1000, 128>}, {pipeline_mode = #tpu.pipeline_mode<synchronous>, transform_indices = @transform_1, window_bounds = array<i64: 1, 128>}, {pipeline_mode = #tpu.pipeline_mode<synchronous>, transform_indices = @transform_2, window_bounds = array<i64: 1, 128>}, {transform_indices = @transform_3, window_bounds = array<i64: 1000, 128>}]} {
    %get3A = arith.constant 0 : index
    %get3A_0 = arith.constant 0 : index
    %get3A_1 = vector.load %arg1[%get3A, %get3A_0] : memref<1000x128xf32, #tpu.memory_space<vmem>>, vector<1000x128xf32>
    %get3A_2 = arith.constant 0 : index
    %get3A_3 = arith.constant 0 : index
    %get3A_4 = vector.load %arg2[%get3A_2, %get3A_3] : memref<1x128xf32, #tpu.memory_space<vmem>>, vector<1x128xf32>
    %mul3A = vector.broadcast %get3A_4 : vector<1x128xf32> to vector<1000x128xf32>
    %mul3A_5 = arith.mulf %get3A_1, %mul3A : vector<1000x128xf32>
    %get3A_6 = arith.constant 0 : index
    %get3A_7 = arith.constant 0 : index
    %get3A_8 = vector.load %arg3[%get3A_6, %get3A_7] : memref<1x128xf32, #tpu.memory_space<vmem>>, vector<1x128xf32>
    %add3A = vector.broadcast %get3A_8 : vector<1x128xf32> to vector<1000x128xf32>
    %add3A_9 = arith.addf %mul3A_5, %add3A : vector<1000x128xf32>
    %max3A = arith.constant 0.000000e+00 : f32
    %max3A_10 = vector.broadcast %max3A : f32 to vector<1000x128xf32>
    %max3A_11 = arith.maximumf %add3A_9, %max3A_10 : vector<1000x128xf32>
    %swap3A = arith.constant 0 : index
    %swap3A_12 = arith.constant 0 : index
    %swap3A_13 = vector.load %arg4[%swap3A, %swap3A_12] : memref<1000x128xf32, #tpu.memory_space<vmem>>, vector<1000x128xf32>
    tpu.vector_store %arg4[%swap3A, %swap3A_12], %max3A_11 {strides = array<i32>} : memref<1000x128xf32, #tpu.memory_space<vmem>>, vector<1000x128xf32>,
    return
  }
  func.func @transform_0(%arg0: i32) -> (i32, i32) {
    %c0_i32 = arith.constant 0 : i32
    %c0_i32_0 = arith.constant 0 : i32
    return %arg0, %c0_i32 : i32, i32
  }
  func.func @transform_1(%arg0: i32) -> (i32, i32) {
    %c0_i32 = arith.constant 0 : i32
    %c0_i32_0 = arith.constant 0 : i32
    %c0_i32_1 = arith.constant 0 : i32
    return %c0_i32, %c0_i32_0 : i32, i32
  }
  func.func @transform_2(%arg0: i32) -> (i32, i32) {
    %c0_i32 = arith.constant 0 : i32
    %c0_i32_0 = arith.constant 0 : i32
    %c0_i32_1 = arith.constant 0 : i32
    return %c0_i32, %c0_i32_0 : i32, i32
  }
  func.func @transform_3(%arg0: i32) -> (i32, i32) {
    %c0_i32 = arith.constant 0 : i32
    %c0_i32_0 = arith.constant 0 : i32
    return %arg0, %c0_i32 : i32, i32
  }
}

module attributes {stable_mosaic.version = 14 : i64} {
  func.func @_dense_body(%arg0: i32, %arg1: memref<2x1000x128xf32, #tpu.memory_space<vmem>>, %arg2: memref<1000x16xf32, #tpu.memory_space<vmem>>, %arg3: memref<1000x128xf32, #tpu.memory_space<vmem>>, %arg4: memref<128x128xf32, #tpu.memory_space<vmem>>, %arg5: memref<1000x128xf32, #tpu.memory_space<vmem>>, %arg6: memref<2x128xf32, #tpu.memory_space<vmem>>) attributes {dimension_semantics = [#tpu.dimension_semantics<arbitrary>], iteration_bounds = array<i64: 10>, scalar_prefetch = 0 : i64, scratch_operands = 0 : i64, tpu.core_type = #tpu.core_type<tc>, window_params = [{transform_indices = @transform_0, window_bounds = array<i64: 2, 1000, 128>}, {transform_indices = @transform_1, window_bounds = array<i64: 1000, 16>}, {transform_indices = @transform_2, window_bounds = array<i64: 1000, 128>}, {pipeline_mode = #tpu.pipeline_mode<synchronous>, transform_indices = @transform_3, window_bounds = array<i64: 128, 128>}, {transform_indices = @transform_4, window_bounds = array<i64: 1000, 128>}, {pipeline_mode = #tpu.pipeline_mode<synchronous>, transform_indices = @transform_5, window_bounds = array<i64: 2, 128>}]} {
    %get3A = arith.constant 0 : index
    %get3A_0 = arith.constant 0 : index
    %get3A_1 = arith.constant 0 : index
    %get3A_2 = vector.load %arg1[%get3A, %get3A_0, %get3A_1] : memref<2x1000x128xf32, #tpu.memory_space<vmem>>, vector<1x1000x128xf32>
    %get3A_3 = vector.shape_cast %get3A_2 : vector<1x1000x128xf32> to vector<1000x128xf32>
    %get3A_4 = arith.constant 1 : index
    %get3A_5 = arith.constant 0 : index
    %get3A_6 = arith.constant 0 : index
    %get3A_7 = vector.load %arg1[%get3A_4, %get3A_5, %get3A_6] : memref<2x1000x128xf32, #tpu.memory_space<vmem>>, vector<1x1000x128xf32>
    %get3A_8 = vector.shape_cast %get3A_7 : vector<1x1000x128xf32> to vector<1000x128xf32>
    %add3A = arith.addf %get3A_3, %get3A_8 : vector<1000x128xf32>
    %get3A_9 = arith.constant 0 : index
    %get3A_10 = arith.constant 0 : index
    %get3A_11 = vector.load %arg2[%get3A_9, %get3A_10] : memref<1000x16xf32, #tpu.memory_space<vmem>>, vector<1000x1xf32>
    %max3A = arith.constant 1.000000e+00 : f32
    %max3A_12 = vector.broadcast %max3A : f32 to vector<1000x1xf32>
    %max3A_13 = arith.maximumf %get3A_11, %max3A_12 : vector<1000x1xf32>
    %div3A = arith.constant 1.000000e+00 : f32
    %div3A_14 = vector.broadcast %div3A : f32 to vector<1000x1xf32>
    %div3A_15 = arith.divf %div3A_14, %max3A_13 : vector<1000x1xf32>
    %mul3A = vector.broadcast %div3A_15 : vector<1000x1xf32> to vector<1000x128xf32>
    %mul3A_16 = arith.mulf %add3A, %mul3A : vector<1000x128xf32>
    %get3A_17 = arith.constant 0 : index
    %get3A_18 = arith.constant 0 : index
    %get3A_19 = vector.load %arg4[%get3A_17, %get3A_18] : memref<128x128xf32, #tpu.memory_space<vmem>>, vector<128x128xf32>
    %dot_general3A = arith.constant dense<0.000000e+00> : vector<1000x128xf32>
    %dot_general3A_20 = tpu.matmul %mul3A_16, %get3A_19, %dot_general3A {dimension_numbers = #tpu.dot_dimension_numbers<[1], [0], [0], [1], [0, 0, 1, 1], [], []>, transpose_lhs_hint = false} : vector<1000x128xf32>, vector<128x128xf32>, vector<1000x128xf32> -> vector<1000x128xf32>
    %get3A_21 = arith.constant 0 : index
    %get3A_22 = arith.constant 0 : index
    %get3A_23 = vector.load %arg3[%get3A_21, %get3A_22] : memref<1000x128xf32, #tpu.memory_space<vmem>>, vector<1000x128xf32>
    %add3A_24 = arith.addf %dot_general3A_20, %get3A_23 : vector<1000x128xf32>
    %swap3A = arith.constant 0 : index
    %swap3A_25 = arith.constant 0 : index
    %swap3A_26 = vector.load %arg5[%swap3A, %swap3A_25] : memref<1000x128xf32, #tpu.memory_space<vmem>>, vector<1000x128xf32>
    tpu.vector_store %arg5[%swap3A, %swap3A_25], %add3A_24 {strides = array<i32>} : memref<1000x128xf32, #tpu.memory_space<vmem>>, vector<1000x128xf32>,
    %reduce_sum3A = arith.constant dense<0.000000e+00> : vector<128xf32>
    %reduce_sum3A_27 = vector.multi_reduction <add>, %add3A_24, %reduce_sum3A [0] : vector<1000x128xf32> to vector<128xf32>
    %broadcast_in_dim3A = vector.shape_cast %reduce_sum3A_27 : vector<128xf32> to vector<1x128xf32>
    %mul3A_28 = arith.mulf %add3A_24, %add3A_24 : vector<1000x128xf32>
    %reduce_sum3A_29 = arith.constant dense<0.000000e+00> : vector<128xf32>
    %reduce_sum3A_30 = vector.multi_reduction <add>, %mul3A_28, %reduce_sum3A_29 [0] : vector<1000x128xf32> to vector<128xf32>
    %broadcast_in_dim3A_31 = vector.shape_cast %reduce_sum3A_30 : vector<128xf32> to vector<1x128xf32>
    %concatenate3A = tpu.concatenate %broadcast_in_dim3A, %broadcast_in_dim3A_31 in 0 : vector<1x128xf32>, vector<1x128xf32> -> vector<2x128xf32>
    %eq3A = arith.constant 0 : i32
    %eq3A_32 = arith.cmpi eq, %arg0, %eq3A : i32
    %convert_element_type3A = arith.extui %eq3A_32 : i1 to i32
    %cond3A = arith.constant 0 : i32
    %cond3A_33 = arith.cmpi ne, %convert_element_type3A, %cond3A : i32
    scf.if %cond3A_33 {
      %broadcast_in_dim3A_41 = arith.constant 0.000000e+00 : f32
      %broadcast_in_dim3A_42 = vector.broadcast %broadcast_in_dim3A_41 : f32 to vector<2x128xf32>
      %swap3A_43 = arith.constant 0 : index
      %swap3A_44 = arith.constant 0 : index
      %swap3A_45 = vector.load %arg6[%swap3A_43, %swap3A_44] : memref<2x128xf32, #tpu.memory_space<vmem>>, vector<2x128xf32>
      tpu.vector_store %arg6[%swap3A_43, %swap3A_44], %broadcast_in_dim3A_42 {strides = array<i32>} : memref<2x128xf32, #tpu.memory_space<vmem>>, vector<2x128xf32>,
    } else {
    }
    %get3A_34 = arith.constant 0 : index
    %get3A_35 = arith.constant 0 : index
    %get3A_36 = vector.load %arg6[%get3A_34, %get3A_35] : memref<2x128xf32, #tpu.memory_space<vmem>>, vector<2x128xf32>
    %add3A_37 = arith.addf %get3A_36, %concatenate3A : vector<2x128xf32>
    %swap3A_38 = arith.constant 0 : index
    %swap3A_39 = arith.constant 0 : index
    %swap3A_40 = vector.load %arg6[%swap3A_38, %swap3A_39] : memref<2x128xf32, #tpu.memory_space<vmem>>, vector<2x128xf32>
    tpu.vector_store %arg6[%swap3A_38, %swap3A_39], %add3A_37 {strides = array<i32>} : memref<2x128xf32, #tpu.memory_space<vmem>>, vector<2x128xf32>,
    return
  }
  func.func @transform_0(%arg0: i32) -> (i32, i32, i32) {
    %c0_i32 = arith.constant 0 : i32
    %c0_i32_0 = arith.constant 0 : i32
    %c0_i32_1 = arith.constant 0 : i32
    return %c0_i32, %arg0, %c0_i32_0 : i32, i32, i32
  }
  func.func @transform_1(%arg0: i32) -> (i32, i32) {
    %c0_i32 = arith.constant 0 : i32
    %c0_i32_0 = arith.constant 0 : i32
    return %arg0, %c0_i32 : i32, i32
  }
  func.func @transform_2(%arg0: i32) -> (i32, i32) {
    %c0_i32 = arith.constant 0 : i32
    %c0_i32_0 = arith.constant 0 : i32
    return %arg0, %c0_i32 : i32, i32
  }
  func.func @transform_3(%arg0: i32) -> (i32, i32) {
    %c0_i32 = arith.constant 0 : i32
    %c0_i32_0 = arith.constant 0 : i32
    %c0_i32_1 = arith.constant 0 : i32
    return %c0_i32, %c0_i32_0 : i32, i32
  }
  func.func @transform_4(%arg0: i32) -> (i32, i32) {
    %c0_i32 = arith.constant 0 : i32
    %c0_i32_0 = arith.constant 0 : i32
    return %arg0, %c0_i32 : i32, i32
  }
  func.func @transform_5(%arg0: i32) -> (i32, i32) {
    %c0_i32 = arith.constant 0 : i32
    %c0_i32_0 = arith.constant 0 : i32
    %c0_i32_1 = arith.constant 0 : i32
    return %c0_i32, %c0_i32_0 : i32, i32
  }
}

module attributes {stable_mosaic.version = 14 : i64} {
  func.func @_dense_body(%arg0: i32, %arg1: memref<2x1000x128xf32, #tpu.memory_space<vmem>>, %arg2: memref<1000x16xf32, #tpu.memory_space<vmem>>, %arg3: memref<1000x128xf32, #tpu.memory_space<vmem>>, %arg4: memref<128x128xf32, #tpu.memory_space<vmem>>, %arg5: memref<1000x128xf32, #tpu.memory_space<vmem>>, %arg6: memref<1x1xf32, #tpu.memory_space<vmem>>) attributes {dimension_semantics = [#tpu.dimension_semantics<arbitrary>], iteration_bounds = array<i64: 10>, scalar_prefetch = 0 : i64, scratch_operands = 0 : i64, tpu.core_type = #tpu.core_type<tc>, window_params = [{transform_indices = @transform_0, window_bounds = array<i64: 2, 1000, 128>}, {transform_indices = @transform_1, window_bounds = array<i64: 1000, 16>}, {transform_indices = @transform_2, window_bounds = array<i64: 1000, 128>}, {pipeline_mode = #tpu.pipeline_mode<synchronous>, transform_indices = @transform_3, window_bounds = array<i64: 128, 128>}, {transform_indices = @transform_4, window_bounds = array<i64: 1000, 128>}, {pipeline_mode = #tpu.pipeline_mode<synchronous>, transform_indices = @transform_5, window_bounds = array<i64: 1, 1>}]} {
    %get3A = arith.constant 0 : index
    %get3A_0 = arith.constant 0 : index
    %get3A_1 = arith.constant 0 : index
    %get3A_2 = vector.load %arg1[%get3A, %get3A_0, %get3A_1] : memref<2x1000x128xf32, #tpu.memory_space<vmem>>, vector<1x1000x128xf32>
    %get3A_3 = vector.shape_cast %get3A_2 : vector<1x1000x128xf32> to vector<1000x128xf32>
    %get3A_4 = arith.constant 1 : index
    %get3A_5 = arith.constant 0 : index
    %get3A_6 = arith.constant 0 : index
    %get3A_7 = vector.load %arg1[%get3A_4, %get3A_5, %get3A_6] : memref<2x1000x128xf32, #tpu.memory_space<vmem>>, vector<1x1000x128xf32>
    %get3A_8 = vector.shape_cast %get3A_7 : vector<1x1000x128xf32> to vector<1000x128xf32>
    %add3A = arith.addf %get3A_3, %get3A_8 : vector<1000x128xf32>
    %get3A_9 = arith.constant 0 : index
    %get3A_10 = arith.constant 0 : index
    %get3A_11 = vector.load %arg2[%get3A_9, %get3A_10] : memref<1000x16xf32, #tpu.memory_space<vmem>>, vector<1000x1xf32>
    %max3A = arith.constant 1.000000e+00 : f32
    %max3A_12 = vector.broadcast %max3A : f32 to vector<1000x1xf32>
    %max3A_13 = arith.maximumf %get3A_11, %max3A_12 : vector<1000x1xf32>
    %div3A = arith.constant 1.000000e+00 : f32
    %div3A_14 = vector.broadcast %div3A : f32 to vector<1000x1xf32>
    %div3A_15 = arith.divf %div3A_14, %max3A_13 : vector<1000x1xf32>
    %mul3A = vector.broadcast %div3A_15 : vector<1000x1xf32> to vector<1000x128xf32>
    %mul3A_16 = arith.mulf %add3A, %mul3A : vector<1000x128xf32>
    %get3A_17 = arith.constant 0 : index
    %get3A_18 = arith.constant 0 : index
    %get3A_19 = vector.load %arg4[%get3A_17, %get3A_18] : memref<128x128xf32, #tpu.memory_space<vmem>>, vector<128x128xf32>
    %dot_general3A = arith.constant dense<0.000000e+00> : vector<1000x128xf32>
    %dot_general3A_20 = tpu.matmul %mul3A_16, %get3A_19, %dot_general3A {dimension_numbers = #tpu.dot_dimension_numbers<[1], [0], [0], [1], [0, 0, 1, 1], [], []>, transpose_lhs_hint = false} : vector<1000x128xf32>, vector<128x128xf32>, vector<1000x128xf32> -> vector<1000x128xf32>
    %get3A_21 = arith.constant 0 : index
    %get3A_22 = arith.constant 0 : index
    %get3A_23 = vector.load %arg3[%get3A_21, %get3A_22] : memref<1000x128xf32, #tpu.memory_space<vmem>>, vector<1000x128xf32>
    %add3A_24 = arith.addf %dot_general3A_20, %get3A_23 : vector<1000x128xf32>
    %swap3A = arith.constant 0 : index
    %swap3A_25 = arith.constant 0 : index
    %swap3A_26 = vector.load %arg5[%swap3A, %swap3A_25] : memref<1000x128xf32, #tpu.memory_space<vmem>>, vector<1000x128xf32>
    tpu.vector_store %arg5[%swap3A, %swap3A_25], %add3A_24 {strides = array<i32>} : memref<1000x128xf32, #tpu.memory_space<vmem>>, vector<1000x128xf32>,
    return
  }
  func.func @transform_0(%arg0: i32) -> (i32, i32, i32) {
    %c0_i32 = arith.constant 0 : i32
    %c0_i32_0 = arith.constant 0 : i32
    %c0_i32_1 = arith.constant 0 : i32
    return %c0_i32, %arg0, %c0_i32_0 : i32, i32, i32
  }
  func.func @transform_1(%arg0: i32) -> (i32, i32) {
    %c0_i32 = arith.constant 0 : i32
    %c0_i32_0 = arith.constant 0 : i32
    return %arg0, %c0_i32 : i32, i32
  }
  func.func @transform_2(%arg0: i32) -> (i32, i32) {
    %c0_i32 = arith.constant 0 : i32
    %c0_i32_0 = arith.constant 0 : i32
    return %arg0, %c0_i32 : i32, i32
  }
  func.func @transform_3(%arg0: i32) -> (i32, i32) {
    %c0_i32 = arith.constant 0 : i32
    %c0_i32_0 = arith.constant 0 : i32
    %c0_i32_1 = arith.constant 0 : i32
    return %c0_i32, %c0_i32_0 : i32, i32
  }
  func.func @transform_4(%arg0: i32) -> (i32, i32) {
    %c0_i32 = arith.constant 0 : i32
    %c0_i32_0 = arith.constant 0 : i32
    return %arg0, %c0_i32 : i32, i32
  }
  func.func @transform_5(%arg0: i32) -> (i32, i32) {
    %c0_i32 = arith.constant 0 : i32
    %c0_i32_0 = arith.constant 0 : i32
    %c0_i32_1 = arith.constant 0 : i32
    return %c0_i32, %c0_i32_0 : i32, i32
  }
}

</mosaic_0001>

<sc_bundles>
// kernel: kernel.13.cloned.1.call-start
scs
__scs_entry_jumppad:
0x0: {  	(pc) =	sbr.rel $0x88, $3  }
0x1: {  	(tag) =	ssettag $0x0;
	lr =	simm.s32 $0x1  }
0x2: {  	[smem:$0x3F92] =	sst lr;
	_ =	strace $0xD0000000  }
0x3: {  	_ = 	snop  }
0x4: {  	_ = 	snop  }
0x5: {  	_ = 	snop  }
0x6: {  	_ = 	snop  }
0x7: {  	_ = 	snop  }
__scs_overlays_trampoline_lowered:
0x8: {  	[smem:$0x3FA1] =	sst s0  }
0x9: {  	[smem:$0x3FA2] =	sst s1  }
0xa: {  	[smem:$0x3FA3] =	sst s2  }
0xb: {  	[smem:$0x3FA4] =	sst s3  }
0xc: {  	[smem:$0x3FA5] =	sst s4  }
0xd: {  	[smem:$0x3FA6] =	sst s5  }
0xe: {  	[smem:$0x3FA7] =	sst s6  }
0xf: {  	[smem:$0x3FA8] =	sst s7  }
0x10: {  	[smem:$0x3FA9] =	sst s8  }
0x11: {  	[smem:$0x3FAA] =	sst s9;
	s0 =	simm.s32 @!p0 $0x0  }
0x12: {  	s1 =	sld [smem:$0x3F90];
	s0 =	simm.s32 @p0 $0x1  }
0x13: {  	[smem:$0x3FAB] =	sst s0;
	s0 =	simm.s32 @!p1 $0x0  }
0x14: {  	s2 =	sld [smem:$0x3F8F];
	s0 =	simm.s32 @p1 $0x1  }
0x15: {  	[smem:$0x3FAC] =	sst s0;
	s0 =	simm.s32 @!p2 $0x0  }
0x16: {  	s3 =	sld [smem:$0x3FDB];
	s0 =	simm.s32 @p2 $0x1  }
0x17: {  	s4 =	simm.s32 $0x1BF5;
	[smem:$0x3FAE] =	sst s0  }
0x18: {  	s0 =	sld [smem:$0x3F91];
	_ =	swait.ge [sflag:s4], $0x0  }
0x19: {  	s7 =	sld [smem:$0x3F92]  }
0x1a: {  	s8 =	sadd.s32 $0xFFFFE003, lr  }
0x1b: {  	s9 =	sadd.s32 $0xFFFFFEF7, lr;
	s5 =	simm.s32 $0xFFFFFFFF;
	p2 =	slt.u32 s8, $0xFFFFF086  }
0x1c: {  	p1 =	slt.u32 s9, $0xF7A;
	s5 =	simm.s32 @!p2 $0x0  }
0x1d: {  	s5 =	simm.s32 @p1 $0x1;
	p0 =	seq.s32 s7, s2  }
0x1e: {  	s7 =	smul.u32 @!p0 $0xF7A, s2;
	p2 =	seq.s32 @!p0 s5, $0x0  }
0x1f: {  	s9 =	smul.u32 $0xF7A, s1;
	s8 =	simm.s32 @!p0 $0x1BF5;
	p2 =	por !p2, p0  }
0x20: {  	[sflag:s8] =	ssyncset.s32 @!p0 $0xFFFFF086;
	s6 =	sadd.s32 @!p0 s3, s7;
	s7 =	simm.s32 @!p0 $0x108  }
0x21: {  	s3 =	sadd.s32 s3, s9;
	s6 =	sadd.s32 @!p0 $0x88, s6;
	s7 =	simm.s32 @p2 $0x1082  }
0x22: {  	[simem:s7], [sflag:s8] =	dma.local @!p0 [hbm:s6], $0xF7A  }
0x23: {  	s9 =	sor.u32 $0xD0000000, s2;
	s6 =	simm.s32 $0x108;
	_ =	swait.ge @!p0 [sflag:s8], $0x0  }
0x24: {  	s3 =	sadd.s32 $0x88, s3;
	s6 =	simm.s32 @!p1 $0x1082;
	[sflag:s4] =	ssyncset.s32 $0xFFFFF086  }
0x25: {  	[simem:s6], [sflag:s4] =	dma.local [hbm:s3], $0xF7A  }
0x26: {  	[smem:$0x3F92] =	sst s1;
	(tag) =	ssettag s2;
	_ =	strace s9  }
0x27: {  	s1 =	sld [smem:$0x3FA2]  }
0x28: {  	s2 =	sld [smem:$0x3FA3]  }
0x29: {  	s4 =	sld [smem:$0x3FA5]  }
0x2a: {  	p0 =	seq.s32 s5, $0x0;
	s5 =	sld [smem:$0x3FA6]  }
0x2b: {  	s6 =	sld [smem:$0x3FA7]  }
0x2c: {  	s7 =	sld [smem:$0x3FA8]  }
0x2d: {  	s3 =	simm.s32 $0x108;
	s8 =	sld [smem:$0x3FA9]  }
0x2e: {  	s3 =	simm.s32 @!p0 $0x1082;
	s9 =	sld [smem:$0x3FAA]  }
0x2f: {  	lr =	sadd.s32 s0, s3;
	s0 =	sld [smem:$0x3FA1]  }
0x30: {  	s3 =	sld [smem:$0x3FA4]  }
0x31: {  	[smem:$0x3FAD] =	sst s10  }
0x32: {  	s10 =	sld [smem:$0x3FAB];
	_ =	sdelay $0x3  }
0x33: {  	p0 =	seq.s32 s10, $0x1;
	s10 =	sld [smem:$0x3FAD];
	_ =	sdelay $0x3  }
0x34: {  	[smem:$0x3FAD] =	sst s10  }
0x35: {  	s10 =	sld [smem:$0x3FAC];
	_ =	sdelay $0x3  }
0x36: {  	p1 =	seq.s32 s10, $0x1;
	s10 =	sld [smem:$0x3FAD];
	_ =	sdelay $0x3  }
0x37: {  	[smem:$0x3FAD] =	sst s10  }
0x38: {  	s10 =	sld [smem:$0x3FAE]  }
0x39: {  	_ = 	snop;
	(pc) =	sbr.ind lr, $3  }
0x3a: {  	_ = 	snop  }
0x3b: {  	_ = 	snop  }
0x3c: {  	p2 =	seq.s32 s10, $0x1;
	s10 =	sld [smem:$0x3FAD]  }
0x3d: {  	_ =	shalt  }
0x3e: {  	_ =	shalt  }
0x3f: {  	_ =	shalt  }
0x40: {  	_ =	shalt  }
0x41: {  	_ =	shalt  }
0x42: {  	_ =	shalt  }
0x43: {  	_ =	shalt  }
0x44: {  	_ =	shalt  }
0x45: {  	_ =	shalt  }
0x46: {  	_ =	shalt  }
0x47: {  	_ =	shalt  }
0x48: {  	_ =	shalt  }
0x49: {  	_ =	shalt  }
0x4a: {  	_ =	shalt  }
0x4b: {  	_ =	shalt  }
0x4c: {  	_ =	shalt  }
0x4d: {  	_ =	shalt  }
0x4e: {  	_ =	shalt  }
0x4f: {  	_ =	shalt  }
0x50: {  	_ =	shalt  }
0x51: {  	_ =	shalt  }
0x52: {  	_ =	shalt  }
0x53: {  	_ =	shalt  }
0x54: {  	_ =	shalt  }
0x55: {  	_ =	shalt  }
0x56: {  	_ =	shalt  }
0x57: {  	_ =	shalt  }
0x58: {  	_ =	shalt  }
0x59: {  	_ =	shalt  }
0x5a: {  	_ =	shalt  }
0x5b: {  	_ =	shalt  }
0x5c: {  	_ =	shalt  }
0x5d: {  	_ =	shalt  }
0x5e: {  	_ =	shalt  }
0x5f: {  	_ =	shalt  }
0x60: {  	_ =	shalt  }
0x61: {  	_ =	shalt  }
0x62: {  	_ =	shalt  }
0x63: {  	_ =	shalt  }
0x64: {  	_ =	shalt  }
0x65: {  	_ =	shalt  }
0x66: {  	_ =	shalt  }
0x67: {  	_ =	shalt  }
0x68: {  	_ =	shalt  }
0x69: {  	_ =	shalt  }
0x6a: {  	_ =	shalt  }
0x6b: {  	_ =	shalt  }
0x6c: {  	_ =	shalt  }
0x6d: {  	_ =	shalt  }
0x6e: {  	_ =	shalt  }
0x6f: {  	_ =	shalt  }
0x70: {  	_ =	shalt  }
0x71: {  	_ =	shalt  }
0x72: {  	_ =	shalt  }
0x73: {  	_ =	shalt  }
0x74: {  	_ =	shalt  }
0x75: {  	_ =	shalt  }
0x76: {  	_ =	shalt  }
0x77: {  	_ =	shalt  }
0x78: {  	_ =	shalt  }
0x79: {  	_ =	shalt  }
0x7a: {  	_ =	shalt  }
0x7b: {  	_ =	shalt  }
0x7c: {  	_ =	shalt  }
0x7d: {  	_ =	shalt  }
0x7e: {  	_ =	shalt  }
0x7f: {  	_ =	shalt  }
0x80: {  	_ =	shalt  }
0x81: {  	_ =	shalt  }
0x82: {  	_ =	shalt  }
0x83: {  	_ =	shalt  }
0x84: {  	_ =	shalt  }
0x85: {  	_ =	shalt  }
0x86: {  	_ =	shalt  }
0x87: {  	_ =	shalt  }
.Lfunc_end0:
.L_simem_size_0:
called_computation_lowered:
.L_overlay_start_0:
0x88: {  	s2 =	sld [smem:$0x3FD9]  }
0x89: {  	s3 =	sld [smem:$0x3FFE];
	_ =	sdelay $0x1  }
0x8a: {  	s1 =	srdreg.scid  }
0x8b: {  	s0 =	sand.u32 $0x1, s1  }
0x8c: {  	s17 =	sshll.u32 s0, $0xA;
	s2 =	sadd.s32 s3, s2  }
0x8d: {  	s2 =	sadd.s32 s2, s17  }
0x8e: {  	[smem:$0x3FB9] =	sst s2  }
0x8f: {  	_ = 	snop  }
0x90: {  	s2 =	sld [smem:$0x3FC9]  }
0x91: {  	s18 =	sld [smem:$0x3FD0];
	(tm) =	ssettm $0x1  }
0x92: {  	s4 =	sld [smem:$0x3FFB];
	_ =	sdelay $0x3  }
0x93: {  	_ =	strace s4  }
0x94: {  	s4 =	sld [smem:$0x3FFC];
	_ =	sdelay $0x3  }
0x95: {  	_ =	strace s4  }
0x96: {  	s4 =	sld [smem:$0x3FFD];
	_ =	sdelay $0x3  }
0x97: {  	_ =	strace s4  }
0x98: {  	_ =	strace $0x8FFFFFFF  }
0x99: {  	s19 =	sld [smem:$0x3FDB];
	_ =	sdelay $0x1  }
0x9a: {  	s5 =	simm.s32 $_scs_section_size  }
0x9b: {  	s6 =	simm.s32 $_size__tile_overlayer_lowered;
	s7 =	simm.s32 $_tile_overlayer_lowered  }
0x9c: {  	s22 =	simm.s32 $0x1BFF;
	s21 =	sshll.u32 s7, $0x1;
	s4 =	sadd.s32 s5, s19  }
0x9d: {  	s8 =	simm.s32 $0x0;
	s20 =	sshll.u32 s6, $0x1;
	s6 =	sadd.s32 s21, s4  }
0x9e: {  	[timem:s8], [sflag:s22] =	dma.local [hbm:s6], s20  }
0x9f: {  	_ =	swait.ge [sflag:s22], s20  }
0xa0: {  	s5 =	ssub.s32 $0x0, s20;
	[sflag:s22] =	ssyncset.done $0x0  }
0xa1: {  	[sflag:s22] =	ssyncadd.s32 s5;
	_ =	sdelay $0x1  }
0xa2: {  	s23 =	simm.s32 $0x1B8B  }
0xa3: {  	_ =	swait.ge [sflag:s23], $0x1  }
0xa4: {  	[sflag:s23] =	ssyncset.done $0x0  }
0xa5: {  	s25 =	simm.s32 $0x1B8E;
	s24 =	sld [smem:$0x3FFE];
	[sflag:s23] =	ssyncadd.s32 $0xFFFFFFFF  }
0xa6: {  	s26 =	simm.s32 $execute0_lowered;
	[smem:$0x3FD2] =	sst s25  }
0xa7: {  	s6 =	sshll.u32 s26, $0x1;
	_ =	strace $0x80000046;
	[dreg:$0x1] =	wrdreg $0xFFFFFFFF  }
0xa8: {  	s28 =	simm.s32 $_size_execute0_lowered;
	s4 =	sadd.s32 s4, s6;
	[dreg:$0x0] =	wrdreg $0x0  }
0xa9: {  	s6 =	sshll.u32 s28, $0x1;
	[dreg:$0x2] =	wrdreg s4  }
0xaa: {  	[dreg:$0x3] =	wrdreg s6  }
0xab: {  	[dreg:$0x4] =	wrdreg $0xC0  }
0xac: {  	_ =	task [dreg:s8], $0x5FFFF  }
0xad: {  	[dreg:$0x1] =	wrdreg $0xFFFFFFFF  }
0xae: {  	[dreg:$0x0] =	wrdreg $0x60  }
0xaf: {  	[dreg:$0x2] =	wrdreg s2  }
0xb0: {  	[dreg:$0x3] =	wrdreg s24  }
0xb1: {  	[dreg:$0x4] =	wrdreg s18  }
0xb2: {  	[dreg:$0x5] =	wrdreg $0x85000  }
0xb3: {  	[dreg:$0x6] =	wrdreg $0x1C5000  }
0xb4: {  	[dreg:$0x7] =	wrdreg $0x9  }
0xb5: {  	_ =	task.clear_ibuf [dreg:s8], $0x8FFFF;
	_ =	strace $0x90000046  }
0xb6: {  	s29 =	simm.s32 $0x9;
	_ =	strace $0x80000048  }
0xb7: {  	_ =	swait.ge [sflag:s29], $0x1  }
0xb8: {  	[sflag:s29] =	ssyncadd.s32 $0xFFFFFFFF  }
0xb9: {  	_ =	strace $0x90000048  }
0xba: {  	_ =	sfence  }
0xbb: {  	s30 =	sld [smem:$0x0];
	_ =	sdelay $0x2  }
0xbc: {  	s31 =	sshll.u32 s1, $0xD;
	s1 =	sshrl.u32 s1, $0x2  }
0xbd: {  	s3 =	sand.u32 $0x4000, s31;
	s1 =	sadd.s32 s1, s30  }
0xbe: {  	s0 =	sor.u32 s3, s0;
	s1 =	sshll.u32 s1, $0x11  }
0xbf: {  	s0 =	sor.u32 s1, s0  }
0xc0: {  	s0 =	sadd.s32 $0x8F2B, s0  }
0xc1: {  	[sflag:s0] =	ssyncadd.remote.s32 $0x1  }
0xc2: {  	_ =	sfence.sel $0xFFFF  }
0xc3: {  	[dreg:$0x0] =	wrdreg $0xFFFFFFFF;
	(pc) =	sbr.abs _section_cstart, $3  }
0xc4: {  	[dreg:$0x1] =	wrdreg $0xFFFFFFFF  }
0xc5: {  	_ =	task.clear_ibuf [dreg:s8], $0x2FFFF;
	_ =	strace $0x9FFFFFFF  }
0xc6: {  	(tm) =	ssettm $0x7FFFFFFF  }
0xc7: {  	_ =	shalt  }
tec
execute0_lowered:
.L_overlay_start_1:
0x0: {  	(tag) =	ssettag $0x1  }
0x1: {  	s1 =	rddreg [dreg:$0x0]  }
0x2: {  	s0 =	rddreg [dreg:$0x1]  }
0x3: {  	s5 =	rddreg [dreg:$0x2]  }
0x4: {  	s2 =	rddreg [dreg:$0x3]  }
0x5: {  	s3 =	rddreg [dreg:$0x4]  }
0x6: {  	s4 =	simm.s32 $0x0;
	s7 =	srdreg.scid;
	s22 =	stileid.u32  }
0x7: {  	s28 =	simm.s32 $0x7;
	s29 =	simm.s32 $0x200;
	s30 =	simm.s32 $0x100  }
0x8: {  	[smem:$0x7FF] =	sst s4;
	s6 =	sadd.s32 $0xDE00, s0;
	s9 =	smul.u32 $0x280, s22  }
0x9: {  	s14 =	sand.u32 $0x1, s7;
	s7 =	sadd.s32 $0x3E00, s0;
	s12 =	smul.u32 $0x50000, s22  }
0xa: {  	s0 =	sadd.s32 $0x17E00, s0;
	s19 =	smul.u32 $0x500, s22;
	_ =	strace $0x80000047  }
0xb: {  	s8 =	ssub.s32 $0x2, s14;
	s11 =	sshll.u32 s14, $0x4;
	s21 =	sshll.u32 s14, $0x7  }
0xc: {  	s10 =	sshrl.u32 s8, $0x1;
	s13 =	sor.u32 s22, s11;
	s12 =	sshrl.u32 s12, $0x2  }
0xd: {  	s16 =	sshll.u32 s9, $0x7;
	s19 =	sor.u32 s21, s19;
	s22 =	smul.u32 $0x14000, s22  }
0xe: {  	s15 =	ssub.s32 s8, s10;
	s8 =	sadd.s32 s9, s3;
	s9 =	sadd.s32 s12, s2  }
0xf: {  	s17 =	sadd.s32 $0x4000, s16;
	s18 =	sadd.s32 $0x8000, s16;
	s12 =	smul.u32 $0x2800, s13  }
0x10: {  	s20 =	sadd.s32 $0xC000, s16;
	s13 =	smul.u32 $0x140000, s14;
	s16 =	sadd.s32 $0x10000, s16  }
0x11: {  	s19 =	sshrl.u32 s19, $0x3;
	s25 =	sadd.s32 s17, s2;
	s14 =	sadd.s32 s16, s2  }
0x12: {  	s26 =	sadd.s32 s18, s2;
	s5 =	sadd.s32 s5, s19;
	[dreg:$0x7] =	wrdreg s14  }
0x13: {  	s31 =	sadd.s32 s20, s2;
	s23 =	sshrl.u32 s12, $0x3;
	[dreg:$0x8] =	wrdreg s5  }
0x14: {  	s24 =	sadd.s32 s22, s13;
	s17 =	sadd.s32 s13, s17;
	s18 =	sadd.s32 s13, s18  }
0x15: {  	s11 =	sadd.s32 s13, s20;
	s16 =	sadd.s32 s13, s16;
	[dreg:$0x6] =	wrdreg s31  }
0x16: {  	s20 =	simm.s32 $0x180;
	[dreg:$0x13] =	wrdreg s26;
	s19 =	sadd.s32 s7, s23  }
0x17: {  	s13 =	sadd.s32 s6, s23;
	s5 =	sshrl.u32 s24, $0x3;
	s17 =	sshrl.u32 s17, $0x3  }
0x18: {  	s14 =	sor.u32 $0x10, s23;
	s18 =	sshrl.u32 s18, $0x3;
	[dreg:$0x9] =	wrdreg s19  }
0x19: {  	s16 =	sshrl.u32 s16, $0x3;
	s24 =	smax.u32 s15, $0x1;
	[dreg:$0xa] =	wrdreg s13  }
0x1a: {  	s15 =	simm.s32 $0x4200;
	s5 =	sadd.s32 s0, s5;
	[dreg:$0x12] =	wrdreg s24  }
0x1b: {  	s17 =	sadd.s32 s0, s17;
	s19 =	sshrl.u32 s11, $0x3;
	[dreg:$0xb] =	wrdreg s5  }
0x1c: {  	s22 =	sadd.s32 s7, s14;
	s23 =	sadd.s32 s6, s14;
	[dreg:$0xc] =	wrdreg s17  }
0x1d: {  	s14 =	simm.s32 $0x8280;
	s5 =	sadd.s32 s0, s18;
	[dreg:$0x10] =	wrdreg s22  }
.Ltmp0:
0x1e: {  	s21 =	sadd.s32 s0, s19;
	[dreg:$0x11] =	wrdreg s23;
	(pc) =	sbr.rel .LBB2_1-.Ltmp0, $4  }
0x1f: {  	s0 =	sadd.s32 s0, s16;
	s16 =	simm.s32 $0x3;
	[dreg:$0xd] =	wrdreg s5  }
0x20: {  	s17 =	simm.s32 $0x8200;
	s18 =	simm.s32 $0x5;
	[dreg:$0xe] =	wrdreg s21  }
0x21: {  	s19 =	simm.s32 $0x4;
	s22 =	simm.s32 $0x0;
	[dreg:$0xf] =	wrdreg s0  }
0x22: {  	v0 =	vimm.f32 $0.0e+00;
	v1 =	vimm.f32 $1.000000000e+00;
	s0 =	simm.s32 $0x80;
	s5 =	simm.s32 $0x2;
	s21 =	simm.s32 $0x6  }
.LBB2_6:
0x23: {  	[spmem:s2] =	stream.indirect.scatter.add.f32 [tilespmem:s15], [sflag:$0x7], $0x80, s20, s0, $0xb8;
	[tilespmem:$0x1C780] =	vst v63  }
0x24: {  	_ =	swait.ge [sflag:s28], $0x4000  }
0x25: {  	[sflag:s28] =	ssyncset.done $0x0  }
0x26: {  	[sflag:s28] =	ssyncadd.s32 $0xFFFFC000  }
0x27: {  	s8 =	smov.u32 s10;
	s26 =	simm.s32 $0x8280;
	[bflag:$0x0] =	sbarrier.arrive $0xFFFF  }
0x28: {  	[tilespmem:s26], [sflag:$0x7] =	stream.linear.gather [spmem:s8], $0x280, $0x38;
	[tilespmem:$0x1C780] =	vst v63  }
0x29: {  	_ =	swait.ge [sflag:s28], $0x280  }
0x2a: {  	[sflag:s28] =	ssyncset.done $0x0  }
0x2b: {  	s9 =	rddreg [dreg:$0x8];
	[sflag:s28] =	ssyncadd.s32 $0xFFFFFD80  }
0x2c: {  	[hbm4b:s9+s0] =	stream.strided.scatter [tilespmem:s26], [sflag:$0x7], $0x280, s30, s0, $0x38;
	[tilespmem:$0x1C780] =	vst v63  }
0x2d: {  	_ =	swait.ge [sflag:s28], $0x280  }
0x2e: {  	[sflag:s28] =	ssyncset.done $0x0  }
0x2f: {  	[sflag:s28] =	ssyncadd.s32 $0xFFFFFD80  }
0x30: {  	[tilespmem:s29], [sflag:$0x7] =	stream.linear.gather [spmem:s11], $0x4000, $0x38;
	[tilespmem:$0x1C780] =	vst v63  }
0x31: {  	_ =	swait.ge [sflag:s28], $0x4000  }
0x32: {  	[sflag:s28] =	ssyncset.done $0x0  }
0x33: {  	s9 =	smov.u32 s11;
	s11 =	rddreg [dreg:$0xb];
	[sflag:s28] =	ssyncadd.s32 $0xFFFFC000  }
0x34: {  	[hbm4b:s11+s4] =	stream.linear.scatter [tilespmem:s29], [sflag:$0x7], $0x4000, $0x38;
	[tilespmem:$0x1C780] =	vst v63  }
0x35: {  	_ =	swait.ge [sflag:s28], $0x4000  }
0x36: {  	[sflag:s28] =	ssyncset.done $0x0  }
0x37: {  	[sflag:s28] =	ssyncadd.s32 $0xFFFFC000  }
0x38: {  	[tilespmem:s15], [sflag:$0x7] =	stream.linear.gather [spmem:s13], $0x4000, $0x38;
	[tilespmem:$0x1C780] =	vst v63  }
0x39: {  	_ =	swait.ge [sflag:s28], $0x4000  }
0x3a: {  	[sflag:s28] =	ssyncset.done $0x0  }
0x3b: {  	s23 =	rddreg [dreg:$0xc];
	[sflag:s28] =	ssyncadd.s32 $0xFFFFC000  }
0x3c: {  	[hbm4b:s23+s4] =	stream.linear.scatter [tilespmem:s15], [sflag:$0x7], $0x4000, $0x38;
	[tilespmem:$0x1C780] =	vst v63  }
0x3d: {  	_ =	swait.ge [sflag:s28], $0x4000  }
0x3e: {  	[sflag:s28] =	ssyncset.done $0x0  }
0x3f: {  	s26 =	rddreg [dreg:$0x13];
	[sflag:s28] =	ssyncadd.s32 $0xFFFFC000  }
0x40: {  	[tilespmem:s29], [sflag:$0x7] =	stream.linear.gather [spmem:s26], $0x4000, $0x38;
	[tilespmem:$0x1C780] =	vst v63  }
0x41: {  	_ =	swait.ge [sflag:s28], $0x4000  }
0x42: {  	[sflag:s28] =	ssyncset.done $0x0  }
0x43: {  	s24 =	rddreg [dreg:$0xd];
	[sflag:s28] =	ssyncadd.s32 $0xFFFFC000  }
0x44: {  	[hbm4b:s24+s4] =	stream.linear.scatter [tilespmem:s29], [sflag:$0x7], $0x4000, $0x38;
	[tilespmem:$0x1C780] =	vst v63  }
0x45: {  	_ =	swait.ge [sflag:s28], $0x4000  }
0x46: {  	[sflag:s28] =	ssyncset.done $0x0  }
0x47: {  	s31 =	rddreg [dreg:$0x6];
	[sflag:s28] =	ssyncadd.s32 $0xFFFFC000  }
0x48: {  	[tilespmem:s15], [sflag:$0x7] =	stream.linear.gather [spmem:s31], $0x4000, $0x38;
	[tilespmem:$0x1C780] =	vst v63  }
0x49: {  	_ =	swait.ge [sflag:s28], $0x4000  }
0x4a: {  	[sflag:s28] =	ssyncset.done $0x0  }
0x4b: {  	s11 =	rddreg [dreg:$0xe];
	[sflag:s28] =	ssyncadd.s32 $0xFFFFC000  }
0x4c: {  	[hbm4b:s11+s4] =	stream.linear.scatter [tilespmem:s15], [sflag:$0x7], $0x4000, $0x38;
	[tilespmem:$0x1C780] =	vst v63  }
0x4d: {  	_ =	swait.ge [sflag:s28], $0x4000  }
0x4e: {  	[sflag:s28] =	ssyncset.done $0x0  }
0x4f: {  	s25 =	smov.u32 s13;
	s13 =	rddreg [dreg:$0x7];
	[sflag:s28] =	ssyncadd.s32 $0xFFFFC000  }
0x50: {  	[tilespmem:s29], [sflag:$0x7] =	stream.linear.gather [spmem:s13], $0x4000, $0x38;
	[tilespmem:$0x1C780] =	vst v63  }
0x51: {  	_ =	swait.ge [sflag:s28], $0x4000  }
0x52: {  	[sflag:s28] =	ssyncset.done $0x0  }
0x53: {  	s23 =	rddreg [dreg:$0xf];
	[sflag:s28] =	ssyncadd.s32 $0xFFFFC000  }
0x54: {  	[hbm4b:s23+s4] =	stream.linear.scatter [tilespmem:s29], [sflag:$0x7], $0x4000, $0x38;
	[tilespmem:$0x1C780] =	vst v63  }
0x55: {  	_ =	swait.ge [sflag:s28], $0x4000  }
0x56: {  	s22 =	sadd.s32 $0x1, s22;
	s24 =	rddreg [dreg:$0x12]  }
0x57: {  	p0 =	sne.s32 s22, s24  }
.Ltmp1:
0x58: {  	_ = 	snop;
	(pc) =	sbr.rel @!p0 .LBB2_7-.Ltmp1, $3  }
0x59: {  	_ =	sdelay $0x1  }
0x5a: {  	[sflag:s28] =	ssyncset.done $0x0  }
0x5b: {  	s14 =	simm.s32 $0x8280;
	[sflag:s28] =	ssyncadd.s32 $0xFFFFC000  }
.LBB2_1:
0x5c: {  	s23 =	simm.s32 $0x0;
	s24 =	simm.s32 $0x200  }
.LBB2_2:
0x5d: {  	p0 =	sne.s32 s24, $0xFE00;
	[tilespmem:s23+$0x270] =	vst v0  }
0x5e: {  	[tilespmem:s23+$0x200] =	vst v0  }
0x5f: {  	[tilespmem:s23+$0x210] =	vst v0  }
.Ltmp2:
0x60: {  	[tilespmem:s23+$0x220] =	vst v0;
	(pc) =	sbr.rel @p0 .LBB2_2-.Ltmp2, $4  }
0x61: {  	[tilespmem:s23+$0x230] =	vst v0  }
0x62: {  	[tilespmem:s23+$0x240] =	vst v0  }
0x63: {  	[tilespmem:s23+$0x250] =	vst v0  }
0x64: {  	[tilespmem:s23+$0x260] =	vst v0;
	s23 =	sshra.s32 s24, $0x2;
	s24 =	sadd.s32 $0x200, s24  }
0x65: {  	[tilespmem:s23+$0x270] =	vst v0  }
0x66: {  	[tilespmem:s23+$0x200] =	vst v0  }
0x67: {  	[tilespmem:s23+$0x210] =	vst v0  }
0x68: {  	[tilespmem:s23+$0x220] =	vst v0  }
0x69: {  	[tilespmem:s23+$0x230] =	vst v0  }
0x6a: {  	[tilespmem:s23+$0x240] =	vst v0  }
0x6b: {  	[tilespmem:s23+$0x250] =	vst v0  }
0x6c: {  	[tilespmem:s23+$0x260] =	vst v0  }
0x6d: {  	[tilespmem:$0x8200] =	vst v1  }
0x6e: {  	[tilespmem:$0x8280] =	vst v0  }
0x6f: {  	[tilespmem:$0x8300] =	vst v0  }
0x70: {  	[tilespmem:$0x8380] =	vst v0  }
0x71: {  	[tilespmem:$0x8400] =	vst v0  }
0x72: {  	[tilespmem:$0x8480] =	vst v0  }
0x73: {  	[tilespmem:$0x8210] =	vst v1  }
0x74: {  	[tilespmem:$0x8290] =	vst v0  }
0x75: {  	[tilespmem:$0x8310] =	vst v0  }
0x76: {  	[tilespmem:$0x8390] =	vst v0  }
0x77: {  	[tilespmem:$0x8410] =	vst v0  }
0x78: {  	[tilespmem:$0x8490] =	vst v0  }
0x79: {  	[tilespmem:$0x8220] =	vst v1  }
0x7a: {  	[tilespmem:$0x82A0] =	vst v0  }
0x7b: {  	[tilespmem:$0x8320] =	vst v0  }
0x7c: {  	[tilespmem:$0x83A0] =	vst v0  }
0x7d: {  	[tilespmem:$0x8420] =	vst v0  }
0x7e: {  	[tilespmem:$0x84A0] =	vst v0  }
0x7f: {  	[tilespmem:$0x8230] =	vst v1  }
0x80: {  	[tilespmem:$0x82B0] =	vst v0  }
0x81: {  	[tilespmem:$0x8330] =	vst v0  }
0x82: {  	[tilespmem:$0x83B0] =	vst v0  }
0x83: {  	[tilespmem:$0x8430] =	vst v0  }
0x84: {  	[tilespmem:$0x84B0] =	vst v0  }
0x85: {  	[tilespmem:$0x8240] =	vst v1  }
0x86: {  	[tilespmem:$0x82C0] =	vst v0  }
0x87: {  	[tilespmem:$0x8340] =	vst v0  }
0x88: {  	[tilespmem:$0x83C0] =	vst v0  }
0x89: {  	[tilespmem:$0x8440] =	vst v0  }
0x8a: {  	[tilespmem:$0x84C0] =	vst v0  }
0x8b: {  	[tilespmem:$0x8250] =	vst v1  }
0x8c: {  	[tilespmem:$0x82D0] =	vst v0  }
0x8d: {  	[tilespmem:$0x8350] =	vst v0  }
0x8e: {  	[tilespmem:$0x83D0] =	vst v0  }
0x8f: {  	[tilespmem:$0x8450] =	vst v0  }
0x90: {  	[tilespmem:$0x84D0] =	vst v0  }
0x91: {  	[tilespmem:$0x8260] =	vst v1  }
0x92: {  	[tilespmem:$0x82E0] =	vst v0  }
0x93: {  	[tilespmem:$0x8360] =	vst v0  }
0x94: {  	[tilespmem:$0x83E0] =	vst v0  }
0x95: {  	[tilespmem:$0x8460] =	vst v0  }
0x96: {  	[tilespmem:$0x84E0] =	vst v0  }
0x97: {  	[tilespmem:$0x8270] =	vst v1  }
0x98: {  	[tilespmem:$0x82F0] =	vst v0  }
0x99: {  	[tilespmem:$0x8370] =	vst v0  }
0x9a: {  	[tilespmem:$0x83F0] =	vst v0  }
0x9b: {  	[tilespmem:$0x8470] =	vst v0  }
0x9c: {  	[tilespmem:$0x84F0] =	vst v0  }
0x9d: {  	[spmem:s8] =	stream.linear.scatter [tilespmem:s14], [sflag:$0x7], $0x280, $0x38;
	[tilespmem:$0x1C780] =	vst v63  }
0x9e: {  	_ =	swait.ge [sflag:s28], $0x280  }
0x9f: {  	[sflag:s28] =	ssyncset.done $0x0  }
0xa0: {  	[sflag:s28] =	ssyncadd.s32 $0xFFFFFD80  }
0xa1: {  	[spmem:s9] =	stream.linear.scatter [tilespmem:s29], [sflag:$0x7], $0x4000, $0x38;
	[tilespmem:$0x1C780] =	vst v63  }
0xa2: {  	_ =	swait.ge [sflag:s28], $0x4000  }
0xa3: {  	[sflag:s28] =	ssyncset.done $0x0  }
0xa4: {  	[sflag:s28] =	ssyncadd.s32 $0xFFFFC000  }
0xa5: {  	[spmem:s25] =	stream.linear.scatter [tilespmem:s29], [sflag:$0x7], $0x4000, $0x38;
	[tilespmem:$0x1C780] =	vst v63  }
0xa6: {  	_ =	swait.ge [sflag:s28], $0x4000  }
0xa7: {  	[sflag:s28] =	ssyncset.done $0x0  }
0xa8: {  	[sflag:s28] =	ssyncadd.s32 $0xFFFFC000  }
0xa9: {  	[spmem:s26] =	stream.linear.scatter [tilespmem:s29], [sflag:$0x7], $0x4000, $0x38;
	[tilespmem:$0x1C780] =	vst v63  }
0xaa: {  	_ =	swait.ge [sflag:s28], $0x4000  }
0xab: {  	[sflag:s28] =	ssyncset.done $0x0  }
0xac: {  	[sflag:s28] =	ssyncadd.s32 $0xFFFFC000  }
0xad: {  	[spmem:s31] =	stream.linear.scatter [tilespmem:s29], [sflag:$0x7], $0x4000, $0x38;
	[tilespmem:$0x1C780] =	vst v63  }
0xae: {  	_ =	swait.ge [sflag:s28], $0x4000  }
0xaf: {  	[sflag:s28] =	ssyncset.done $0x0  }
0xb0: {  	s14 =	rddreg [dreg:$0x7];
	[sflag:s28] =	ssyncadd.s32 $0xFFFFC000  }
0xb1: {  	[spmem:s14] =	stream.linear.scatter [tilespmem:s29], [sflag:$0x7], $0x4000, $0x38;
	[tilespmem:$0x1C780] =	vst v63  }
0xb2: {  	_ =	swait.ge [sflag:s28], $0x4000  }
0xb3: {  	[sflag:s28] =	ssyncset.done $0x0  }
0xb4: {  	[sflag:s28] =	ssyncadd.s32 $0xFFFFC000  }
0xb5: {  	[bflag:$0x0] =	sbarrier.arrive $0xFFFF  }
0xb6: {  	s23 =	rddreg [dreg:$0x9]  }
0xb7: {  	[tilespmem:s30], [sflag:$0x3] =	stream.linear.gather [hbm4b:s23+s4], $0x80, $0x38;
	[tilespmem:$0x1C780] =	vst v63  }
0xb8: {  	s13 =	smov.u32 s25;
	s25 =	simm.s32 $0x1;
	s24 =	rddreg [dreg:$0xa]  }
0xb9: {  	[tilespmem:s4], [sflag:$0x1] =	stream.linear.gather [hbm4b:s24+s4], $0x80, $0x38;
	[tilespmem:$0x1C780] =	vst v63  }
0xba: {  	_ =	swait.ge [sflag:s25], $0x80  }
0xbb: {  	[sflag:s25] =	ssyncset.done $0x0  }
0xbc: {  	[sflag:s25] =	ssyncadd.s32 $0xFFFFFF80  }
0xbd: {  	[tilespmem:s29], [sflag:$0x5] =	stream.indirect.gather [hbm4b:s1+s0], $0x80, s4, s0, $0xb8;
	[tilespmem:$0x1C780] =	vst v63  }
0xbe: {  	s23 =	simm.s32 $0x180;
	s26 =	rddreg [dreg:$0x10]  }
0xbf: {  	[tilespmem:s23], [sflag:$0x4] =	stream.linear.gather [hbm4b:s26+s4], $0x80, $0x38;
	[tilespmem:$0x1C780] =	vst v63  }
0xc0: {  	s31 =	rddreg [dreg:$0x11]  }
0xc1: {  	[tilespmem:s0], [sflag:$0x2] =	stream.linear.gather [hbm4b:s31+s4], $0x80, $0x38;
	[tilespmem:$0x1C780] =	vst v63  }
0xc2: {  	_ =	swait.ge [sflag:s5], $0x80  }
0xc3: {  	[sflag:s5] =	ssyncset.done $0x0  }
0xc4: {  	s10 =	smov.u32 s8;
	s11 =	smov.u32 s9;
	[sflag:s5] =	ssyncadd.s32 $0xFFFFFF80  }
0xc5: {  	[tilespmem:s15], [sflag:$0x6] =	stream.indirect.gather [hbm4b:s1+s0], $0x80, s0, s0, $0xb8;
	[tilespmem:$0x1C780] =	vst v63  }
.LBB2_4:
0xc6: {  	_ =	swait.ge [sflag:s16], $0x80  }
0xc7: {  	[sflag:s16] =	ssyncset.done $0x0  }
0xc8: {  	[sflag:s16] =	ssyncadd.s32 $0xFFFFFF80  }
0xc9: {  	[spmem:s3] =	stream.indirect.scatter.add.f32 [tilespmem:s17], [sflag:$0x7], $0x1, s30, s0, $0xb8;
	[tilespmem:$0x1C780] =	vst v63  }
0xca: {  	_ =	swait.ge [sflag:s28], $0x80  }
0xcb: {  	[sflag:s28] =	ssyncset.done $0x0  }
0xcc: {  	[sflag:s28] =	ssyncadd.s32 $0xFFFFFF80  }
0xcd: {  	p0 =	seq.s32 s23, $0x2880;
	_ =	swait.ge [sflag:s18], $0x4000  }
0xce: {  	s24 =	simm.s32 @p0 $0x80;
	[sflag:s18] =	ssyncset.done $0x0  }
0xcf: {  	s25 =	simm.s32 @p0 $0x100;
	s26 =	simm.s32 @p0 $0x200;
	[sflag:s18] =	ssyncadd.s32 $0xFFFFC000  }
0xd0: {  	[spmem:s2] =	stream.indirect.scatter.add.f32 @p0 [tilespmem:s26], [sflag:$0x7], $0x80, s25, s24, $0xb8;
	[tilespmem:$0x1C780] =	vst v63  }
0xd1: {  	s24 =	sadd.s32 @!p0 $0xFFFFFF80, s23  }
0xd2: {  	s25 =	sand.u32 @!p0 $0x7C00, s24  }
0xd3: {  	s26 =	simm.s32 @p0 $0x7;
	s24 =	sand.u32 @!p0 $0x300, s24;
	s25 =	sadd.s32 @!p0 s12, s25  }
0xd4: {  	_ =	swait.ge @p0 [sflag:s26], $0x4000;
	s24 =	sor.u32 @!p0 s24, s25  }
0xd5: {  	s31 =	simm.s32 @!p0 $0x100;
	[sflag:s26] =	ssyncset.done @p0 $0x0;
	s24 =	sshrl.u32 @!p0 s24, $0x3  }
0xd6: {  	[sflag:s26] =	ssyncadd.s32 @p0 $0xFFFFC000;
	s26 =	simm.s32 @!p0 $0x0;
	s25 =	sadd.s32 @!p0 s6, s24  }
0xd7: {  	[tilespmem:s26], [sflag:$0x1] =	stream.linear.gather @!p0 [hbm4b:s25+s26], $0x80, $0x38;
	[tilespmem:$0x1C780] =	vst v63  }
0xd8: {  	s8 =	simm.s32 @!p0 $0x200;
	s9 =	simm.s32 @!p0 $0x7;
	s25 =	simm.s32 @!p0 $0x80  }
0xd9: {  	[spmem:s2] =	stream.indirect.scatter.add.f32 @!p0 [tilespmem:s8], [sflag:$0x7], $0x80, s31, s25, $0xb8;
	[tilespmem:$0x1C780] =	vst v63  }
0xda: {  	_ =	swait.ge @!p0 [sflag:s9], $0x4000  }
0xdb: {  	[sflag:s9] =	ssyncset.done @!p0 $0x0  }
0xdc: {  	[sflag:s9] =	ssyncadd.s32 @!p0 $0xFFFFC000;
	s9 =	simm.s32 @!p0 $0x1  }
0xdd: {  	_ =	swait.ge @!p0 [sflag:s9], $0x80  }
0xde: {  	[sflag:s9] =	ssyncset.done @!p0 $0x0  }
0xdf: {  	[sflag:s9] =	ssyncadd.s32 @!p0 $0xFFFFFF80  }
0xe0: {  	[tilespmem:s8], [sflag:$0x5] =	stream.indirect.gather @!p0 [hbm4b:s1+s25], $0x80, s26, s25, $0xb8;
	[tilespmem:$0x1C780] =	vst v63  }
0xe1: {  	s8 =	sadd.s32 @!p0 s7, s24  }
0xe2: {  	[tilespmem:s31], [sflag:$0x3] =	stream.linear.gather @!p0 [hbm4b:s8+s26], $0x80, $0x38;
	[tilespmem:$0x1C780] =	vst v63  }
0xe3: {  	_ =	swait.ge [sflag:s19], $0x80  }
0xe4: {  	[sflag:s19] =	ssyncset.done $0x0  }
0xe5: {  	[sflag:s19] =	ssyncadd.s32 $0xFFFFFF80  }
0xe6: {  	[spmem:s3] =	stream.indirect.scatter.add.f32 [tilespmem:s17], [sflag:$0x7], $0x1, s20, s0, $0xb8;
	[tilespmem:$0x1C780] =	vst v63  }
0xe7: {  	_ =	swait.ge [sflag:s28], $0x80  }
.Ltmp3:
0xe8: {  	[sflag:s28] =	ssyncset.done $0x0;
	(pc) =	sbr.rel @p0 .LBB2_6-.Ltmp3, $4  }
0xe9: {  	[sflag:s28] =	ssyncadd.s32 $0xFFFFFF80  }
0xea: {  	_ =	swait.ge [sflag:s21], $0x4000  }
0xeb: {  	[sflag:s21] =	ssyncset.done $0x0  }
0xec: {  	[sflag:s21] =	ssyncadd.s32 $0xFFFFC000  }
0xed: {  	s8 =	sand.u32 $0x7C00, s23  }
0xee: {  	s9 =	sand.u32 $0x380, s23;
	s8 =	sadd.s32 s12, s8  }
0xef: {  	s8 =	sor.u32 s9, s8  }
0xf0: {  	s8 =	sshrl.u32 s8, $0x3  }
0xf1: {  	s31 =	sadd.s32 s6, s8  }
0xf2: {  	[tilespmem:s0], [sflag:$0x2] =	stream.linear.gather [hbm4b:s31+s4], $0x80, $0x38;
	[tilespmem:$0x1C780] =	vst v63  }
0xf3: {  	_ = 	snop  }
0xf4: {  	[spmem:s2] =	stream.indirect.scatter.add.f32 [tilespmem:s15], [sflag:$0x7], $0x80, s20, s0, $0xb8;
	[tilespmem:$0x1C780] =	vst v63  }
0xf5: {  	_ =	swait.ge [sflag:s28], $0x4000  }
0xf6: {  	[sflag:s28] =	ssyncset.done $0x0  }
0xf7: {  	[sflag:s28] =	ssyncadd.s32 $0xFFFFC000  }
0xf8: {  	_ =	swait.ge [sflag:s5], $0x80  }
.Ltmp4:
0xf9: {  	[sflag:s5] =	ssyncset.done $0x0;
	(pc) =	sbr.rel .LBB2_4-.Ltmp4, $4  }
0xfa: {  	[sflag:s5] =	ssyncadd.s32 $0xFFFFFF80  }
0xfb: {  	[tilespmem:s15], [sflag:$0x6] =	stream.indirect.gather [hbm4b:s1+s0], $0x80, s0, s0, $0xb8;
	[tilespmem:$0x1C780] =	vst v63  }
0xfc: {  	s23 =	sadd.s32 $0x100, s23;
	s8 =	sadd.s32 s7, s8  }
0xfd: {  	[tilespmem:s20], [sflag:$0x4] =	stream.linear.gather [hbm4b:s8+s4], $0x80, $0x38;
	[tilespmem:$0x1C780] =	vst v63  }
.LBB2_7:
0xfe: {  	_ =	sfence.sel $0x180000  }
0xff: {  	[bflag:$0x0] =	sbarrier.arrive $0xFFFF  }
0x100: {  	_ =	strace $0x90000047  }
0x101: {  	s0 =	stileid.u32;
	[bflag:$0x2] =	sbarrier.arrive $0xFFFF  }
0x102: {  	p0 =	sne.s32 s0, $0x0;
	s0 =	rddreg [dreg:$0x5]  }
0x103: {  	s0 =	sadd.s32 @!p0 $0x100000, s0  }
0x104: {  	[sflag:s0] =	ssyncadd.tile.s32 @!p0 $0x1;
	_ =	shalt  }
.Lfunc_end2:
_tile_overlayer_lowered:
.L_overlay_start_2:
0x105: {  	(tag) =	ssettag $0x2  }
0x106: {  	s0 =	rddreg [dreg:$0x0];
	s2 =	stileid.u32  }
0x107: {  	s1 =	rddreg [dreg:$0x1];
	p0 =	sne.s32 s2, $0x0  }
0x108: {  	s3 =	rddreg [dreg:$0x2];
	[bflag:$0x3] =	sbarrier.arrive $0xFFFF;
	s2 =	simm.s32 @!p0 $0x1C07  }
0x109: {  	[timem:s3], [sflag:s2] =	dma.local @!p0 [hbm:s0], s1  }
0x10a: {  	s0 =	simm.s32 @!p0 $0x7  }
0x10b: {  	_ =	swait.ge @!p0 [sflag:s0], s1  }
0x10c: {  	s1 =	ssub.s32 @!p0 $0x0, s1;
	[sflag:s0] =	ssyncset.done @!p0 $0x0  }
0x10d: {  	[sflag:s0] =	ssyncadd.s32 @!p0 s1  }
0x10e: {  	[bflag:$0x3] =	sbarrier.arrive $0xFFFF  }
0x10f: {  	_ =	shalt  }

// kernel: kernel.16.cloned.1.call-start
scs
__scs_entry_jumppad:
0x0: {  	(pc) =	sbr.rel $0x88, $3  }
0x1: {  	(tag) =	ssettag $0x0;
	lr =	simm.s32 $0x1  }
0x2: {  	[smem:$0x3F92] =	sst lr;
	_ =	strace $0xD0000000  }
0x3: {  	_ = 	snop  }
0x4: {  	_ = 	snop  }
0x5: {  	_ = 	snop  }
0x6: {  	_ = 	snop  }
0x7: {  	_ = 	snop  }
__scs_overlays_trampoline_lowered:
0x8: {  	[smem:$0x3FA1] =	sst s0  }
0x9: {  	[smem:$0x3FA2] =	sst s1  }
0xa: {  	[smem:$0x3FA3] =	sst s2  }
0xb: {  	[smem:$0x3FA4] =	sst s3  }
0xc: {  	[smem:$0x3FA5] =	sst s4  }
0xd: {  	[smem:$0x3FA6] =	sst s5  }
0xe: {  	[smem:$0x3FA7] =	sst s6  }
0xf: {  	[smem:$0x3FA8] =	sst s7  }
0x10: {  	[smem:$0x3FA9] =	sst s8  }
0x11: {  	[smem:$0x3FAA] =	sst s9;
	s0 =	simm.s32 @!p0 $0x0  }
0x12: {  	s1 =	sld [smem:$0x3F90];
	s0 =	simm.s32 @p0 $0x1  }
0x13: {  	[smem:$0x3FAB] =	sst s0;
	s0 =	simm.s32 @!p1 $0x0  }
0x14: {  	s2 =	sld [smem:$0x3F8F];
	s0 =	simm.s32 @p1 $0x1  }
0x15: {  	[smem:$0x3FAC] =	sst s0;
	s0 =	simm.s32 @!p2 $0x0  }
0x16: {  	s3 =	sld [smem:$0x3FDB];
	s0 =	simm.s32 @p2 $0x1  }
0x17: {  	s4 =	simm.s32 $0x1BF5;
	[smem:$0x3FAE] =	sst s0  }
0x18: {  	s0 =	sld [smem:$0x3F91];
	_ =	swait.ge [sflag:s4], $0x0  }
0x19: {  	s7 =	sld [smem:$0x3F92]  }
0x1a: {  	s8 =	sadd.s32 $0xFFFFE003, lr  }
0x1b: {  	s9 =	sadd.s32 $0xFFFFFEF7, lr;
	s5 =	simm.s32 $0xFFFFFFFF;
	p2 =	slt.u32 s8, $0xFFFFF086  }
0x1c: {  	p1 =	slt.u32 s9, $0xF7A;
	s5 =	simm.s32 @!p2 $0x0  }
0x1d: {  	s5 =	simm.s32 @p1 $0x1;
	p0 =	seq.s32 s7, s2  }
0x1e: {  	s7 =	smul.u32 @!p0 $0xF7A, s2;
	p2 =	seq.s32 @!p0 s5, $0x0  }
0x1f: {  	s9 =	smul.u32 $0xF7A, s1;
	s8 =	simm.s32 @!p0 $0x1BF5;
	p2 =	por !p2, p0  }
0x20: {  	[sflag:s8] =	ssyncset.s32 @!p0 $0xFFFFF086;
	s6 =	sadd.s32 @!p0 s3, s7;
	s7 =	simm.s32 @!p0 $0x108  }
0x21: {  	s3 =	sadd.s32 s3, s9;
	s6 =	sadd.s32 @!p0 $0x88, s6;
	s7 =	simm.s32 @p2 $0x1082  }
0x22: {  	[simem:s7], [sflag:s8] =	dma.local @!p0 [hbm:s6], $0xF7A  }
0x23: {  	s9 =	sor.u32 $0xD0000000, s2;
	s6 =	simm.s32 $0x108;
	_ =	swait.ge @!p0 [sflag:s8], $0x0  }
0x24: {  	s3 =	sadd.s32 $0x88, s3;
	s6 =	simm.s32 @!p1 $0x1082;
	[sflag:s4] =	ssyncset.s32 $0xFFFFF086  }
0x25: {  	[simem:s6], [sflag:s4] =	dma.local [hbm:s3], $0xF7A  }
0x26: {  	[smem:$0x3F92] =	sst s1;
	(tag) =	ssettag s2;
	_ =	strace s9  }
0x27: {  	s1 =	sld [smem:$0x3FA2]  }
0x28: {  	s2 =	sld [smem:$0x3FA3]  }
0x29: {  	s4 =	sld [smem:$0x3FA5]  }
0x2a: {  	p0 =	seq.s32 s5, $0x0;
	s5 =	sld [smem:$0x3FA6]  }
0x2b: {  	s6 =	sld [smem:$0x3FA7]  }
0x2c: {  	s7 =	sld [smem:$0x3FA8]  }
0x2d: {  	s3 =	simm.s32 $0x108;
	s8 =	sld [smem:$0x3FA9]  }
0x2e: {  	s3 =	simm.s32 @!p0 $0x1082;
	s9 =	sld [smem:$0x3FAA]  }
0x2f: {  	lr =	sadd.s32 s0, s3;
	s0 =	sld [smem:$0x3FA1]  }
0x30: {  	s3 =	sld [smem:$0x3FA4]  }
0x31: {  	[smem:$0x3FAD] =	sst s10  }
0x32: {  	s10 =	sld [smem:$0x3FAB];
	_ =	sdelay $0x3  }
0x33: {  	p0 =	seq.s32 s10, $0x1;
	s10 =	sld [smem:$0x3FAD];
	_ =	sdelay $0x3  }
0x34: {  	[smem:$0x3FAD] =	sst s10  }
0x35: {  	s10 =	sld [smem:$0x3FAC];
	_ =	sdelay $0x3  }
0x36: {  	p1 =	seq.s32 s10, $0x1;
	s10 =	sld [smem:$0x3FAD];
	_ =	sdelay $0x3  }
0x37: {  	[smem:$0x3FAD] =	sst s10  }
0x38: {  	s10 =	sld [smem:$0x3FAE]  }
0x39: {  	_ = 	snop;
	(pc) =	sbr.ind lr, $3  }
0x3a: {  	_ = 	snop  }
0x3b: {  	_ = 	snop  }
0x3c: {  	p2 =	seq.s32 s10, $0x1;
	s10 =	sld [smem:$0x3FAD]  }
0x3d: {  	_ =	shalt  }
0x3e: {  	_ =	shalt  }
0x3f: {  	_ =	shalt  }
0x40: {  	_ =	shalt  }
0x41: {  	_ =	shalt  }
0x42: {  	_ =	shalt  }
0x43: {  	_ =	shalt  }
0x44: {  	_ =	shalt  }
0x45: {  	_ =	shalt  }
0x46: {  	_ =	shalt  }
0x47: {  	_ =	shalt  }
0x48: {  	_ =	shalt  }
0x49: {  	_ =	shalt  }
0x4a: {  	_ =	shalt  }
0x4b: {  	_ =	shalt  }
0x4c: {  	_ =	shalt  }
0x4d: {  	_ =	shalt  }
0x4e: {  	_ =	shalt  }
0x4f: {  	_ =	shalt  }
0x50: {  	_ =	shalt  }
0x51: {  	_ =	shalt  }
0x52: {  	_ =	shalt  }
0x53: {  	_ =	shalt  }
0x54: {  	_ =	shalt  }
0x55: {  	_ =	shalt  }
0x56: {  	_ =	shalt  }
0x57: {  	_ =	shalt  }
0x58: {  	_ =	shalt  }
0x59: {  	_ =	shalt  }
0x5a: {  	_ =	shalt  }
0x5b: {  	_ =	shalt  }
0x5c: {  	_ =	shalt  }
0x5d: {  	_ =	shalt  }
0x5e: {  	_ =	shalt  }
0x5f: {  	_ =	shalt  }
0x60: {  	_ =	shalt  }
0x61: {  	_ =	shalt  }
0x62: {  	_ =	shalt  }
0x63: {  	_ =	shalt  }
0x64: {  	_ =	shalt  }
0x65: {  	_ =	shalt  }
0x66: {  	_ =	shalt  }
0x67: {  	_ =	shalt  }
0x68: {  	_ =	shalt  }
0x69: {  	_ =	shalt  }
0x6a: {  	_ =	shalt  }
0x6b: {  	_ =	shalt  }
0x6c: {  	_ =	shalt  }
0x6d: {  	_ =	shalt  }
0x6e: {  	_ =	shalt  }
0x6f: {  	_ =	shalt  }
0x70: {  	_ =	shalt  }
0x71: {  	_ =	shalt  }
0x72: {  	_ =	shalt  }
0x73: {  	_ =	shalt  }
0x74: {  	_ =	shalt  }
0x75: {  	_ =	shalt  }
0x76: {  	_ =	shalt  }
0x77: {  	_ =	shalt  }
0x78: {  	_ =	shalt  }
0x79: {  	_ =	shalt  }
0x7a: {  	_ =	shalt  }
0x7b: {  	_ =	shalt  }
0x7c: {  	_ =	shalt  }
0x7d: {  	_ =	shalt  }
0x7e: {  	_ =	shalt  }
0x7f: {  	_ =	shalt  }
0x80: {  	_ =	shalt  }
0x81: {  	_ =	shalt  }
0x82: {  	_ =	shalt  }
0x83: {  	_ =	shalt  }
0x84: {  	_ =	shalt  }
0x85: {  	_ =	shalt  }
0x86: {  	_ =	shalt  }
0x87: {  	_ =	shalt  }
.Lfunc_end0:
.L_simem_size_0:
called_computation.1_lowered:
.L_overlay_start_0:
0x88: {  	s2 =	sld [smem:$0x3FD9]  }
0x89: {  	s3 =	sld [smem:$0x3FFE];
	_ =	sdelay $0x1  }
0x8a: {  	s1 =	srdreg.scid  }
0x8b: {  	s0 =	sand.u32 $0x1, s1  }
0x8c: {  	s17 =	sshll.u32 s0, $0xA;
	s2 =	sadd.s32 s3, s2  }
0x8d: {  	s2 =	sadd.s32 s2, s17  }
0x8e: {  	[smem:$0x3FB9] =	sst s2  }
0x8f: {  	_ = 	snop  }
0x90: {  	s2 =	sld [smem:$0x3FD0];
	(tm) =	ssettm $0x1  }
0x91: {  	s18 =	sld [smem:$0x3FFB];
	_ =	sdelay $0x3  }
0x92: {  	_ =	strace s18  }
0x93: {  	s3 =	sld [smem:$0x3FFC];
	_ =	sdelay $0x3  }
0x94: {  	_ =	strace s3  }
0x95: {  	s3 =	sld [smem:$0x3FFD];
	_ =	sdelay $0x3  }
0x96: {  	_ =	strace s3  }
0x97: {  	_ =	strace $0x8FFFFFFF  }
0x98: {  	s19 =	sld [smem:$0x3FDB];
	_ =	sdelay $0x1  }
0x99: {  	s4 =	simm.s32 $_scs_section_size  }
0x9a: {  	s5 =	simm.s32 $_size__tile_overlayer_lowered;
	s6 =	simm.s32 $_tile_overlayer_lowered  }
0x9b: {  	s22 =	simm.s32 $0x1BFF;
	s21 =	sshll.u32 s6, $0x1;
	s3 =	sadd.s32 s4, s19  }
0x9c: {  	s7 =	simm.s32 $0x0;
	s20 =	sshll.u32 s5, $0x1;
	s5 =	sadd.s32 s21, s3  }
0x9d: {  	[timem:s7], [sflag:s22] =	dma.local [hbm:s5], s20  }
0x9e: {  	_ =	swait.ge [sflag:s22], s20  }
0x9f: {  	s4 =	ssub.s32 $0x0, s20;
	[sflag:s22] =	ssyncset.done $0x0  }
0xa0: {  	[sflag:s22] =	ssyncadd.s32 s4;
	_ =	sdelay $0x1  }
0xa1: {  	s23 =	simm.s32 $0x1B8B  }
0xa2: {  	_ =	swait.ge [sflag:s23], $0x1  }
0xa3: {  	[sflag:s23] =	ssyncset.done $0x0  }
0xa4: {  	s25 =	simm.s32 $0x1B8E;
	s24 =	sld [smem:$0x3FFE];
	[sflag:s23] =	ssyncadd.s32 $0xFFFFFFFF  }
0xa5: {  	s26 =	simm.s32 $execute0_lowered;
	[smem:$0x3FD2] =	sst s25  }
0xa6: {  	s5 =	sshll.u32 s26, $0x1;
	_ =	strace $0x80000049;
	[dreg:$0x1] =	wrdreg $0xFFFFFFFF  }
0xa7: {  	s28 =	simm.s32 $_size_execute0_lowered;
	s3 =	sadd.s32 s3, s5;
	[dreg:$0x0] =	wrdreg $0x0  }
0xa8: {  	s5 =	sshll.u32 s28, $0x1;
	[dreg:$0x2] =	wrdreg s3  }
0xa9: {  	[dreg:$0x3] =	wrdreg s5  }
0xaa: {  	[dreg:$0x4] =	wrdreg $0xC0  }
0xab: {  	_ =	task [dreg:s7], $0x5FFFF  }
0xac: {  	[dreg:$0x1] =	wrdreg $0xFFFFFFFF  }
0xad: {  	[dreg:$0x0] =	wrdreg $0x60  }
0xae: {  	[dreg:$0x2] =	wrdreg s2  }
0xaf: {  	[dreg:$0x3] =	wrdreg s24  }
0xb0: {  	[dreg:$0x4] =	wrdreg $0x82000  }
0xb1: {  	[dreg:$0x5] =	wrdreg $0x9  }
0xb2: {  	_ =	task.clear_ibuf [dreg:s7], $0x6FFFF;
	_ =	strace $0x90000049  }
0xb3: {  	s29 =	simm.s32 $0x9;
	_ =	strace $0x8000004B  }
0xb4: {  	_ =	swait.ge [sflag:s29], $0x1  }
0xb5: {  	[sflag:s29] =	ssyncadd.s32 $0xFFFFFFFF  }
0xb6: {  	_ =	strace $0x9000004B  }
0xb7: {  	_ =	sfence  }
0xb8: {  	s30 =	sld [smem:$0x0];
	_ =	sdelay $0x2  }
0xb9: {  	s31 =	sshll.u32 s1, $0xD;
	s1 =	sshrl.u32 s1, $0x2  }
0xba: {  	s3 =	sand.u32 $0x4000, s31;
	s1 =	sadd.s32 s1, s30  }
0xbb: {  	s0 =	sor.u32 s3, s0;
	s1 =	sshll.u32 s1, $0x11  }
0xbc: {  	s0 =	sor.u32 s1, s0  }
0xbd: {  	s0 =	sadd.s32 $0x8F2B, s0  }
0xbe: {  	[sflag:s0] =	ssyncadd.remote.s32 $0x1  }
0xbf: {  	_ =	sfence.sel $0xFFFF  }
0xc0: {  	[dreg:$0x0] =	wrdreg $0xFFFFFFFF;
	(pc) =	sbr.abs _section_cstart, $3  }
0xc1: {  	[dreg:$0x1] =	wrdreg $0xFFFFFFFF  }
0xc2: {  	_ =	task.clear_ibuf [dreg:s7], $0x2FFFF;
	_ =	strace $0x9FFFFFFF  }
0xc3: {  	(tm) =	ssettm $0x7FFFFFFF  }
tec
execute0_lowered:
.L_overlay_start_1:
0x0: {  	(tag) =	ssettag $0x1  }
0x1: {  	s1 =	rddreg [dreg:$0x0]  }
0x2: {  	s0 =	rddreg [dreg:$0x1]  }
0x3: {  	s2 =	rddreg [dreg:$0x2]  }
0x4: {  	s4 =	simm.s32 $0x0;
	s3 =	srdreg.scid;
	s11 =	stileid.u32  }
0x5: {  	s28 =	simm.s32 $0x80;
	s29 =	simm.s32 $0x2;
	s30 =	simm.s32 $0x4200  }
0x6: {  	s31 =	simm.s32 $0x3;
	[smem:$0x7FF] =	sst s4;
	s3 =	sand.u32 $0x1, s3  }
0x7: {  	s5 =	sadd.s32 $0xDE00, s0;
	s8 =	smul.u32 $0x50000, s11;
	s6 =	sadd.s32 $0x3E00, s0  }
0x8: {  	s0 =	sadd.s32 $0x17E00, s0;
	s13 =	smul.u32 $0x14000, s11;
	_ =	strace $0x8000004A  }
0x9: {  	s7 =	ssub.s32 $0x2, s3;
	s10 =	sshll.u32 s3, $0x4;
	s3 =	smul.u32 $0x140000, s3  }
0xa: {  	s9 =	sshrl.u32 s7, $0x1;
	s8 =	sshrl.u32 s8, $0x2;
	s20 =	sor.u32 s11, s10  }
0xb: {  	s15 =	sadd.s32 $0x4000, s13;
	s16 =	sadd.s32 $0x8000, s13;
	s19 =	sadd.s32 $0xC000, s13  }
0xc: {  	s14 =	ssub.s32 s7, s9;
	s7 =	sadd.s32 s8, s2;
	s8 =	smul.u32 $0x2800, s20  }
0xd: {  	s9 =	sadd.s32 s15, s2;
	s10 =	sadd.s32 s16, s2;
	s20 =	sadd.s32 $0x10000, s13  }
0xe: {  	s11 =	sadd.s32 s19, s2;
	s13 =	sadd.s32 s13, s3;
	s15 =	sadd.s32 s3, s15  }
0xf: {  	s24 =	sadd.s32 s3, s16;
	s25 =	sadd.s32 s3, s19;
	s12 =	sadd.s32 s20, s2  }
0x10: {  	s13 =	sshrl.u32 s13, $0x3;
	s23 =	sshrl.u32 s15, $0x3;
	s15 =	sshrl.u32 s25, $0x3  }
0x11: {  	s3 =	sadd.s32 s3, s20;
	s25 =	simm.s32 $0x6;
	s13 =	sadd.s32 s0, s13  }
0x12: {  	s17 =	sshrl.u32 s8, $0x3;
	s26 =	sadd.s32 s0, s15;
	[dreg:$0x8] =	wrdreg s13  }
0x13: {  	s3 =	sshrl.u32 s3, $0x3;
	s18 =	sadd.s32 s6, s17;
	[dreg:$0xb] =	wrdreg s26  }
0x14: {  	s21 =	sadd.s32 s5, s17;
	s17 =	sor.u32 $0x10, s17;
	[dreg:$0x4] =	wrdreg s18  }
0x15: {  	s13 =	sadd.s32 s0, s23;
	s23 =	simm.s32 $0x200;
	[dreg:$0x5] =	wrdreg s21  }
0x16: {  	s26 =	simm.s32 $0x1;
	s22 =	sadd.s32 s6, s17;
	[dreg:$0x9] =	wrdreg s13  }
.Ltmp0:
0x17: {  	s17 =	sadd.s32 s5, s17;
	[dreg:$0x6] =	wrdreg s22;
	(pc) =	sbr.rel .LBB2_1-.Ltmp0, $4  }
0x18: {  	s13 =	sshrl.u32 s24, $0x3;
	s24 =	simm.s32 $0x7;
	[dreg:$0x7] =	wrdreg s17  }
0x19: {  	s13 =	sadd.s32 s0, s13;
	s0 =	sadd.s32 s0, s3;
	s22 =	smax.u32 s14, $0x1  }
0x1a: {  	s3 =	simm.s32 $0x4;
	s14 =	simm.s32 $0x0;
	[dreg:$0xa] =	wrdreg s13  }
0x1b: {  	v0 =	vimm.f32 $0.0e+00;
	[dreg:$0xc] =	wrdreg s0;
	s0 =	simm.s32 $0x5;
	s13 =	simm.s32 $0x180  }
.LBB2_6:
0x1c: {  	[spmem:s2] =	stream.indirect.scatter.add.f32 [tilespmem:s30], [sflag:$0x7], $0x80, s13, s28, $0xb8;
	[tilespmem:$0x1C200] =	vst v63  }
0x1d: {  	_ =	swait.ge [sflag:s24], $0x4000  }
0x1e: {  	[sflag:s24] =	ssyncset.done $0x0  }
0x1f: {  	[sflag:s24] =	ssyncadd.s32 $0xFFFFC000  }
0x20: {  	[bflag:$0x0] =	sbarrier.arrive $0xFFFF  }
0x21: {  	[tilespmem:s23], [sflag:$0x7] =	stream.linear.gather [spmem:s7], $0x4000, $0x38;
	[tilespmem:$0x1C200] =	vst v63  }
0x22: {  	_ =	swait.ge [sflag:s24], $0x4000  }
0x23: {  	[sflag:s24] =	ssyncset.done $0x0  }
0x24: {  	s15 =	rddreg [dreg:$0x8];
	[sflag:s24] =	ssyncadd.s32 $0xFFFFC000  }
0x25: {  	[hbm4b:s15+s4] =	stream.linear.scatter [tilespmem:s23], [sflag:$0x7], $0x4000, $0x38;
	[tilespmem:$0x1C200] =	vst v63  }
0x26: {  	_ =	swait.ge [sflag:s24], $0x4000  }
0x27: {  	[sflag:s24] =	ssyncset.done $0x0  }
0x28: {  	[sflag:s24] =	ssyncadd.s32 $0xFFFFC000  }
0x29: {  	[tilespmem:s30], [sflag:$0x7] =	stream.linear.gather [spmem:s9], $0x4000, $0x38;
	[tilespmem:$0x1C200] =	vst v63  }
0x2a: {  	_ =	swait.ge [sflag:s24], $0x4000  }
0x2b: {  	[sflag:s24] =	ssyncset.done $0x0  }
0x2c: {  	s18 =	rddreg [dreg:$0x9];
	[sflag:s24] =	ssyncadd.s32 $0xFFFFC000  }
0x2d: {  	[hbm4b:s18+s4] =	stream.linear.scatter [tilespmem:s30], [sflag:$0x7], $0x4000, $0x38;
	[tilespmem:$0x1C200] =	vst v63  }
0x2e: {  	_ =	swait.ge [sflag:s24], $0x4000  }
0x2f: {  	[sflag:s24] =	ssyncset.done $0x0  }
0x30: {  	[sflag:s24] =	ssyncadd.s32 $0xFFFFC000  }
0x31: {  	[tilespmem:s23], [sflag:$0x7] =	stream.linear.gather [spmem:s10], $0x4000, $0x38;
	[tilespmem:$0x1C200] =	vst v63  }
0x32: {  	_ =	swait.ge [sflag:s24], $0x4000  }
0x33: {  	[sflag:s24] =	ssyncset.done $0x0  }
0x34: {  	s19 =	rddreg [dreg:$0xa];
	[sflag:s24] =	ssyncadd.s32 $0xFFFFC000  }
0x35: {  	[hbm4b:s19+s4] =	stream.linear.scatter [tilespmem:s23], [sflag:$0x7], $0x4000, $0x38;
	[tilespmem:$0x1C200] =	vst v63  }
0x36: {  	_ =	swait.ge [sflag:s24], $0x4000  }
0x37: {  	[sflag:s24] =	ssyncset.done $0x0  }
0x38: {  	[sflag:s24] =	ssyncadd.s32 $0xFFFFC000  }
0x39: {  	[tilespmem:s30], [sflag:$0x7] =	stream.linear.gather [spmem:s11], $0x4000, $0x38;
	[tilespmem:$0x1C200] =	vst v63  }
0x3a: {  	_ =	swait.ge [sflag:s24], $0x4000  }
0x3b: {  	[sflag:s24] =	ssyncset.done $0x0  }
0x3c: {  	s20 =	rddreg [dreg:$0xb];
	[sflag:s24] =	ssyncadd.s32 $0xFFFFC000  }
0x3d: {  	[hbm4b:s20+s4] =	stream.linear.scatter [tilespmem:s30], [sflag:$0x7], $0x4000, $0x38;
	[tilespmem:$0x1C200] =	vst v63  }
0x3e: {  	_ =	swait.ge [sflag:s24], $0x4000  }
0x3f: {  	[sflag:s24] =	ssyncset.done $0x0  }
0x40: {  	[sflag:s24] =	ssyncadd.s32 $0xFFFFC000  }
0x41: {  	[tilespmem:s23], [sflag:$0x7] =	stream.linear.gather [spmem:s12], $0x4000, $0x38;
	[tilespmem:$0x1C200] =	vst v63  }
0x42: {  	s14 =	sadd.s32 $0x1, s14;
	_ =	swait.ge [sflag:s24], $0x4000  }
0x43: {  	p0 =	sne.s32 s14, s22;
	[sflag:s24] =	ssyncset.done $0x0  }
.Ltmp1:
0x44: {  	s21 =	rddreg [dreg:$0xc];
	[sflag:s24] =	ssyncadd.s32 $0xFFFFC000;
	(pc) =	sbr.rel @!p0 .LBB2_7-.Ltmp1, $4  }
0x45: {  	[hbm4b:s21+s4] =	stream.linear.scatter [tilespmem:s23], [sflag:$0x7], $0x4000, $0x38;
	[tilespmem:$0x1C200] =	vst v63  }
0x46: {  	_ =	swait.ge [sflag:s24], $0x4000  }
0x47: {  	[sflag:s24] =	ssyncset.done $0x0  }
0x48: {  	[sflag:s24] =	ssyncadd.s32 $0xFFFFC000  }
.LBB2_1:
0x49: {  	s15 =	simm.s32 $0x0;
	s16 =	simm.s32 $0x200  }
.LBB2_2:
0x4a: {  	p0 =	sne.s32 s16, $0xFE00;
	[tilespmem:s15+$0x270] =	vst v0  }
0x4b: {  	[tilespmem:s15+$0x200] =	vst v0  }
0x4c: {  	[tilespmem:s15+$0x210] =	vst v0  }
.Ltmp2:
0x4d: {  	[tilespmem:s15+$0x220] =	vst v0;
	(pc) =	sbr.rel @p0 .LBB2_2-.Ltmp2, $4  }
0x4e: {  	[tilespmem:s15+$0x230] =	vst v0  }
0x4f: {  	[tilespmem:s15+$0x240] =	vst v0  }
0x50: {  	[tilespmem:s15+$0x250] =	vst v0  }
0x51: {  	[tilespmem:s15+$0x260] =	vst v0;
	s15 =	sshra.s32 s16, $0x2;
	s16 =	sadd.s32 $0x200, s16  }
0x52: {  	[tilespmem:s15+$0x270] =	vst v0  }
0x53: {  	[tilespmem:s15+$0x200] =	vst v0  }
0x54: {  	[tilespmem:s15+$0x210] =	vst v0  }
0x55: {  	[tilespmem:s15+$0x220] =	vst v0  }
0x56: {  	[tilespmem:s15+$0x230] =	vst v0  }
0x57: {  	[tilespmem:s15+$0x240] =	vst v0  }
0x58: {  	[tilespmem:s15+$0x250] =	vst v0  }
0x59: {  	[tilespmem:s15+$0x260] =	vst v0  }
0x5a: {  	[spmem:s7] =	stream.linear.scatter [tilespmem:s23], [sflag:$0x7], $0x4000, $0x38;
	[tilespmem:$0x1C200] =	vst v63  }
0x5b: {  	_ =	swait.ge [sflag:s24], $0x4000  }
0x5c: {  	[sflag:s24] =	ssyncset.done $0x0  }
0x5d: {  	[sflag:s24] =	ssyncadd.s32 $0xFFFFC000  }
0x5e: {  	[spmem:s9] =	stream.linear.scatter [tilespmem:s23], [sflag:$0x7], $0x4000, $0x38;
	[tilespmem:$0x1C200] =	vst v63  }
0x5f: {  	_ =	swait.ge [sflag:s24], $0x4000  }
0x60: {  	[sflag:s24] =	ssyncset.done $0x0  }
0x61: {  	[sflag:s24] =	ssyncadd.s32 $0xFFFFC000  }
0x62: {  	[spmem:s10] =	stream.linear.scatter [tilespmem:s23], [sflag:$0x7], $0x4000, $0x38;
	[tilespmem:$0x1C200] =	vst v63  }
0x63: {  	_ =	swait.ge [sflag:s24], $0x4000  }
0x64: {  	[sflag:s24] =	ssyncset.done $0x0  }
0x65: {  	[sflag:s24] =	ssyncadd.s32 $0xFFFFC000  }
0x66: {  	[spmem:s11] =	stream.linear.scatter [tilespmem:s23], [sflag:$0x7], $0x4000, $0x38;
	[tilespmem:$0x1C200] =	vst v63  }
0x67: {  	_ =	swait.ge [sflag:s24], $0x4000  }
0x68: {  	[sflag:s24] =	ssyncset.done $0x0  }
0x69: {  	[sflag:s24] =	ssyncadd.s32 $0xFFFFC000  }
0x6a: {  	[spmem:s12] =	stream.linear.scatter [tilespmem:s23], [sflag:$0x7], $0x4000, $0x38;
	[tilespmem:$0x1C200] =	vst v63  }
0x6b: {  	_ =	swait.ge [sflag:s24], $0x4000  }
0x6c: {  	[sflag:s24] =	ssyncset.done $0x0  }
0x6d: {  	[sflag:s24] =	ssyncadd.s32 $0xFFFFC000  }
0x6e: {  	[bflag:$0x0] =	sbarrier.arrive $0xFFFF  }
0x6f: {  	s16 =	simm.s32 $0x100;
	s18 =	rddreg [dreg:$0x4]  }
0x70: {  	[tilespmem:s16], [sflag:$0x3] =	stream.linear.gather [hbm4b:s18+s4], $0x80, $0x38;
	[tilespmem:$0x1C200] =	vst v63  }
0x71: {  	s19 =	rddreg [dreg:$0x5]  }
0x72: {  	[tilespmem:s4], [sflag:$0x1] =	stream.linear.gather [hbm4b:s19+s4], $0x80, $0x38;
	[tilespmem:$0x1C200] =	vst v63  }
0x73: {  	_ =	swait.ge [sflag:s26], $0x80  }
0x74: {  	[sflag:s26] =	ssyncset.done $0x0  }
0x75: {  	[sflag:s26] =	ssyncadd.s32 $0xFFFFFF80  }
0x76: {  	[tilespmem:s23], [sflag:$0x5] =	stream.indirect.gather [hbm4b:s1+s28], $0x80, s4, s28, $0xb8;
	[tilespmem:$0x1C200] =	vst v63  }
0x77: {  	s15 =	simm.s32 $0x180;
	s20 =	rddreg [dreg:$0x6]  }
0x78: {  	[tilespmem:s15], [sflag:$0x4] =	stream.linear.gather [hbm4b:s20+s4], $0x80, $0x38;
	[tilespmem:$0x1C200] =	vst v63  }
0x79: {  	s21 =	rddreg [dreg:$0x7]  }
0x7a: {  	[tilespmem:s28], [sflag:$0x2] =	stream.linear.gather [hbm4b:s21+s4], $0x80, $0x38;
	[tilespmem:$0x1C200] =	vst v63  }
0x7b: {  	_ =	swait.ge [sflag:s29], $0x80  }
0x7c: {  	[sflag:s29] =	ssyncset.done $0x0  }
0x7d: {  	[sflag:s29] =	ssyncadd.s32 $0xFFFFFF80  }
0x7e: {  	[tilespmem:s30], [sflag:$0x6] =	stream.indirect.gather [hbm4b:s1+s28], $0x80, s28, s28, $0xb8;
	[tilespmem:$0x1C200] =	vst v63  }
.LBB2_4:
0x7f: {  	_ =	swait.ge [sflag:s31], $0x80  }
0x80: {  	[sflag:s31] =	ssyncset.done $0x0  }
0x81: {  	[sflag:s31] =	ssyncadd.s32 $0xFFFFFF80  }
0x82: {  	p0 =	seq.s32 s15, $0x2880;
	_ =	swait.ge [sflag:s0], $0x4000  }
0x83: {  	s16 =	simm.s32 @p0 $0x80;
	[sflag:s0] =	ssyncset.done $0x0  }
0x84: {  	s17 =	simm.s32 @p0 $0x100;
	s18 =	simm.s32 @p0 $0x200;
	[sflag:s0] =	ssyncadd.s32 $0xFFFFC000  }
0x85: {  	[spmem:s2] =	stream.indirect.scatter.add.f32 @p0 [tilespmem:s18], [sflag:$0x7], $0x80, s17, s16, $0xb8;
	[tilespmem:$0x1C200] =	vst v63  }
0x86: {  	s16 =	sadd.s32 @!p0 $0xFFFFFF80, s15  }
0x87: {  	s17 =	sand.u32 @!p0 $0x7C00, s16  }
0x88: {  	s18 =	simm.s32 @p0 $0x7;
	s16 =	sand.u32 @!p0 $0x300, s16;
	s17 =	sadd.s32 @!p0 s8, s17  }
0x89: {  	_ =	swait.ge @p0 [sflag:s18], $0x4000;
	s16 =	sor.u32 @!p0 s16, s17  }
0x8a: {  	s19 =	simm.s32 @!p0 $0x100;
	[sflag:s18] =	ssyncset.done @p0 $0x0;
	s16 =	sshrl.u32 @!p0 s16, $0x3  }
0x8b: {  	[sflag:s18] =	ssyncadd.s32 @p0 $0xFFFFC000;
	s18 =	simm.s32 @!p0 $0x0;
	s17 =	sadd.s32 @!p0 s5, s16  }
0x8c: {  	[tilespmem:s18], [sflag:$0x1] =	stream.linear.gather @!p0 [hbm4b:s17+s18], $0x80, $0x38;
	[tilespmem:$0x1C200] =	vst v63  }
0x8d: {  	s20 =	simm.s32 @!p0 $0x200;
	s21 =	simm.s32 @!p0 $0x7;
	s17 =	simm.s32 @!p0 $0x80  }
0x8e: {  	[spmem:s2] =	stream.indirect.scatter.add.f32 @!p0 [tilespmem:s20], [sflag:$0x7], $0x80, s19, s17, $0xb8;
	[tilespmem:$0x1C200] =	vst v63  }
0x8f: {  	_ =	swait.ge @!p0 [sflag:s21], $0x4000  }
0x90: {  	[sflag:s21] =	ssyncset.done @!p0 $0x0  }
0x91: {  	[sflag:s21] =	ssyncadd.s32 @!p0 $0xFFFFC000;
	s21 =	simm.s32 @!p0 $0x1  }
0x92: {  	_ =	swait.ge @!p0 [sflag:s21], $0x80  }
0x93: {  	[sflag:s21] =	ssyncset.done @!p0 $0x0  }
0x94: {  	[sflag:s21] =	ssyncadd.s32 @!p0 $0xFFFFFF80  }
0x95: {  	[tilespmem:s20], [sflag:$0x5] =	stream.indirect.gather @!p0 [hbm4b:s1+s17], $0x80, s18, s17, $0xb8;
	[tilespmem:$0x1C200] =	vst v63  }
0x96: {  	s16 =	sadd.s32 @!p0 s6, s16  }
0x97: {  	[tilespmem:s19], [sflag:$0x3] =	stream.linear.gather @!p0 [hbm4b:s16+s18], $0x80, $0x38;
	[tilespmem:$0x1C200] =	vst v63  }
0x98: {  	_ =	swait.ge [sflag:s3], $0x80  }
.Ltmp3:
0x99: {  	[sflag:s3] =	ssyncset.done $0x0;
	(pc) =	sbr.rel @p0 .LBB2_6-.Ltmp3, $4  }
0x9a: {  	[sflag:s3] =	ssyncadd.s32 $0xFFFFFF80  }
0x9b: {  	_ =	swait.ge [sflag:s25], $0x4000  }
0x9c: {  	[sflag:s25] =	ssyncset.done $0x0  }
0x9d: {  	[sflag:s25] =	ssyncadd.s32 $0xFFFFC000  }
0x9e: {  	s16 =	sand.u32 $0x7C00, s15  }
0x9f: {  	s17 =	sand.u32 $0x380, s15;
	s16 =	sadd.s32 s8, s16  }
0xa0: {  	s16 =	sor.u32 s17, s16  }
0xa1: {  	s16 =	sshrl.u32 s16, $0x3  }
0xa2: {  	s21 =	sadd.s32 s5, s16  }
0xa3: {  	[tilespmem:s28], [sflag:$0x2] =	stream.linear.gather [hbm4b:s21+s4], $0x80, $0x38;
	[tilespmem:$0x1C200] =	vst v63  }
0xa4: {  	_ = 	snop  }
0xa5: {  	[spmem:s2] =	stream.indirect.scatter.add.f32 [tilespmem:s30], [sflag:$0x7], $0x80, s13, s28, $0xb8;
	[tilespmem:$0x1C200] =	vst v63  }
0xa6: {  	_ =	swait.ge [sflag:s24], $0x4000  }
0xa7: {  	[sflag:s24] =	ssyncset.done $0x0  }
0xa8: {  	[sflag:s24] =	ssyncadd.s32 $0xFFFFC000  }
0xa9: {  	_ =	swait.ge [sflag:s29], $0x80  }
.Ltmp4:
0xaa: {  	[sflag:s29] =	ssyncset.done $0x0;
	(pc) =	sbr.rel .LBB2_4-.Ltmp4, $4  }
0xab: {  	[sflag:s29] =	ssyncadd.s32 $0xFFFFFF80  }
0xac: {  	[tilespmem:s30], [sflag:$0x6] =	stream.indirect.gather [hbm4b:s1+s28], $0x80, s28, s28, $0xb8;
	[tilespmem:$0x1C200] =	vst v63  }
0xad: {  	s15 =	sadd.s32 $0x100, s15;
	s16 =	sadd.s32 s6, s16  }
0xae: {  	[tilespmem:s13], [sflag:$0x4] =	stream.linear.gather [hbm4b:s16+s4], $0x80, $0x38;
	[tilespmem:$0x1C200] =	vst v63  }
.LBB2_7:
0xaf: {  	_ =	sfence.sel $0x180000  }
0xb0: {  	[bflag:$0x0] =	sbarrier.arrive $0xFFFF  }
0xb1: {  	_ =	strace $0x9000004A  }
0xb2: {  	s0 =	stileid.u32;
	[bflag:$0x2] =	sbarrier.arrive $0xFFFF  }
0xb3: {  	p0 =	sne.s32 s0, $0x0;
	s0 =	rddreg [dreg:$0x3]  }
0xb4: {  	s0 =	sadd.s32 @!p0 $0x100000, s0  }
0xb5: {  	[sflag:s0] =	ssyncadd.tile.s32 @!p0 $0x1;
	_ =	shalt  }
.Lfunc_end2:
_tile_overlayer_lowered:
.L_overlay_start_2:
0xb6: {  	(tag) =	ssettag $0x2  }
0xb7: {  	s0 =	rddreg [dreg:$0x0];
	s2 =	stileid.u32  }
0xb8: {  	s1 =	rddreg [dreg:$0x1];
	p0 =	sne.s32 s2, $0x0  }
0xb9: {  	s3 =	rddreg [dreg:$0x2];
	[bflag:$0x3] =	sbarrier.arrive $0xFFFF;
	s2 =	simm.s32 @!p0 $0x1C07  }
0xba: {  	[timem:s3], [sflag:s2] =	dma.local @!p0 [hbm:s0], s1  }
0xbb: {  	s0 =	simm.s32 @!p0 $0x7  }
0xbc: {  	_ =	swait.ge @!p0 [sflag:s0], s1  }
0xbd: {  	s1 =	ssub.s32 @!p0 $0x0, s1;
	[sflag:s0] =	ssyncset.done @!p0 $0x0  }
0xbe: {  	[sflag:s0] =	ssyncadd.s32 @!p0 s1  }
0xbf: {  	[bflag:$0x3] =	sbarrier.arrive $0xFFFF  }
0xc0: {  	_ =	shalt  }

// kernel: kernel.19.cloned.1.call-start
scs
__scs_entry_jumppad:
0x0: {  	(pc) =	sbr.rel $0x88, $3  }
0x1: {  	(tag) =	ssettag $0x0;
	lr =	simm.s32 $0x1  }
0x2: {  	[smem:$0x3F92] =	sst lr;
	_ =	strace $0xD0000000  }
0x3: {  	_ = 	snop  }
0x4: {  	_ = 	snop  }
0x5: {  	_ = 	snop  }
0x6: {  	_ = 	snop  }
0x7: {  	_ = 	snop  }
__scs_overlays_trampoline_lowered:
0x8: {  	[smem:$0x3FA1] =	sst s0  }
0x9: {  	[smem:$0x3FA2] =	sst s1  }
0xa: {  	[smem:$0x3FA3] =	sst s2  }
0xb: {  	[smem:$0x3FA4] =	sst s3  }
0xc: {  	[smem:$0x3FA5] =	sst s4  }
0xd: {  	[smem:$0x3FA6] =	sst s5  }
0xe: {  	[smem:$0x3FA7] =	sst s6  }
0xf: {  	[smem:$0x3FA8] =	sst s7  }
0x10: {  	[smem:$0x3FA9] =	sst s8  }
0x11: {  	[smem:$0x3FAA] =	sst s9;
	s0 =	simm.s32 @!p0 $0x0  }
0x12: {  	s1 =	sld [smem:$0x3F90];
	s0 =	simm.s32 @p0 $0x1  }
0x13: {  	[smem:$0x3FAB] =	sst s0;
	s0 =	simm.s32 @!p1 $0x0  }
0x14: {  	s2 =	sld [smem:$0x3F8F];
	s0 =	simm.s32 @p1 $0x1  }
0x15: {  	[smem:$0x3FAC] =	sst s0;
	s0 =	simm.s32 @!p2 $0x0  }
0x16: {  	s3 =	sld [smem:$0x3FDB];
	s0 =	simm.s32 @p2 $0x1  }
0x17: {  	s4 =	simm.s32 $0x1BF5;
	[smem:$0x3FAE] =	sst s0  }
0x18: {  	s0 =	sld [smem:$0x3F91];
	_ =	swait.ge [sflag:s4], $0x0  }
0x19: {  	s7 =	sld [smem:$0x3F92]  }
0x1a: {  	s8 =	sadd.s32 $0xFFFFE003, lr  }
0x1b: {  	s9 =	sadd.s32 $0xFFFFFEF7, lr;
	s5 =	simm.s32 $0xFFFFFFFF;
	p2 =	slt.u32 s8, $0xFFFFF086  }
0x1c: {  	p1 =	slt.u32 s9, $0xF7A;
	s5 =	simm.s32 @!p2 $0x0  }
0x1d: {  	s5 =	simm.s32 @p1 $0x1;
	p0 =	seq.s32 s7, s2  }
0x1e: {  	s7 =	smul.u32 @!p0 $0xF7A, s2;
	p2 =	seq.s32 @!p0 s5, $0x0  }
0x1f: {  	s9 =	smul.u32 $0xF7A, s1;
	s8 =	simm.s32 @!p0 $0x1BF5;
	p2 =	por !p2, p0  }
0x20: {  	[sflag:s8] =	ssyncset.s32 @!p0 $0xFFFFF086;
	s6 =	sadd.s32 @!p0 s3, s7;
	s7 =	simm.s32 @!p0 $0x108  }
0x21: {  	s3 =	sadd.s32 s3, s9;
	s6 =	sadd.s32 @!p0 $0x88, s6;
	s7 =	simm.s32 @p2 $0x1082  }
0x22: {  	[simem:s7], [sflag:s8] =	dma.local @!p0 [hbm:s6], $0xF7A  }
0x23: {  	s9 =	sor.u32 $0xD0000000, s2;
	s6 =	simm.s32 $0x108;
	_ =	swait.ge @!p0 [sflag:s8], $0x0  }
0x24: {  	s3 =	sadd.s32 $0x88, s3;
	s6 =	simm.s32 @!p1 $0x1082;
	[sflag:s4] =	ssyncset.s32 $0xFFFFF086  }
0x25: {  	[simem:s6], [sflag:s4] =	dma.local [hbm:s3], $0xF7A  }
0x26: {  	[smem:$0x3F92] =	sst s1;
	(tag) =	ssettag s2;
	_ =	strace s9  }
0x27: {  	s1 =	sld [smem:$0x3FA2]  }
0x28: {  	s2 =	sld [smem:$0x3FA3]  }
0x29: {  	s4 =	sld [smem:$0x3FA5]  }
0x2a: {  	p0 =	seq.s32 s5, $0x0;
	s5 =	sld [smem:$0x3FA6]  }
0x2b: {  	s6 =	sld [smem:$0x3FA7]  }
0x2c: {  	s7 =	sld [smem:$0x3FA8]  }
0x2d: {  	s3 =	simm.s32 $0x108;
	s8 =	sld [smem:$0x3FA9]  }
0x2e: {  	s3 =	simm.s32 @!p0 $0x1082;
	s9 =	sld [smem:$0x3FAA]  }
0x2f: {  	lr =	sadd.s32 s0, s3;
	s0 =	sld [smem:$0x3FA1]  }
0x30: {  	s3 =	sld [smem:$0x3FA4]  }
0x31: {  	[smem:$0x3FAD] =	sst s10  }
0x32: {  	s10 =	sld [smem:$0x3FAB];
	_ =	sdelay $0x3  }
0x33: {  	p0 =	seq.s32 s10, $0x1;
	s10 =	sld [smem:$0x3FAD];
	_ =	sdelay $0x3  }
0x34: {  	[smem:$0x3FAD] =	sst s10  }
0x35: {  	s10 =	sld [smem:$0x3FAC];
	_ =	sdelay $0x3  }
0x36: {  	p1 =	seq.s32 s10, $0x1;
	s10 =	sld [smem:$0x3FAD];
	_ =	sdelay $0x3  }
0x37: {  	[smem:$0x3FAD] =	sst s10  }
0x38: {  	s10 =	sld [smem:$0x3FAE]  }
0x39: {  	_ = 	snop;
	(pc) =	sbr.ind lr, $3  }
0x3a: {  	_ = 	snop  }
0x3b: {  	_ = 	snop  }
0x3c: {  	p2 =	seq.s32 s10, $0x1;
	s10 =	sld [smem:$0x3FAD]  }
0x3d: {  	_ =	shalt  }
0x3e: {  	_ =	shalt  }
0x3f: {  	_ =	shalt  }
0x40: {  	_ =	shalt  }
0x41: {  	_ =	shalt  }
0x42: {  	_ =	shalt  }
0x43: {  	_ =	shalt  }
0x44: {  	_ =	shalt  }
0x45: {  	_ =	shalt  }
0x46: {  	_ =	shalt  }
0x47: {  	_ =	shalt  }
0x48: {  	_ =	shalt  }
0x49: {  	_ =	shalt  }
0x4a: {  	_ =	shalt  }
0x4b: {  	_ =	shalt  }
0x4c: {  	_ =	shalt  }
0x4d: {  	_ =	shalt  }
0x4e: {  	_ =	shalt  }
0x4f: {  	_ =	shalt  }
0x50: {  	_ =	shalt  }
0x51: {  	_ =	shalt  }
0x52: {  	_ =	shalt  }
0x53: {  	_ =	shalt  }
0x54: {  	_ =	shalt  }
0x55: {  	_ =	shalt  }
0x56: {  	_ =	shalt  }
0x57: {  	_ =	shalt  }
0x58: {  	_ =	shalt  }
0x59: {  	_ =	shalt  }
0x5a: {  	_ =	shalt  }
0x5b: {  	_ =	shalt  }
0x5c: {  	_ =	shalt  }
0x5d: {  	_ =	shalt  }
0x5e: {  	_ =	shalt  }
0x5f: {  	_ =	shalt  }
0x60: {  	_ =	shalt  }
0x61: {  	_ =	shalt  }
0x62: {  	_ =	shalt  }
0x63: {  	_ =	shalt  }
0x64: {  	_ =	shalt  }
0x65: {  	_ =	shalt  }
0x66: {  	_ =	shalt  }
0x67: {  	_ =	shalt  }
0x68: {  	_ =	shalt  }
0x69: {  	_ =	shalt  }
0x6a: {  	_ =	shalt  }
0x6b: {  	_ =	shalt  }
0x6c: {  	_ =	shalt  }
0x6d: {  	_ =	shalt  }
0x6e: {  	_ =	shalt  }
0x6f: {  	_ =	shalt  }
0x70: {  	_ =	shalt  }
0x71: {  	_ =	shalt  }
0x72: {  	_ =	shalt  }
0x73: {  	_ =	shalt  }
0x74: {  	_ =	shalt  }
0x75: {  	_ =	shalt  }
0x76: {  	_ =	shalt  }
0x77: {  	_ =	shalt  }
0x78: {  	_ =	shalt  }
0x79: {  	_ =	shalt  }
0x7a: {  	_ =	shalt  }
0x7b: {  	_ =	shalt  }
0x7c: {  	_ =	shalt  }
0x7d: {  	_ =	shalt  }
0x7e: {  	_ =	shalt  }
0x7f: {  	_ =	shalt  }
0x80: {  	_ =	shalt  }
0x81: {  	_ =	shalt  }
0x82: {  	_ =	shalt  }
0x83: {  	_ =	shalt  }
0x84: {  	_ =	shalt  }
0x85: {  	_ =	shalt  }
0x86: {  	_ =	shalt  }
0x87: {  	_ =	shalt  }
.Lfunc_end0:
.L_simem_size_0:
called_computation.2_lowered:
.L_overlay_start_0:
0x88: {  	s2 =	sld [smem:$0x3FD9]  }
0x89: {  	s3 =	sld [smem:$0x3FFE];
	_ =	sdelay $0x1  }
0x8a: {  	s1 =	srdreg.scid  }
0x8b: {  	s0 =	sand.u32 $0x1, s1  }
0x8c: {  	s17 =	sshll.u32 s0, $0xA;
	s2 =	sadd.s32 s3, s2  }
0x8d: {  	s2 =	sadd.s32 s2, s17  }
0x8e: {  	[smem:$0x3FB9] =	sst s2  }
0x8f: {  	_ = 	snop  }
0x90: {  	s2 =	sld [smem:$0x3FD0];
	(tm) =	ssettm $0x1  }
0x91: {  	s18 =	sld [smem:$0x3FFB];
	_ =	sdelay $0x3  }
0x92: {  	_ =	strace s18  }
0x93: {  	s3 =	sld [smem:$0x3FFC];
	_ =	sdelay $0x3  }
0x94: {  	_ =	strace s3  }
0x95: {  	s3 =	sld [smem:$0x3FFD];
	_ =	sdelay $0x3  }
0x96: {  	_ =	strace s3  }
0x97: {  	_ =	strace $0x8FFFFFFF  }
0x98: {  	s19 =	sld [smem:$0x3FDB];
	_ =	sdelay $0x1  }
0x99: {  	s4 =	simm.s32 $_scs_section_size  }
0x9a: {  	s5 =	simm.s32 $_size__tile_overlayer_lowered;
	s6 =	simm.s32 $_tile_overlayer_lowered  }
0x9b: {  	s22 =	simm.s32 $0x1BFF;
	s21 =	sshll.u32 s6, $0x1;
	s3 =	sadd.s32 s4, s19  }
0x9c: {  	s7 =	simm.s32 $0x0;
	s20 =	sshll.u32 s5, $0x1;
	s5 =	sadd.s32 s21, s3  }
0x9d: {  	[timem:s7], [sflag:s22] =	dma.local [hbm:s5], s20  }
0x9e: {  	_ =	swait.ge [sflag:s22], s20  }
0x9f: {  	s4 =	ssub.s32 $0x0, s20;
	[sflag:s22] =	ssyncset.done $0x0  }
0xa0: {  	[sflag:s22] =	ssyncadd.s32 s4;
	_ =	sdelay $0x1  }
0xa1: {  	s23 =	simm.s32 $0x1B8B  }
0xa2: {  	_ =	swait.ge [sflag:s23], $0x1  }
0xa3: {  	[sflag:s23] =	ssyncset.done $0x0  }
0xa4: {  	s25 =	simm.s32 $0x1B8E;
	s24 =	sld [smem:$0x3FFE];
	[sflag:s23] =	ssyncadd.s32 $0xFFFFFFFF  }
0xa5: {  	s26 =	simm.s32 $execute0_lowered;
	[smem:$0x3FD2] =	sst s25  }
0xa6: {  	s5 =	sshll.u32 s26, $0x1;
	_ =	strace $0x8000004C;
	[dreg:$0x1] =	wrdreg $0xFFFFFFFF  }
0xa7: {  	s28 =	simm.s32 $_size_execute0_lowered;
	s3 =	sadd.s32 s3, s5;
	[dreg:$0x0] =	wrdreg $0x0  }
0xa8: {  	s5 =	sshll.u32 s28, $0x1;
	[dreg:$0x2] =	wrdreg s3  }
0xa9: {  	[dreg:$0x3] =	wrdreg s5  }
0xaa: {  	[dreg:$0x4] =	wrdreg $0xC0  }
0xab: {  	_ =	task [dreg:s7], $0x5FFFF  }
0xac: {  	[dreg:$0x1] =	wrdreg $0xFFFFFFFF  }
0xad: {  	[dreg:$0x0] =	wrdreg $0x60  }
0xae: {  	[dreg:$0x2] =	wrdreg s2  }
0xaf: {  	[dreg:$0x3] =	wrdreg s24  }
0xb0: {  	[dreg:$0x4] =	wrdreg $0x82000  }
0xb1: {  	[dreg:$0x5] =	wrdreg $0x9  }
0xb2: {  	_ =	task.clear_ibuf [dreg:s7], $0x6FFFF;
	_ =	strace $0x9000004C  }
0xb3: {  	s29 =	simm.s32 $0x9;
	_ =	strace $0x8000004E  }
0xb4: {  	_ =	swait.ge [sflag:s29], $0x1  }
0xb5: {  	[sflag:s29] =	ssyncadd.s32 $0xFFFFFFFF  }
0xb6: {  	_ =	strace $0x9000004E  }
0xb7: {  	_ =	sfence  }
0xb8: {  	s30 =	sld [smem:$0x0];
	_ =	sdelay $0x2  }
0xb9: {  	s31 =	sshll.u32 s1, $0xD;
	s1 =	sshrl.u32 s1, $0x2  }
0xba: {  	s3 =	sand.u32 $0x4000, s31;
	s1 =	sadd.s32 s1, s30  }
0xbb: {  	s0 =	sor.u32 s3, s0;
	s1 =	sshll.u32 s1, $0x11  }
0xbc: {  	s0 =	sor.u32 s1, s0  }
0xbd: {  	s0 =	sadd.s32 $0x8F2B, s0  }
0xbe: {  	[sflag:s0] =	ssyncadd.remote.s32 $0x1  }
0xbf: {  	_ =	sfence.sel $0xFFFF  }
0xc0: {  	[dreg:$0x0] =	wrdreg $0xFFFFFFFF;
	(pc) =	sbr.abs _section_cstart, $3  }
0xc1: {  	[dreg:$0x1] =	wrdreg $0xFFFFFFFF  }
0xc2: {  	_ =	task.clear_ibuf [dreg:s7], $0x2FFFF;
	_ =	strace $0x9FFFFFFF  }
0xc3: {  	(tm) =	ssettm $0x7FFFFFFF  }
tec
execute0_lowered:
.L_overlay_start_1:
0x0: {  	(tag) =	ssettag $0x1  }
0x1: {  	s1 =	rddreg [dreg:$0x0]  }
0x2: {  	s0 =	rddreg [dreg:$0x1]  }
0x3: {  	s2 =	rddreg [dreg:$0x2]  }
0x4: {  	s4 =	simm.s32 $0x0;
	s3 =	srdreg.scid;
	s11 =	stileid.u32  }
0x5: {  	s28 =	simm.s32 $0x80;
	s29 =	simm.s32 $0x2;
	s30 =	simm.s32 $0x4200  }
0x6: {  	s31 =	simm.s32 $0x3;
	[smem:$0x7FF] =	sst s4;
	s3 =	sand.u32 $0x1, s3  }
0x7: {  	s5 =	sadd.s32 $0xDE00, s0;
	s8 =	smul.u32 $0x50000, s11;
	s6 =	sadd.s32 $0x3E00, s0  }
0x8: {  	s0 =	sadd.s32 $0x17E00, s0;
	s13 =	smul.u32 $0x14000, s11;
	_ =	strace $0x8000004D  }
0x9: {  	s7 =	ssub.s32 $0x2, s3;
	s10 =	sshll.u32 s3, $0x4;
	s3 =	smul.u32 $0x140000, s3  }
0xa: {  	s9 =	sshrl.u32 s7, $0x1;
	s8 =	sshrl.u32 s8, $0x2;
	s20 =	sor.u32 s11, s10  }
0xb: {  	s15 =	sadd.s32 $0x4000, s13;
	s16 =	sadd.s32 $0x8000, s13;
	s19 =	sadd.s32 $0xC000, s13  }
0xc: {  	s14 =	ssub.s32 s7, s9;
	s7 =	sadd.s32 s8, s2;
	s8 =	smul.u32 $0x2800, s20  }
0xd: {  	s9 =	sadd.s32 s15, s2;
	s10 =	sadd.s32 s16, s2;
	s20 =	sadd.s32 $0x10000, s13  }
0xe: {  	s11 =	sadd.s32 s19, s2;
	s13 =	sadd.s32 s13, s3;
	s15 =	sadd.s32 s3, s15  }
0xf: {  	s24 =	sadd.s32 s3, s16;
	s25 =	sadd.s32 s3, s19;
	s12 =	sadd.s32 s20, s2  }
0x10: {  	s13 =	sshrl.u32 s13, $0x3;
	s23 =	sshrl.u32 s15, $0x3;
	s15 =	sshrl.u32 s25, $0x3  }
0x11: {  	s3 =	sadd.s32 s3, s20;
	s25 =	simm.s32 $0x6;
	s13 =	sadd.s32 s0, s13  }
0x12: {  	s17 =	sshrl.u32 s8, $0x3;
	s26 =	sadd.s32 s0, s15;
	[dreg:$0x8] =	wrdreg s13  }
0x13: {  	s3 =	sshrl.u32 s3, $0x3;
	s18 =	sadd.s32 s6, s17;
	[dreg:$0xb] =	wrdreg s26  }
0x14: {  	s21 =	sadd.s32 s5, s17;
	s17 =	sor.u32 $0x10, s17;
	[dreg:$0x4] =	wrdreg s18  }
0x15: {  	s13 =	sadd.s32 s0, s23;
	s23 =	simm.s32 $0x200;
	[dreg:$0x5] =	wrdreg s21  }
0x16: {  	s26 =	simm.s32 $0x1;
	s22 =	sadd.s32 s6, s17;
	[dreg:$0x9] =	wrdreg s13  }
.Ltmp0:
0x17: {  	s17 =	sadd.s32 s5, s17;
	[dreg:$0x6] =	wrdreg s22;
	(pc) =	sbr.rel .LBB2_1-.Ltmp0, $4  }
0x18: {  	s13 =	sshrl.u32 s24, $0x3;
	s24 =	simm.s32 $0x7;
	[dreg:$0x7] =	wrdreg s17  }
0x19: {  	s13 =	sadd.s32 s0, s13;
	s0 =	sadd.s32 s0, s3;
	s22 =	smax.u32 s14, $0x1  }
0x1a: {  	s3 =	simm.s32 $0x4;
	s14 =	simm.s32 $0x0;
	[dreg:$0xa] =	wrdreg s13  }
0x1b: {  	v0 =	vimm.f32 $0.0e+00;
	[dreg:$0xc] =	wrdreg s0;
	s0 =	simm.s32 $0x5;
	s13 =	simm.s32 $0x180  }
.LBB2_6:
0x1c: {  	[spmem:s2] =	stream.indirect.scatter.add.f32 [tilespmem:s30], [sflag:$0x7], $0x80, s13, s28, $0xb8;
	[tilespmem:$0x1C200] =	vst v63  }
0x1d: {  	_ =	swait.ge [sflag:s24], $0x4000  }
0x1e: {  	[sflag:s24] =	ssyncset.done $0x0  }
0x1f: {  	[sflag:s24] =	ssyncadd.s32 $0xFFFFC000  }
0x20: {  	[bflag:$0x0] =	sbarrier.arrive $0xFFFF  }
0x21: {  	[tilespmem:s23], [sflag:$0x7] =	stream.linear.gather [spmem:s7], $0x4000, $0x38;
	[tilespmem:$0x1C200] =	vst v63  }
0x22: {  	_ =	swait.ge [sflag:s24], $0x4000  }
0x23: {  	[sflag:s24] =	ssyncset.done $0x0  }
0x24: {  	s15 =	rddreg [dreg:$0x8];
	[sflag:s24] =	ssyncadd.s32 $0xFFFFC000  }
0x25: {  	[hbm4b:s15+s4] =	stream.linear.scatter [tilespmem:s23], [sflag:$0x7], $0x4000, $0x38;
	[tilespmem:$0x1C200] =	vst v63  }
0x26: {  	_ =	swait.ge [sflag:s24], $0x4000  }
0x27: {  	[sflag:s24] =	ssyncset.done $0x0  }
0x28: {  	[sflag:s24] =	ssyncadd.s32 $0xFFFFC000  }
0x29: {  	[tilespmem:s30], [sflag:$0x7] =	stream.linear.gather [spmem:s9], $0x4000, $0x38;
	[tilespmem:$0x1C200] =	vst v63  }
0x2a: {  	_ =	swait.ge [sflag:s24], $0x4000  }
0x2b: {  	[sflag:s24] =	ssyncset.done $0x0  }
0x2c: {  	s18 =	rddreg [dreg:$0x9];
	[sflag:s24] =	ssyncadd.s32 $0xFFFFC000  }
0x2d: {  	[hbm4b:s18+s4] =	stream.linear.scatter [tilespmem:s30], [sflag:$0x7], $0x4000, $0x38;
	[tilespmem:$0x1C200] =	vst v63  }
0x2e: {  	_ =	swait.ge [sflag:s24], $0x4000  }
0x2f: {  	[sflag:s24] =	ssyncset.done $0x0  }
0x30: {  	[sflag:s24] =	ssyncadd.s32 $0xFFFFC000  }
0x31: {  	[tilespmem:s23], [sflag:$0x7] =	stream.linear.gather [spmem:s10], $0x4000, $0x38;
	[tilespmem:$0x1C200] =	vst v63  }
0x32: {  	_ =	swait.ge [sflag:s24], $0x4000  }
0x33: {  	[sflag:s24] =	ssyncset.done $0x0  }
0x34: {  	s19 =	rddreg [dreg:$0xa];
	[sflag:s24] =	ssyncadd.s32 $0xFFFFC000  }
0x35: {  	[hbm4b:s19+s4] =	stream.linear.scatter [tilespmem:s23], [sflag:$0x7], $0x4000, $0x38;
	[tilespmem:$0x1C200] =	vst v63  }
0x36: {  	_ =	swait.ge [sflag:s24], $0x4000  }
0x37: {  	[sflag:s24] =	ssyncset.done $0x0  }
0x38: {  	[sflag:s24] =	ssyncadd.s32 $0xFFFFC000  }
0x39: {  	[tilespmem:s30], [sflag:$0x7] =	stream.linear.gather [spmem:s11], $0x4000, $0x38;
	[tilespmem:$0x1C200] =	vst v63  }
0x3a: {  	_ =	swait.ge [sflag:s24], $0x4000  }
0x3b: {  	[sflag:s24] =	ssyncset.done $0x0  }
0x3c: {  	s20 =	rddreg [dreg:$0xb];
	[sflag:s24] =	ssyncadd.s32 $0xFFFFC000  }
0x3d: {  	[hbm4b:s20+s4] =	stream.linear.scatter [tilespmem:s30], [sflag:$0x7], $0x4000, $0x38;
	[tilespmem:$0x1C200] =	vst v63  }
0x3e: {  	_ =	swait.ge [sflag:s24], $0x4000  }
0x3f: {  	[sflag:s24] =	ssyncset.done $0x0  }
0x40: {  	[sflag:s24] =	ssyncadd.s32 $0xFFFFC000  }
0x41: {  	[tilespmem:s23], [sflag:$0x7] =	stream.linear.gather [spmem:s12], $0x4000, $0x38;
	[tilespmem:$0x1C200] =	vst v63  }
0x42: {  	s14 =	sadd.s32 $0x1, s14;
	_ =	swait.ge [sflag:s24], $0x4000  }
0x43: {  	p0 =	sne.s32 s14, s22;
	[sflag:s24] =	ssyncset.done $0x0  }
.Ltmp1:
0x44: {  	s21 =	rddreg [dreg:$0xc];
	[sflag:s24] =	ssyncadd.s32 $0xFFFFC000;
	(pc) =	sbr.rel @!p0 .LBB2_7-.Ltmp1, $4  }
0x45: {  	[hbm4b:s21+s4] =	stream.linear.scatter [tilespmem:s23], [sflag:$0x7], $0x4000, $0x38;
	[tilespmem:$0x1C200] =	vst v63  }
0x46: {  	_ =	swait.ge [sflag:s24], $0x4000  }
0x47: {  	[sflag:s24] =	ssyncset.done $0x0  }
0x48: {  	[sflag:s24] =	ssyncadd.s32 $0xFFFFC000  }
.LBB2_1:
0x49: {  	s15 =	simm.s32 $0x0;
	s16 =	simm.s32 $0x200  }
.LBB2_2:
0x4a: {  	p0 =	sne.s32 s16, $0xFE00;
	[tilespmem:s15+$0x270] =	vst v0  }
0x4b: {  	[tilespmem:s15+$0x200] =	vst v0  }
0x4c: {  	[tilespmem:s15+$0x210] =	vst v0  }
.Ltmp2:
0x4d: {  	[tilespmem:s15+$0x220] =	vst v0;
	(pc) =	sbr.rel @p0 .LBB2_2-.Ltmp2, $4  }
0x4e: {  	[tilespmem:s15+$0x230] =	vst v0  }
0x4f: {  	[tilespmem:s15+$0x240] =	vst v0  }
0x50: {  	[tilespmem:s15+$0x250] =	vst v0  }
0x51: {  	[tilespmem:s15+$0x260] =	vst v0;
	s15 =	sshra.s32 s16, $0x2;
	s16 =	sadd.s32 $0x200, s16  }
0x52: {  	[tilespmem:s15+$0x270] =	vst v0  }
0x53: {  	[tilespmem:s15+$0x200] =	vst v0  }
0x54: {  	[tilespmem:s15+$0x210] =	vst v0  }
0x55: {  	[tilespmem:s15+$0x220] =	vst v0  }
0x56: {  	[tilespmem:s15+$0x230] =	vst v0  }
0x57: {  	[tilespmem:s15+$0x240] =	vst v0  }
0x58: {  	[tilespmem:s15+$0x250] =	vst v0  }
0x59: {  	[tilespmem:s15+$0x260] =	vst v0  }
0x5a: {  	[spmem:s7] =	stream.linear.scatter [tilespmem:s23], [sflag:$0x7], $0x4000, $0x38;
	[tilespmem:$0x1C200] =	vst v63  }
0x5b: {  	_ =	swait.ge [sflag:s24], $0x4000  }
0x5c: {  	[sflag:s24] =	ssyncset.done $0x0  }
0x5d: {  	[sflag:s24] =	ssyncadd.s32 $0xFFFFC000  }
0x5e: {  	[spmem:s9] =	stream.linear.scatter [tilespmem:s23], [sflag:$0x7], $0x4000, $0x38;
	[tilespmem:$0x1C200] =	vst v63  }
0x5f: {  	_ =	swait.ge [sflag:s24], $0x4000  }
0x60: {  	[sflag:s24] =	ssyncset.done $0x0  }
0x61: {  	[sflag:s24] =	ssyncadd.s32 $0xFFFFC000  }
0x62: {  	[spmem:s10] =	stream.linear.scatter [tilespmem:s23], [sflag:$0x7], $0x4000, $0x38;
	[tilespmem:$0x1C200] =	vst v63  }
0x63: {  	_ =	swait.ge [sflag:s24], $0x4000  }
0x64: {  	[sflag:s24] =	ssyncset.done $0x0  }
0x65: {  	[sflag:s24] =	ssyncadd.s32 $0xFFFFC000  }
0x66: {  	[spmem:s11] =	stream.linear.scatter [tilespmem:s23], [sflag:$0x7], $0x4000, $0x38;
	[tilespmem:$0x1C200] =	vst v63  }
0x67: {  	_ =	swait.ge [sflag:s24], $0x4000  }
0x68: {  	[sflag:s24] =	ssyncset.done $0x0  }
0x69: {  	[sflag:s24] =	ssyncadd.s32 $0xFFFFC000  }
0x6a: {  	[spmem:s12] =	stream.linear.scatter [tilespmem:s23], [sflag:$0x7], $0x4000, $0x38;
	[tilespmem:$0x1C200] =	vst v63  }
0x6b: {  	_ =	swait.ge [sflag:s24], $0x4000  }
0x6c: {  	[sflag:s24] =	ssyncset.done $0x0  }
0x6d: {  	[sflag:s24] =	ssyncadd.s32 $0xFFFFC000  }
0x6e: {  	[bflag:$0x0] =	sbarrier.arrive $0xFFFF  }
0x6f: {  	s16 =	simm.s32 $0x100;
	s18 =	rddreg [dreg:$0x4]  }
0x70: {  	[tilespmem:s16], [sflag:$0x3] =	stream.linear.gather [hbm4b:s18+s4], $0x80, $0x38;
	[tilespmem:$0x1C200] =	vst v63  }
0x71: {  	s19 =	rddreg [dreg:$0x5]  }
0x72: {  	[tilespmem:s4], [sflag:$0x1] =	stream.linear.gather [hbm4b:s19+s4], $0x80, $0x38;
	[tilespmem:$0x1C200] =	vst v63  }
0x73: {  	_ =	swait.ge [sflag:s26], $0x80  }
0x74: {  	[sflag:s26] =	ssyncset.done $0x0  }
0x75: {  	[sflag:s26] =	ssyncadd.s32 $0xFFFFFF80  }
0x76: {  	[tilespmem:s23], [sflag:$0x5] =	stream.indirect.gather [hbm4b:s1+s28], $0x80, s4, s28, $0xb8;
	[tilespmem:$0x1C200] =	vst v63  }
0x77: {  	s15 =	simm.s32 $0x180;
	s20 =	rddreg [dreg:$0x6]  }
0x78: {  	[tilespmem:s15], [sflag:$0x4] =	stream.linear.gather [hbm4b:s20+s4], $0x80, $0x38;
	[tilespmem:$0x1C200] =	vst v63  }
0x79: {  	s21 =	rddreg [dreg:$0x7]  }
0x7a: {  	[tilespmem:s28], [sflag:$0x2] =	stream.linear.gather [hbm4b:s21+s4], $0x80, $0x38;
	[tilespmem:$0x1C200] =	vst v63  }
0x7b: {  	_ =	swait.ge [sflag:s29], $0x80  }
0x7c: {  	[sflag:s29] =	ssyncset.done $0x0  }
0x7d: {  	[sflag:s29] =	ssyncadd.s32 $0xFFFFFF80  }
0x7e: {  	[tilespmem:s30], [sflag:$0x6] =	stream.indirect.gather [hbm4b:s1+s28], $0x80, s28, s28, $0xb8;
	[tilespmem:$0x1C200] =	vst v63  }
.LBB2_4:
0x7f: {  	_ =	swait.ge [sflag:s31], $0x80  }
0x80: {  	[sflag:s31] =	ssyncset.done $0x0  }
0x81: {  	[sflag:s31] =	ssyncadd.s32 $0xFFFFFF80  }
0x82: {  	p0 =	seq.s32 s15, $0x2880;
	_ =	swait.ge [sflag:s0], $0x4000  }
0x83: {  	s16 =	simm.s32 @p0 $0x80;
	[sflag:s0] =	ssyncset.done $0x0  }
0x84: {  	s17 =	simm.s32 @p0 $0x100;
	s18 =	simm.s32 @p0 $0x200;
	[sflag:s0] =	ssyncadd.s32 $0xFFFFC000  }
0x85: {  	[spmem:s2] =	stream.indirect.scatter.add.f32 @p0 [tilespmem:s18], [sflag:$0x7], $0x80, s17, s16, $0xb8;
	[tilespmem:$0x1C200] =	vst v63  }
0x86: {  	s16 =	sadd.s32 @!p0 $0xFFFFFF80, s15  }
0x87: {  	s17 =	sand.u32 @!p0 $0x7C00, s16  }
0x88: {  	s18 =	simm.s32 @p0 $0x7;
	s16 =	sand.u32 @!p0 $0x300, s16;
	s17 =	sadd.s32 @!p0 s8, s17  }
0x89: {  	_ =	swait.ge @p0 [sflag:s18], $0x4000;
	s16 =	sor.u32 @!p0 s16, s17  }
0x8a: {  	s19 =	simm.s32 @!p0 $0x100;
	[sflag:s18] =	ssyncset.done @p0 $0x0;
	s16 =	sshrl.u32 @!p0 s16, $0x3  }
0x8b: {  	[sflag:s18] =	ssyncadd.s32 @p0 $0xFFFFC000;
	s18 =	simm.s32 @!p0 $0x0;
	s17 =	sadd.s32 @!p0 s5, s16  }
0x8c: {  	[tilespmem:s18], [sflag:$0x1] =	stream.linear.gather @!p0 [hbm4b:s17+s18], $0x80, $0x38;
	[tilespmem:$0x1C200] =	vst v63  }
0x8d: {  	s20 =	simm.s32 @!p0 $0x200;
	s21 =	simm.s32 @!p0 $0x7;
	s17 =	simm.s32 @!p0 $0x80  }
0x8e: {  	[spmem:s2] =	stream.indirect.scatter.add.f32 @!p0 [tilespmem:s20], [sflag:$0x7], $0x80, s19, s17, $0xb8;
	[tilespmem:$0x1C200] =	vst v63  }
0x8f: {  	_ =	swait.ge @!p0 [sflag:s21], $0x4000  }
0x90: {  	[sflag:s21] =	ssyncset.done @!p0 $0x0  }
0x91: {  	[sflag:s21] =	ssyncadd.s32 @!p0 $0xFFFFC000;
	s21 =	simm.s32 @!p0 $0x1  }
0x92: {  	_ =	swait.ge @!p0 [sflag:s21], $0x80  }
0x93: {  	[sflag:s21] =	ssyncset.done @!p0 $0x0  }
0x94: {  	[sflag:s21] =	ssyncadd.s32 @!p0 $0xFFFFFF80  }
0x95: {  	[tilespmem:s20], [sflag:$0x5] =	stream.indirect.gather @!p0 [hbm4b:s1+s17], $0x80, s18, s17, $0xb8;
	[tilespmem:$0x1C200] =	vst v63  }
0x96: {  	s16 =	sadd.s32 @!p0 s6, s16  }
0x97: {  	[tilespmem:s19], [sflag:$0x3] =	stream.linear.gather @!p0 [hbm4b:s16+s18], $0x80, $0x38;
	[tilespmem:$0x1C200] =	vst v63  }
0x98: {  	_ =	swait.ge [sflag:s3], $0x80  }
.Ltmp3:
0x99: {  	[sflag:s3] =	ssyncset.done $0x0;
	(pc) =	sbr.rel @p0 .LBB2_6-.Ltmp3, $4  }
0x9a: {  	[sflag:s3] =	ssyncadd.s32 $0xFFFFFF80  }
0x9b: {  	_ =	swait.ge [sflag:s25], $0x4000  }
0x9c: {  	[sflag:s25] =	ssyncset.done $0x0  }
0x9d: {  	[sflag:s25] =	ssyncadd.s32 $0xFFFFC000  }
0x9e: {  	s16 =	sand.u32 $0x7C00, s15  }
0x9f: {  	s17 =	sand.u32 $0x380, s15;
	s16 =	sadd.s32 s8, s16  }
0xa0: {  	s16 =	sor.u32 s17, s16  }
0xa1: {  	s16 =	sshrl.u32 s16, $0x3  }
0xa2: {  	s21 =	sadd.s32 s5, s16  }
0xa3: {  	[tilespmem:s28], [sflag:$0x2] =	stream.linear.gather [hbm4b:s21+s4], $0x80, $0x38;
	[tilespmem:$0x1C200] =	vst v63  }
0xa4: {  	_ = 	snop  }
0xa5: {  	[spmem:s2] =	stream.indirect.scatter.add.f32 [tilespmem:s30], [sflag:$0x7], $0x80, s13, s28, $0xb8;
	[tilespmem:$0x1C200] =	vst v63  }
0xa6: {  	_ =	swait.ge [sflag:s24], $0x4000  }
0xa7: {  	[sflag:s24] =	ssyncset.done $0x0  }
0xa8: {  	[sflag:s24] =	ssyncadd.s32 $0xFFFFC000  }
0xa9: {  	_ =	swait.ge [sflag:s29], $0x80  }
.Ltmp4:
0xaa: {  	[sflag:s29] =	ssyncset.done $0x0;
	(pc) =	sbr.rel .LBB2_4-.Ltmp4, $4  }
0xab: {  	[sflag:s29] =	ssyncadd.s32 $0xFFFFFF80  }
0xac: {  	[tilespmem:s30], [sflag:$0x6] =	stream.indirect.gather [hbm4b:s1+s28], $0x80, s28, s28, $0xb8;
	[tilespmem:$0x1C200] =	vst v63  }
0xad: {  	s15 =	sadd.s32 $0x100, s15;
	s16 =	sadd.s32 s6, s16  }
0xae: {  	[tilespmem:s13], [sflag:$0x4] =	stream.linear.gather [hbm4b:s16+s4], $0x80, $0x38;
	[tilespmem:$0x1C200] =	vst v63  }
.LBB2_7:
0xaf: {  	_ =	sfence.sel $0x180000  }
0xb0: {  	[bflag:$0x0] =	sbarrier.arrive $0xFFFF  }
0xb1: {  	_ =	strace $0x9000004D  }
0xb2: {  	s0 =	stileid.u32;
	[bflag:$0x2] =	sbarrier.arrive $0xFFFF  }
0xb3: {  	p0 =	sne.s32 s0, $0x0;
	s0 =	rddreg [dreg:$0x3]  }
0xb4: {  	s0 =	sadd.s32 @!p0 $0x100000, s0  }
0xb5: {  	[sflag:s0] =	ssyncadd.tile.s32 @!p0 $0x1;
	_ =	shalt  }
.Lfunc_end2:
_tile_overlayer_lowered:
.L_overlay_start_2:
0xb6: {  	(tag) =	ssettag $0x2  }
0xb7: {  	s0 =	rddreg [dreg:$0x0];
	s2 =	stileid.u32  }
0xb8: {  	s1 =	rddreg [dreg:$0x1];
	p0 =	sne.s32 s2, $0x0  }
0xb9: {  	s3 =	rddreg [dreg:$0x2];
	[bflag:$0x3] =	sbarrier.arrive $0xFFFF;
	s2 =	simm.s32 @!p0 $0x1C07  }
0xba: {  	[timem:s3], [sflag:s2] =	dma.local @!p0 [hbm:s0], s1  }
0xbb: {  	s0 =	simm.s32 @!p0 $0x7  }
0xbc: {  	_ =	swait.ge @!p0 [sflag:s0], s1  }
0xbd: {  	s1 =	ssub.s32 @!p0 $0x0, s1;
	[sflag:s0] =	ssyncset.done @!p0 $0x0  }
0xbe: {  	[sflag:s0] =	ssyncadd.s32 @!p0 s1  }
0xbf: {  	[bflag:$0x3] =	sbarrier.arrive $0xFFFF  }
0xc0: {  	_ =	shalt  }

</sc_bundles>
